<compile_context>
chip_gen: v7x
topology: tpu7x:2x2x1
jax: 0.10.2.dev20260603
libtpu: 0.0.44.dev20260713+nightly
codegen_flags: <defaults>
</compile_context>

<pallas_src>
import functools

import jax
import jax.numpy as jnp
from jax import lax
from jax.experimental import pallas as pl
from jax.experimental.pallas import tpu as pltpu
from jax.experimental.pallas import tpu_sc as plsc

_NUM_SYM = 14
_FFT = 4096
_N = 2
_TIN = 384
_TOUT = 448
_TS = 32

_NC = 2
_NS = 16
_NW = _NC * _NS

_CH = 64
_NBUF = 6

_OMAP = (0, 96, 160, 224, 288, 384)


def _sc_body(x_hbm, p_hbm, o_hbm, row0_v, row1_v, bufs, sems):
    wid = lax.axis_index("s") * _NC + lax.axis_index("c")
    pltpu.sync_copy(p_hbm.at[0:_TS], row0_v.at[:, 0:128])
    pltpu.sync_copy(p_hbm.at[0:_TS], row0_v.at[:, 128:256])
    pltpu.sync_copy(p_hbm.at[_TS:2 * _TS], row1_v.at[:, 0:128])
    pltpu.sync_copy(p_hbm.at[_TS:2 * _TS], row1_v.at[:, 128:256])

    rows_per_w = x_hbm.shape[0] // _NW
    chunks = []
    for r in range(rows_per_w):
        b = wid * rows_per_w + r
        for k in range(_TIN // _CH):
            chunks.append((b, k * _CH, _OMAP[k]))

    lookahead = 3
    pending_w = [None] * _NBUF
    pending_r = [None] * len(chunks)
    pilot_w = []

    def _writeback(c):
        s = c % _NBUF
        b, _, o0 = chunks[c]
        pending_r[c].wait()
        pending_w[s] = pltpu.async_copy(
            bufs[s], o_hbm.at[b, o0:o0 + _CH], sems.at[_NBUF + s])

    for c, (b, i0, o0) in enumerate(chunks):
        s = c % _NBUF
        if pending_w[s] is not None:
            pending_w[s].wait()
        pending_r[c] = pltpu.async_copy(
            x_hbm.at[b, i0:i0 + _CH], bufs[s], sems.at[s])
        if i0 == 0:
            if pilot_w:
                for h in pilot_w:
                    h.wait()
                pilot_w = []
            pilot_w.append(pltpu.async_copy(
                row0_v, o_hbm.at[b, 64:96], sems.at[2 * _NBUF]))
            pilot_w.append(pltpu.async_copy(
                row1_v, o_hbm.at[b, 352:384], sems.at[2 * _NBUF + 1]))
        if c >= lookahead:
            _writeback(c - lookahead)
    for c in range(len(chunks) - lookahead, len(chunks)):
        _writeback(c)
    for h in pending_w:
        if h is not None:
            h.wait()
    for h in pilot_w:
        h.wait()


def kernel(inputs, pilots):
    b = inputs.shape[0]
    x = inputs.reshape(b, _TIN, 128, _N).transpose(0, 1, 3, 2).reshape(b, _TIN, _N * 128)
    p = pilots.reshape(64, 128)
    mesh = plsc.VectorSubcoreMesh(core_axis_name="c", subcore_axis_name="s")

    def body(x_hbm, p_hbm, o_hbm, row0_v, row1_v, b0, b1, b2, b3, b4, b5, sems):
        _sc_body(x_hbm, p_hbm, o_hbm, row0_v, row1_v,
                 (b0, b1, b2, b3, b4, b5), sems)

    run = functools.partial(
        pl.kernel,
        mesh=mesh,
        out_type=jax.ShapeDtypeStruct((b, _TOUT, _N * 128), inputs.dtype),
        scratch_types=[
            pltpu.VMEM((_TS, 256), jnp.float32),
            pltpu.VMEM((_TS, 256), jnp.float32),
        ] + [pltpu.VMEM((_CH, 256), jnp.float32)] * _NBUF + [
            pltpu.SemaphoreType.DMA((2 * _NBUF + 2,)),
        ],
    )(body)
    out = run(x, p)
    return (out.reshape(b, _TOUT, _N, 128)
               .transpose(0, 1, 3, 2)
               .reshape(b, 1, 1, _NUM_SYM, _FFT, _N))

# --- scband reference (transcript-rebuilt; emitter-appended) ---
"""Pipeline reference for scband-resource-grid-mapper-317827580204 (READ-ONLY COPY).

The authoritative reference and input builder live on the scoring server;
editing this copy changes nothing except your own understanding.
"""

import jax, jax.numpy as jnp
import numpy as np

NUM_TX = 1
NUM_ST = 1
NUM_SYM = 14
FFT = 4096
PILOT_SYMS = (2, 11)
N = 2
BATCH = 128

_rg_type = np.zeros((NUM_TX, NUM_ST, NUM_SYM, FFT), dtype=np.int64)
_rg_type[:, :, list(PILOT_SYMS), :] = 1
PILOT_IND = tuple(jnp.asarray(a) for a in np.where(_rg_type == 1))
DATA_IND = tuple(jnp.asarray(a) for a in np.where(_rg_type == 0))
NUM_PILOTS = int(PILOT_IND[0].shape[0])
NUM_DATA = int(DATA_IND[0].shape[0])


def setup_inputs(seed: int = 0) -> dict:
    key = jax.random.key(seed)
    k1, k2 = jax.random.split(key)
    inputs = jax.random.normal(k1, (BATCH, NUM_DATA, N), dtype=jnp.float32)
    pilots = jax.random.normal(k2, (NUM_PILOTS,), dtype=jnp.float32)
    return {"inputs": inputs, "pilots": pilots}


def reference(inputs, pilots):
    # Build the template grid and scatter-overwrite pilots at pilot positions
    template = jnp.zeros((NUM_TX, NUM_ST, NUM_SYM, FFT), dtype=inputs.dtype)
    template = template.at[PILOT_IND].set(pilots)
    b = inputs.shape[0]
    re = inputs.shape[1]
    n = inputs.shape[2]
    assert re == NUM_DATA, 'Mismatch between number of data symbols in the ResourceGrid and the provided data.'
    x = inputs.reshape(b, NUM_TX, NUM_ST, NUM_DATA // (NUM_TX * NUM_ST) * (NUM_TX * NUM_ST) // (NUM_TX * NUM_ST), n)
    # tile template across the batch (and trailing symbol dim n)
    rg = jnp.tile(template[None, ..., None], (b, 1, 1, 1, 1, n))
    # scatter-overwrite the modulated data symbols at the data resource-element positions
    rg = rg.at[:, DATA_IND[0], DATA_IND[1], DATA_IND[2], DATA_IND[3], :].set(x.reshape(b, NUM_DATA, n))
    return rg

if __name__ == "__main__":
    import jax
    _d = setup_inputs()
    print(jax.jit(kernel)(*tuple(_d.values())))

</pallas_src>

<mosaic_0001>
#map = affine_map<(d0, d1) -> (0, 0, 0)>
#map1 = affine_map<(d0, d1) -> (0, 0)>
module attributes {stable_mosaic.version = 14 : i64} {
  func.func @body(%arg0: i32, %arg1: i32, %arg2: memref<128x384x256xf32, #tpu.memory_space<hbm>>, %arg3: memref<64x128xf32, #tpu.memory_space<hbm>>, %arg4: memref<128x448x256xf32, #tpu.memory_space<hbm>>, %arg5: memref<32x256xf32, #tpu.memory_space<vmem>>, %arg6: memref<32x256xf32, #tpu.memory_space<vmem>>, %arg7: memref<64x256xf32, #tpu.memory_space<vmem>>, %arg8: memref<64x256xf32, #tpu.memory_space<vmem>>, %arg9: memref<64x256xf32, #tpu.memory_space<vmem>>, %arg10: memref<64x256xf32, #tpu.memory_space<vmem>>, %arg11: memref<64x256xf32, #tpu.memory_space<vmem>>, %arg12: memref<64x256xf32, #tpu.memory_space<vmem>>, %arg13: memref<14x!tpu.dma_semaphore, #tpu.memory_space<semaphore_mem>>) attributes {dimension_semantics = [#tpu.dimension_semantics<core_parallel>, #tpu.dimension_semantics<subcore_parallel>], iteration_bounds = array<i64: 2, 16>, scalar_prefetch = 0 : i64, scratch_operands = 9 : i64, tpu.core_type = #tpu.core_type<sc_vector_subcore>, window_params = [{transform_indices = #map}, {transform_indices = #map1}, {transform_indices = #map}]} {
    %mul3A = arith.constant 2 : i32
    %mul3A_0 = arith.muli %arg1, %mul3A : i32
    %add3A = arith.addi %mul3A_0, %arg0 : i32
    "tpu.region"() ({
      %run_scoped3A = tpu.sem_alloc : memref<!tpu.dma_semaphore, #tpu.memory_space<semaphore_mem>>
      %dma_start3A_1247 = arith.constant 0 : i32
      %dma_start3A_1248 = arith.constant 0 : i32
      %dma_start3A_1249 = tpu.memref_slice %arg5[%dma_start3A_1247, %dma_start3A_1248] : memref<32x256xf32, #tpu.memory_space<vmem>> -> memref<32x128xf32, #tpu.memory_space<vmem>>
      %dma_start3A_1250 = arith.constant 0 : i32
      %dma_start3A_1251 = arith.constant 0 : i32
      %dma_start3A_1252 = tpu.memref_slice %arg3[%dma_start3A_1250, %dma_start3A_1251] : memref<64x128xf32, #tpu.memory_space<hbm>> -> memref<32x128xf32, #tpu.memory_space<hbm>>
      %dma_start3A_1253 = arith.constant 0 : i32
      %dma_start3A_1254 = arith.constant 0 : i32
      %dma_start3A_1255 = tpu.memref_slice %arg5[%dma_start3A_1253, %dma_start3A_1254] : memref<32x256xf32, #tpu.memory_space<vmem>> -> memref<32x128xf32, #tpu.memory_space<vmem>>
      %dma_start3A_1256 = arith.constant 0 : i32
      %dma_start3A_1257 = arith.constant 0 : i32
      %dma_start3A_1258 = tpu.memref_slice %arg3[%dma_start3A_1256, %dma_start3A_1257] : memref<64x128xf32, #tpu.memory_space<hbm>> -> memref<32x128xf32, #tpu.memory_space<hbm>>
      tpu.enqueue_dma source(%dma_start3A_1258 : memref<32x128xf32, #tpu.memory_space<hbm>>) target(%dma_start3A_1255 : memref<32x128xf32, #tpu.memory_space<vmem>>) target_semaphore(%run_scoped3A : memref<!tpu.dma_semaphore, #tpu.memory_space<semaphore_mem>>)
      %dma_wait3A_1259 = arith.constant 0 : i32
      %dma_wait3A_1260 = arith.constant 0 : i32
      %dma_wait3A_1261 = tpu.memref_slice %arg5[%dma_wait3A_1259, %dma_wait3A_1260] : memref<32x256xf32, #tpu.memory_space<vmem>> -> memref<32x128xf32, #tpu.memory_space<vmem>>
      %dma_wait3A_1262 = arith.constant 0 : i32
      %dma_wait3A_1263 = arith.constant 0 : i32
      %dma_wait3A_1264 = tpu.memref_slice %arg3[%dma_wait3A_1262, %dma_wait3A_1263] : memref<64x128xf32, #tpu.memory_space<hbm>> -> memref<32x128xf32, #tpu.memory_space<hbm>>
      %dma_wait3A_1265 = arith.constant 0 : i32
      %dma_wait3A_1266 = arith.constant 0 : i32
      %dma_wait3A_1267 = tpu.memref_slice %arg5[%dma_wait3A_1265, %dma_wait3A_1266] : memref<32x256xf32, #tpu.memory_space<vmem>> -> memref<32x128xf32, #tpu.memory_space<vmem>>
      %dma_wait3A_1268 = arith.constant 0 : i32
      %dma_wait3A_1269 = arith.constant 0 : i32
      %dma_wait3A_1270 = tpu.memref_slice %arg3[%dma_wait3A_1268, %dma_wait3A_1269] : memref<64x128xf32, #tpu.memory_space<hbm>> -> memref<32x128xf32, #tpu.memory_space<hbm>>
      tpu.wait_dma2 semaphore(%run_scoped3A : memref<!tpu.dma_semaphore, #tpu.memory_space<semaphore_mem>>) src(%dma_wait3A_1270 : memref<32x128xf32, #tpu.memory_space<hbm>>) dst(%dma_wait3A_1267 : memref<32x128xf32, #tpu.memory_space<vmem>>)
      tpu.yield
    }) : () -> ()
    "tpu.region"() ({
      %run_scoped3A = tpu.sem_alloc : memref<!tpu.dma_semaphore, #tpu.memory_space<semaphore_mem>>
      %dma_start3A_1247 = arith.constant 0 : i32
      %dma_start3A_1248 = arith.constant 128 : i32
      %dma_start3A_1249 = tpu.memref_slice %arg5[%dma_start3A_1247, %dma_start3A_1248] : memref<32x256xf32, #tpu.memory_space<vmem>> -> memref<32x128xf32, #tpu.memory_space<vmem>>
      %dma_start3A_1250 = arith.constant 0 : i32
      %dma_start3A_1251 = arith.constant 0 : i32
      %dma_start3A_1252 = tpu.memref_slice %arg3[%dma_start3A_1250, %dma_start3A_1251] : memref<64x128xf32, #tpu.memory_space<hbm>> -> memref<32x128xf32, #tpu.memory_space<hbm>>
      %dma_start3A_1253 = arith.constant 0 : i32
      %dma_start3A_1254 = arith.constant 128 : i32
      %dma_start3A_1255 = tpu.memref_slice %arg5[%dma_start3A_1253, %dma_start3A_1254] : memref<32x256xf32, #tpu.memory_space<vmem>> -> memref<32x128xf32, #tpu.memory_space<vmem>>
      %dma_start3A_1256 = arith.constant 0 : i32
      %dma_start3A_1257 = arith.constant 0 : i32
      %dma_start3A_1258 = tpu.memref_slice %arg3[%dma_start3A_1256, %dma_start3A_1257] : memref<64x128xf32, #tpu.memory_space<hbm>> -> memref<32x128xf32, #tpu.memory_space<hbm>>
      tpu.enqueue_dma source(%dma_start3A_1258 : memref<32x128xf32, #tpu.memory_space<hbm>>) target(%dma_start3A_1255 : memref<32x128xf32, #tpu.memory_space<vmem>>) target_semaphore(%run_scoped3A : memref<!tpu.dma_semaphore, #tpu.memory_space<semaphore_mem>>)
      %dma_wait3A_1259 = arith.constant 0 : i32
      %dma_wait3A_1260 = arith.constant 128 : i32
      %dma_wait3A_1261 = tpu.memref_slice %arg5[%dma_wait3A_1259, %dma_wait3A_1260] : memref<32x256xf32, #tpu.memory_space<vmem>> -> memref<32x128xf32, #tpu.memory_space<vmem>>
      %dma_wait3A_1262 = arith.constant 0 : i32
      %dma_wait3A_1263 = arith.constant 0 : i32
      %dma_wait3A_1264 = tpu.memref_slice %arg3[%dma_wait3A_1262, %dma_wait3A_1263] : memref<64x128xf32, #tpu.memory_space<hbm>> -> memref<32x128xf32, #tpu.memory_space<hbm>>
      %dma_wait3A_1265 = arith.constant 0 : i32
      %dma_wait3A_1266 = arith.constant 128 : i32
      %dma_wait3A_1267 = tpu.memref_slice %arg5[%dma_wait3A_1265, %dma_wait3A_1266] : memref<32x256xf32, #tpu.memory_space<vmem>> -> memref<32x128xf32, #tpu.memory_space<vmem>>
      %dma_wait3A_1268 = arith.constant 0 : i32
      %dma_wait3A_1269 = arith.constant 0 : i32
      %dma_wait3A_1270 = tpu.memref_slice %arg3[%dma_wait3A_1268, %dma_wait3A_1269] : memref<64x128xf32, #tpu.memory_space<hbm>> -> memref<32x128xf32, #tpu.memory_space<hbm>>
      tpu.wait_dma2 semaphore(%run_scoped3A : memref<!tpu.dma_semaphore, #tpu.memory_space<semaphore_mem>>) src(%dma_wait3A_1270 : memref<32x128xf32, #tpu.memory_space<hbm>>) dst(%dma_wait3A_1267 : memref<32x128xf32, #tpu.memory_space<vmem>>)
      tpu.yield
    }) : () -> ()
    "tpu.region"() ({
      %run_scoped3A = tpu.sem_alloc : memref<!tpu.dma_semaphore, #tpu.memory_space<semaphore_mem>>
      %dma_start3A_1247 = arith.constant 0 : i32
      %dma_start3A_1248 = arith.constant 0 : i32
      %dma_start3A_1249 = tpu.memref_slice %arg6[%dma_start3A_1247, %dma_start3A_1248] : memref<32x256xf32, #tpu.memory_space<vmem>> -> memref<32x128xf32, #tpu.memory_space<vmem>>
      %dma_start3A_1250 = arith.constant 32 : i32
      %dma_start3A_1251 = arith.constant 0 : i32
      %dma_start3A_1252 = tpu.memref_slice %arg3[%dma_start3A_1250, %dma_start3A_1251] : memref<64x128xf32, #tpu.memory_space<hbm>> -> memref<32x128xf32, #tpu.memory_space<hbm>>
      %dma_start3A_1253 = arith.constant 0 : i32
      %dma_start3A_1254 = arith.constant 0 : i32
      %dma_start3A_1255 = tpu.memref_slice %arg6[%dma_start3A_1253, %dma_start3A_1254] : memref<32x256xf32, #tpu.memory_space<vmem>> -> memref<32x128xf32, #tpu.memory_space<vmem>>
      %dma_start3A_1256 = arith.constant 32 : i32
      %dma_start3A_1257 = arith.constant 0 : i32
      %dma_start3A_1258 = tpu.memref_slice %arg3[%dma_start3A_1256, %dma_start3A_1257] : memref<64x128xf32, #tpu.memory_space<hbm>> -> memref<32x128xf32, #tpu.memory_space<hbm>>
      tpu.enqueue_dma source(%dma_start3A_1258 : memref<32x128xf32, #tpu.memory_space<hbm>>) target(%dma_start3A_1255 : memref<32x128xf32, #tpu.memory_space<vmem>>) target_semaphore(%run_scoped3A : memref<!tpu.dma_semaphore, #tpu.memory_space<semaphore_mem>>)
      %dma_wait3A_1259 = arith.constant 0 : i32
      %dma_wait3A_1260 = arith.constant 0 : i32
      %dma_wait3A_1261 = tpu.memref_slice %arg6[%dma_wait3A_1259, %dma_wait3A_1260] : memref<32x256xf32, #tpu.memory_space<vmem>> -> memref<32x128xf32, #tpu.memory_space<vmem>>
      %dma_wait3A_1262 = arith.constant 32 : i32
      %dma_wait3A_1263 = arith.constant 0 : i32
      %dma_wait3A_1264 = tpu.memref_slice %arg3[%dma_wait3A_1262, %dma_wait3A_1263] : memref<64x128xf32, #tpu.memory_space<hbm>> -> memref<32x128xf32, #tpu.memory_space<hbm>>
      %dma_wait3A_1265 = arith.constant 0 : i32
      %dma_wait3A_1266 = arith.constant 0 : i32
      %dma_wait3A_1267 = tpu.memref_slice %arg6[%dma_wait3A_1265, %dma_wait3A_1266] : memref<32x256xf32, #tpu.memory_space<vmem>> -> memref<32x128xf32, #tpu.memory_space<vmem>>
      %dma_wait3A_1268 = arith.constant 32 : i32
      %dma_wait3A_1269 = arith.constant 0 : i32
      %dma_wait3A_1270 = tpu.memref_slice %arg3[%dma_wait3A_1268, %dma_wait3A_1269] : memref<64x128xf32, #tpu.memory_space<hbm>> -> memref<32x128xf32, #tpu.memory_space<hbm>>
      tpu.wait_dma2 semaphore(%run_scoped3A : memref<!tpu.dma_semaphore, #tpu.memory_space<semaphore_mem>>) src(%dma_wait3A_1270 : memref<32x128xf32, #tpu.memory_space<hbm>>) dst(%dma_wait3A_1267 : memref<32x128xf32, #tpu.memory_space<vmem>>)
      tpu.yield
    }) : () -> ()
    "tpu.region"() ({
      %run_scoped3A = tpu.sem_alloc : memref<!tpu.dma_semaphore, #tpu.memory_space<semaphore_mem>>
      %dma_start3A_1247 = arith.constant 0 : i32
      %dma_start3A_1248 = arith.constant 128 : i32
      %dma_start3A_1249 = tpu.memref_slice %arg6[%dma_start3A_1247, %dma_start3A_1248] : memref<32x256xf32, #tpu.memory_space<vmem>> -> memref<32x128xf32, #tpu.memory_space<vmem>>
      %dma_start3A_1250 = arith.constant 32 : i32
      %dma_start3A_1251 = arith.constant 0 : i32
      %dma_start3A_1252 = tpu.memref_slice %arg3[%dma_start3A_1250, %dma_start3A_1251] : memref<64x128xf32, #tpu.memory_space<hbm>> -> memref<32x128xf32, #tpu.memory_space<hbm>>
      %dma_start3A_1253 = arith.constant 0 : i32
      %dma_start3A_1254 = arith.constant 128 : i32
      %dma_start3A_1255 = tpu.memref_slice %arg6[%dma_start3A_1253, %dma_start3A_1254] : memref<32x256xf32, #tpu.memory_space<vmem>> -> memref<32x128xf32, #tpu.memory_space<vmem>>
      %dma_start3A_1256 = arith.constant 32 : i32
      %dma_start3A_1257 = arith.constant 0 : i32
      %dma_start3A_1258 = tpu.memref_slice %arg3[%dma_start3A_1256, %dma_start3A_1257] : memref<64x128xf32, #tpu.memory_space<hbm>> -> memref<32x128xf32, #tpu.memory_space<hbm>>
      tpu.enqueue_dma source(%dma_start3A_1258 : memref<32x128xf32, #tpu.memory_space<hbm>>) target(%dma_start3A_1255 : memref<32x128xf32, #tpu.memory_space<vmem>>) target_semaphore(%run_scoped3A : memref<!tpu.dma_semaphore, #tpu.memory_space<semaphore_mem>>)
      %dma_wait3A_1259 = arith.constant 0 : i32
      %dma_wait3A_1260 = arith.constant 128 : i32
      %dma_wait3A_1261 = tpu.memref_slice %arg6[%dma_wait3A_1259, %dma_wait3A_1260] : memref<32x256xf32, #tpu.memory_space<vmem>> -> memref<32x128xf32, #tpu.memory_space<vmem>>
      %dma_wait3A_1262 = arith.constant 32 : i32
      %dma_wait3A_1263 = arith.constant 0 : i32
      %dma_wait3A_1264 = tpu.memref_slice %arg3[%dma_wait3A_1262, %dma_wait3A_1263] : memref<64x128xf32, #tpu.memory_space<hbm>> -> memref<32x128xf32, #tpu.memory_space<hbm>>
      %dma_wait3A_1265 = arith.constant 0 : i32
      %dma_wait3A_1266 = arith.constant 128 : i32
      %dma_wait3A_1267 = tpu.memref_slice %arg6[%dma_wait3A_1265, %dma_wait3A_1266] : memref<32x256xf32, #tpu.memory_space<vmem>> -> memref<32x128xf32, #tpu.memory_space<vmem>>
      %dma_wait3A_1268 = arith.constant 32 : i32
      %dma_wait3A_1269 = arith.constant 0 : i32
      %dma_wait3A_1270 = tpu.memref_slice %arg3[%dma_wait3A_1268, %dma_wait3A_1269] : memref<64x128xf32, #tpu.memory_space<hbm>> -> memref<32x128xf32, #tpu.memory_space<hbm>>
      tpu.wait_dma2 semaphore(%run_scoped3A : memref<!tpu.dma_semaphore, #tpu.memory_space<semaphore_mem>>) src(%dma_wait3A_1270 : memref<32x128xf32, #tpu.memory_space<hbm>>) dst(%dma_wait3A_1267 : memref<32x128xf32, #tpu.memory_space<vmem>>)
      tpu.yield
    }) : () -> ()
    %mul3A_1 = arith.constant 4 : i32
    %mul3A_2 = arith.muli %add3A, %mul3A_1 : i32
    %add3A_3 = arith.constant 0 : i32
    %add3A_4 = arith.addi %mul3A_2, %add3A_3 : i32
    %mul3A_5 = arith.constant 4 : i32
    %mul3A_6 = arith.muli %add3A, %mul3A_5 : i32
    %add3A_7 = arith.constant 1 : i32
    %add3A_8 = arith.addi %mul3A_6, %add3A_7 : i32
    %mul3A_9 = arith.constant 4 : i32
    %mul3A_10 = arith.muli %add3A, %mul3A_9 : i32
    %add3A_11 = arith.constant 2 : i32
    %add3A_12 = arith.addi %mul3A_10, %add3A_11 : i32
    %mul3A_13 = arith.constant 4 : i32
    %mul3A_14 = arith.muli %add3A, %mul3A_13 : i32
    %add3A_15 = arith.constant 3 : i32
    %add3A_16 = arith.addi %mul3A_14, %add3A_15 : i32
    %dma_start3A = arith.constant 0 : i32
    %dma_start3A_17 = arith.constant 0 : i32
    %dma_start3A_18 = arith.constant 0 : i32
    %dma_start3A_19 = tpu.memref_slice %arg2[%add3A_4, %dma_start3A_17, %dma_start3A_18] : memref<128x384x256xf32, #tpu.memory_space<hbm>> -> memref<1x64x256xf32, #tpu.memory_space<hbm>>
    %dma_start3A_20 = tpu.memref_squeeze %dma_start3A_19 : memref<1x64x256xf32, #tpu.memory_space<hbm>> -> memref<64x256xf32, #tpu.memory_space<hbm>>
    %dma_start3A_21 = tpu.memref_slice %arg13[%dma_start3A] : memref<14x!tpu.dma_semaphore, #tpu.memory_space<semaphore_mem>> -> memref<1x!tpu.dma_semaphore, #tpu.memory_space<semaphore_mem>>
    %dma_start3A_22 = tpu.memref_squeeze %dma_start3A_21 : memref<1x!tpu.dma_semaphore, #tpu.memory_space<semaphore_mem>> -> memref<!tpu.dma_semaphore, #tpu.memory_space<semaphore_mem>>
    %dma_start3A_23 = arith.constant 0 : i32
    %dma_start3A_24 = arith.constant 0 : i32
    %dma_start3A_25 = tpu.memref_slice %arg2[%add3A_4, %dma_start3A_23, %dma_start3A_24] : memref<128x384x256xf32, #tpu.memory_space<hbm>> -> memref<1x64x256xf32, #tpu.memory_space<hbm>>
    %dma_start3A_26 = tpu.memref_squeeze %dma_start3A_25 : memref<1x64x256xf32, #tpu.memory_space<hbm>> -> memref<64x256xf32, #tpu.memory_space<hbm>>
    tpu.enqueue_dma source(%dma_start3A_26 : memref<64x256xf32, #tpu.memory_space<hbm>>) target(%arg7 : memref<64x256xf32, #tpu.memory_space<vmem>>) target_semaphore(%dma_start3A_22 : memref<!tpu.dma_semaphore, #tpu.memory_space<semaphore_mem>>)
    %dma_start3A_27 = arith.constant 12 : i32
    %dma_start3A_28 = arith.constant 64 : i32
    %dma_start3A_29 = arith.constant 0 : i32
    %dma_start3A_30 = tpu.memref_slice %arg4[%add3A_4, %dma_start3A_28, %dma_start3A_29] : memref<128x448x256xf32, #tpu.memory_space<hbm>> -> memref<1x32x256xf32, #tpu.memory_space<hbm>>
    %dma_start3A_31 = tpu.memref_squeeze %dma_start3A_30 : memref<1x32x256xf32, #tpu.memory_space<hbm>> -> memref<32x256xf32, #tpu.memory_space<hbm>>
    %dma_start3A_32 = tpu.memref_slice %arg13[%dma_start3A_27] : memref<14x!tpu.dma_semaphore, #tpu.memory_space<semaphore_mem>> -> memref<1x!tpu.dma_semaphore, #tpu.memory_space<semaphore_mem>>
    %dma_start3A_33 = tpu.memref_squeeze %dma_start3A_32 : memref<1x!tpu.dma_semaphore, #tpu.memory_space<semaphore_mem>> -> memref<!tpu.dma_semaphore, #tpu.memory_space<semaphore_mem>>
    %dma_start3A_34 = arith.constant 64 : i32
    %dma_start3A_35 = arith.constant 0 : i32
    %dma_start3A_36 = tpu.memref_slice %arg4[%add3A_4, %dma_start3A_34, %dma_start3A_35] : memref<128x448x256xf32, #tpu.memory_space<hbm>> -> memref<1x32x256xf32, #tpu.memory_space<hbm>>
    %dma_start3A_37 = tpu.memref_squeeze %dma_start3A_36 : memref<1x32x256xf32, #tpu.memory_space<hbm>> -> memref<32x256xf32, #tpu.memory_space<hbm>>
    tpu.enqueue_dma source(%arg5 : memref<32x256xf32, #tpu.memory_space<vmem>>) target(%dma_start3A_37 : memref<32x256xf32, #tpu.memory_space<hbm>>) target_semaphore(%dma_start3A_33 : memref<!tpu.dma_semaphore, #tpu.memory_space<semaphore_mem>>)
    %dma_start3A_38 = arith.constant 13 : i32
    %dma_start3A_39 = arith.constant 352 : i32
    %dma_start3A_40 = arith.constant 0 : i32
    %dma_start3A_41 = tpu.memref_slice %arg4[%add3A_4, %dma_start3A_39, %dma_start3A_40] : memref<128x448x256xf32, #tpu.memory_space<hbm>> -> memref<1x32x256xf32, #tpu.memory_space<hbm>>
    %dma_start3A_42 = tpu.memref_squeeze %dma_start3A_41 : memref<1x32x256xf32, #tpu.memory_space<hbm>> -> memref<32x256xf32, #tpu.memory_space<hbm>>
    %dma_start3A_43 = tpu.memref_slice %arg13[%dma_start3A_38] : memref<14x!tpu.dma_semaphore, #tpu.memory_space<semaphore_mem>> -> memref<1x!tpu.dma_semaphore, #tpu.memory_space<semaphore_mem>>
    %dma_start3A_44 = tpu.memref_squeeze %dma_start3A_43 : memref<1x!tpu.dma_semaphore, #tpu.memory_space<semaphore_mem>> -> memref<!tpu.dma_semaphore, #tpu.memory_space<semaphore_mem>>
    %dma_start3A_45 = arith.constant 352 : i32
    %dma_start3A_46 = arith.constant 0 : i32
    %dma_start3A_47 = tpu.memref_slice %arg4[%add3A_4, %dma_start3A_45, %dma_start3A_46] : memref<128x448x256xf32, #tpu.memory_space<hbm>> -> memref<1x32x256xf32, #tpu.memory_space<hbm>>
    %dma_start3A_48 = tpu.memref_squeeze %dma_start3A_47 : memref<1x32x256xf32, #tpu.memory_space<hbm>> -> memref<32x256xf32, #tpu.memory_space<hbm>>
    tpu.enqueue_dma source(%arg6 : memref<32x256xf32, #tpu.memory_space<vmem>>) target(%dma_start3A_48 : memref<32x256xf32, #tpu.memory_space<hbm>>) target_semaphore(%dma_start3A_44 : memref<!tpu.dma_semaphore, #tpu.memory_space<semaphore_mem>>)
    %dma_start3A_49 = arith.constant 1 : i32
    %dma_start3A_50 = arith.constant 64 : i32
    %dma_start3A_51 = arith.constant 0 : i32
    %dma_start3A_52 = tpu.memref_slice %arg2[%add3A_4, %dma_start3A_50, %dma_start3A_51] : memref<128x384x256xf32, #tpu.memory_space<hbm>> -> memref<1x64x256xf32, #tpu.memory_space<hbm>>
    %dma_start3A_53 = tpu.memref_squeeze %dma_start3A_52 : memref<1x64x256xf32, #tpu.memory_space<hbm>> -> memref<64x256xf32, #tpu.memory_space<hbm>>
    %dma_start3A_54 = tpu.memref_slice %arg13[%dma_start3A_49] : memref<14x!tpu.dma_semaphore, #tpu.memory_space<semaphore_mem>> -> memref<1x!tpu.dma_semaphore, #tpu.memory_space<semaphore_mem>>
    %dma_start3A_55 = tpu.memref_squeeze %dma_start3A_54 : memref<1x!tpu.dma_semaphore, #tpu.memory_space<semaphore_mem>> -> memref<!tpu.dma_semaphore, #tpu.memory_space<semaphore_mem>>
    %dma_start3A_56 = arith.constant 64 : i32
    %dma_start3A_57 = arith.constant 0 : i32
    %dma_start3A_58 = tpu.memref_slice %arg2[%add3A_4, %dma_start3A_56, %dma_start3A_57] : memref<128x384x256xf32, #tpu.memory_space<hbm>> -> memref<1x64x256xf32, #tpu.memory_space<hbm>>
    %dma_start3A_59 = tpu.memref_squeeze %dma_start3A_58 : memref<1x64x256xf32, #tpu.memory_space<hbm>> -> memref<64x256xf32, #tpu.memory_space<hbm>>
    tpu.enqueue_dma source(%dma_start3A_59 : memref<64x256xf32, #tpu.memory_space<hbm>>) target(%arg8 : memref<64x256xf32, #tpu.memory_space<vmem>>) target_semaphore(%dma_start3A_55 : memref<!tpu.dma_semaphore, #tpu.memory_space<semaphore_mem>>)
    %dma_start3A_60 = arith.constant 2 : i32
    %dma_start3A_61 = arith.constant 128 : i32
    %dma_start3A_62 = arith.constant 0 : i32
    %dma_start3A_63 = tpu.memref_slice %arg2[%add3A_4, %dma_start3A_61, %dma_start3A_62] : memref<128x384x256xf32, #tpu.memory_space<hbm>> -> memref<1x64x256xf32, #tpu.memory_space<hbm>>
    %dma_start3A_64 = tpu.memref_squeeze %dma_start3A_63 : memref<1x64x256xf32, #tpu.memory_space<hbm>> -> memref<64x256xf32, #tpu.memory_space<hbm>>
    %dma_start3A_65 = tpu.memref_slice %arg13[%dma_start3A_60] : memref<14x!tpu.dma_semaphore, #tpu.memory_space<semaphore_mem>> -> memref<1x!tpu.dma_semaphore, #tpu.memory_space<semaphore_mem>>
    %dma_start3A_66 = tpu.memref_squeeze %dma_start3A_65 : memref<1x!tpu.dma_semaphore, #tpu.memory_space<semaphore_mem>> -> memref<!tpu.dma_semaphore, #tpu.memory_space<semaphore_mem>>
    %dma_start3A_67 = arith.constant 128 : i32
    %dma_start3A_68 = arith.constant 0 : i32
    %dma_start3A_69 = tpu.memref_slice %arg2[%add3A_4, %dma_start3A_67, %dma_start3A_68] : memref<128x384x256xf32, #tpu.memory_space<hbm>> -> memref<1x64x256xf32, #tpu.memory_space<hbm>>
    %dma_start3A_70 = tpu.memref_squeeze %dma_start3A_69 : memref<1x64x256xf32, #tpu.memory_space<hbm>> -> memref<64x256xf32, #tpu.memory_space<hbm>>
    tpu.enqueue_dma source(%dma_start3A_70 : memref<64x256xf32, #tpu.memory_space<hbm>>) target(%arg9 : memref<64x256xf32, #tpu.memory_space<vmem>>) target_semaphore(%dma_start3A_66 : memref<!tpu.dma_semaphore, #tpu.memory_space<semaphore_mem>>)
    %dma_start3A_71 = arith.constant 3 : i32
    %dma_start3A_72 = arith.constant 192 : i32
    %dma_start3A_73 = arith.constant 0 : i32
    %dma_start3A_74 = tpu.memref_slice %arg2[%add3A_4, %dma_start3A_72, %dma_start3A_73] : memref<128x384x256xf32, #tpu.memory_space<hbm>> -> memref<1x64x256xf32, #tpu.memory_space<hbm>>
    %dma_start3A_75 = tpu.memref_squeeze %dma_start3A_74 : memref<1x64x256xf32, #tpu.memory_space<hbm>> -> memref<64x256xf32, #tpu.memory_space<hbm>>
    %dma_start3A_76 = tpu.memref_slice %arg13[%dma_start3A_71] : memref<14x!tpu.dma_semaphore, #tpu.memory_space<semaphore_mem>> -> memref<1x!tpu.dma_semaphore, #tpu.memory_space<semaphore_mem>>
    %dma_start3A_77 = tpu.memref_squeeze %dma_start3A_76 : memref<1x!tpu.dma_semaphore, #tpu.memory_space<semaphore_mem>> -> memref<!tpu.dma_semaphore, #tpu.memory_space<semaphore_mem>>
    %dma_start3A_78 = arith.constant 192 : i32
    %dma_start3A_79 = arith.constant 0 : i32
    %dma_start3A_80 = tpu.memref_slice %arg2[%add3A_4, %dma_start3A_78, %dma_start3A_79] : memref<128x384x256xf32, #tpu.memory_space<hbm>> -> memref<1x64x256xf32, #tpu.memory_space<hbm>>
    %dma_start3A_81 = tpu.memref_squeeze %dma_start3A_80 : memref<1x64x256xf32, #tpu.memory_space<hbm>> -> memref<64x256xf32, #tpu.memory_space<hbm>>
    tpu.enqueue_dma source(%dma_start3A_81 : memref<64x256xf32, #tpu.memory_space<hbm>>) target(%arg10 : memref<64x256xf32, #tpu.memory_space<vmem>>) target_semaphore(%dma_start3A_77 : memref<!tpu.dma_semaphore, #tpu.memory_space<semaphore_mem>>)
    %dma_wait3A = arith.constant 0 : i32
    %dma_wait3A_82 = arith.constant 0 : i32
    %dma_wait3A_83 = arith.constant 0 : i32
    %dma_wait3A_84 = tpu.memref_slice %arg2[%add3A_4, %dma_wait3A_82, %dma_wait3A_83] : memref<128x384x256xf32, #tpu.memory_space<hbm>> -> memref<1x64x256xf32, #tpu.memory_space<hbm>>
    %dma_wait3A_85 = tpu.memref_squeeze %dma_wait3A_84 : memref<1x64x256xf32, #tpu.memory_space<hbm>> -> memref<64x256xf32, #tpu.memory_space<hbm>>
    %dma_wait3A_86 = tpu.memref_slice %arg13[%dma_wait3A] : memref<14x!tpu.dma_semaphore, #tpu.memory_space<semaphore_mem>> -> memref<1x!tpu.dma_semaphore, #tpu.memory_space<semaphore_mem>>
    %dma_wait3A_87 = tpu.memref_squeeze %dma_wait3A_86 : memref<1x!tpu.dma_semaphore, #tpu.memory_space<semaphore_mem>> -> memref<!tpu.dma_semaphore, #tpu.memory_space<semaphore_mem>>
    %dma_wait3A_88 = arith.constant 0 : i32
    %dma_wait3A_89 = arith.constant 0 : i32
    %dma_wait3A_90 = tpu.memref_slice %arg2[%add3A_4, %dma_wait3A_88, %dma_wait3A_89] : memref<128x384x256xf32, #tpu.memory_space<hbm>> -> memref<1x64x256xf32, #tpu.memory_space<hbm>>
    %dma_wait3A_91 = tpu.memref_squeeze %dma_wait3A_90 : memref<1x64x256xf32, #tpu.memory_space<hbm>> -> memref<64x256xf32, #tpu.memory_space<hbm>>
    tpu.wait_dma2 semaphore(%dma_wait3A_87 : memref<!tpu.dma_semaphore, #tpu.memory_space<semaphore_mem>>) src(%dma_wait3A_91 : memref<64x256xf32, #tpu.memory_space<hbm>>) dst(%arg7 : memref<64x256xf32, #tpu.memory_space<vmem>>)
    %dma_start3A_92 = arith.constant 6 : i32
    %dma_start3A_93 = arith.constant 0 : i32
    %dma_start3A_94 = arith.constant 0 : i32
    %dma_start3A_95 = tpu.memref_slice %arg4[%add3A_4, %dma_start3A_93, %dma_start3A_94] : memref<128x448x256xf32, #tpu.memory_space<hbm>> -> memref<1x64x256xf32, #tpu.memory_space<hbm>>
    %dma_start3A_96 = tpu.memref_squeeze %dma_start3A_95 : memref<1x64x256xf32, #tpu.memory_space<hbm>> -> memref<64x256xf32, #tpu.memory_space<hbm>>
    %dma_start3A_97 = tpu.memref_slice %arg13[%dma_start3A_92] : memref<14x!tpu.dma_semaphore, #tpu.memory_space<semaphore_mem>> -> memref<1x!tpu.dma_semaphore, #tpu.memory_space<semaphore_mem>>
    %dma_start3A_98 = tpu.memref_squeeze %dma_start3A_97 : memref<1x!tpu.dma_semaphore, #tpu.memory_space<semaphore_mem>> -> memref<!tpu.dma_semaphore, #tpu.memory_space<semaphore_mem>>
    %dma_start3A_99 = arith.constant 0 : i32
    %dma_start3A_100 = arith.constant 0 : i32
    %dma_start3A_101 = tpu.memref_slice %arg4[%add3A_4, %dma_start3A_99, %dma_start3A_100] : memref<128x448x256xf32, #tpu.memory_space<hbm>> -> memref<1x64x256xf32, #tpu.memory_space<hbm>>
    %dma_start3A_102 = tpu.memref_squeeze %dma_start3A_101 : memref<1x64x256xf32, #tpu.memory_space<hbm>> -> memref<64x256xf32, #tpu.memory_space<hbm>>
    tpu.enqueue_dma source(%arg7 : memref<64x256xf32, #tpu.memory_space<vmem>>) target(%dma_start3A_102 : memref<64x256xf32, #tpu.memory_space<hbm>>) target_semaphore(%dma_start3A_98 : memref<!tpu.dma_semaphore, #tpu.memory_space<semaphore_mem>>)
    %dma_start3A_103 = arith.constant 4 : i32
    %dma_start3A_104 = arith.constant 256 : i32
    %dma_start3A_105 = arith.constant 0 : i32
    %dma_start3A_106 = tpu.memref_slice %arg2[%add3A_4, %dma_start3A_104, %dma_start3A_105] : memref<128x384x256xf32, #tpu.memory_space<hbm>> -> memref<1x64x256xf32, #tpu.memory_space<hbm>>
    %dma_start3A_107 = tpu.memref_squeeze %dma_start3A_106 : memref<1x64x256xf32, #tpu.memory_space<hbm>> -> memref<64x256xf32, #tpu.memory_space<hbm>>
    %dma_start3A_108 = tpu.memref_slice %arg13[%dma_start3A_103] : memref<14x!tpu.dma_semaphore, #tpu.memory_space<semaphore_mem>> -> memref<1x!tpu.dma_semaphore, #tpu.memory_space<semaphore_mem>>
    %dma_start3A_109 = tpu.memref_squeeze %dma_start3A_108 : memref<1x!tpu.dma_semaphore, #tpu.memory_space<semaphore_mem>> -> memref<!tpu.dma_semaphore, #tpu.memory_space<semaphore_mem>>
    %dma_start3A_110 = arith.constant 256 : i32
    %dma_start3A_111 = arith.constant 0 : i32
    %dma_start3A_112 = tpu.memref_slice %arg2[%add3A_4, %dma_start3A_110, %dma_start3A_111] : memref<128x384x256xf32, #tpu.memory_space<hbm>> -> memref<1x64x256xf32, #tpu.memory_space<hbm>>
    %dma_start3A_113 = tpu.memref_squeeze %dma_start3A_112 : memref<1x64x256xf32, #tpu.memory_space<hbm>> -> memref<64x256xf32, #tpu.memory_space<hbm>>
    tpu.enqueue_dma source(%dma_start3A_113 : memref<64x256xf32, #tpu.memory_space<hbm>>) target(%arg11 : memref<64x256xf32, #tpu.memory_space<vmem>>) target_semaphore(%dma_start3A_109 : memref<!tpu.dma_semaphore, #tpu.memory_space<semaphore_mem>>)
    %dma_wait3A_114 = arith.constant 1 : i32
    %dma_wait3A_115 = arith.constant 64 : i32
    %dma_wait3A_116 = arith.constant 0 : i32
    %dma_wait3A_117 = tpu.memref_slice %arg2[%add3A_4, %dma_wait3A_115, %dma_wait3A_116] : memref<128x384x256xf32, #tpu.memory_space<hbm>> -> memref<1x64x256xf32, #tpu.memory_space<hbm>>
    %dma_wait3A_118 = tpu.memref_squeeze %dma_wait3A_117 : memref<1x64x256xf32, #tpu.memory_space<hbm>> -> memref<64x256xf32, #tpu.memory_space<hbm>>
    %dma_wait3A_119 = tpu.memref_slice %arg13[%dma_wait3A_114] : memref<14x!tpu.dma_semaphore, #tpu.memory_space<semaphore_mem>> -> memref<1x!tpu.dma_semaphore, #tpu.memory_space<semaphore_mem>>
    %dma_wait3A_120 = tpu.memref_squeeze %dma_wait3A_119 : memref<1x!tpu.dma_semaphore, #tpu.memory_space<semaphore_mem>> -> memref<!tpu.dma_semaphore, #tpu.memory_space<semaphore_mem>>
    %dma_wait3A_121 = arith.constant 64 : i32
    %dma_wait3A_122 = arith.constant 0 : i32
    %dma_wait3A_123 = tpu.memref_slice %arg2[%add3A_4, %dma_wait3A_121, %dma_wait3A_122] : memref<128x384x256xf32, #tpu.memory_space<hbm>> -> memref<1x64x256xf32, #tpu.memory_space<hbm>>
    %dma_wait3A_124 = tpu.memref_squeeze %dma_wait3A_123 : memref<1x64x256xf32, #tpu.memory_space<hbm>> -> memref<64x256xf32, #tpu.memory_space<hbm>>
    tpu.wait_dma2 semaphore(%dma_wait3A_120 : memref<!tpu.dma_semaphore, #tpu.memory_space<semaphore_mem>>) src(%dma_wait3A_124 : memref<64x256xf32, #tpu.memory_space<hbm>>) dst(%arg8 : memref<64x256xf32, #tpu.memory_space<vmem>>)
    %dma_start3A_125 = arith.constant 7 : i32
    %dma_start3A_126 = arith.constant 96 : i32
    %dma_start3A_127 = arith.constant 0 : i32
    %dma_start3A_128 = tpu.memref_slice %arg4[%add3A_4, %dma_start3A_126, %dma_start3A_127] : memref<128x448x256xf32, #tpu.memory_space<hbm>> -> memref<1x64x256xf32, #tpu.memory_space<hbm>>
    %dma_start3A_129 = tpu.memref_squeeze %dma_start3A_128 : memref<1x64x256xf32, #tpu.memory_space<hbm>> -> memref<64x256xf32, #tpu.memory_space<hbm>>
    %dma_start3A_130 = tpu.memref_slice %arg13[%dma_start3A_125] : memref<14x!tpu.dma_semaphore, #tpu.memory_space<semaphore_mem>> -> memref<1x!tpu.dma_semaphore, #tpu.memory_space<semaphore_mem>>
    %dma_start3A_131 = tpu.memref_squeeze %dma_start3A_130 : memref<1x!tpu.dma_semaphore, #tpu.memory_space<semaphore_mem>> -> memref<!tpu.dma_semaphore, #tpu.memory_space<semaphore_mem>>
    %dma_start3A_132 = arith.constant 96 : i32
    %dma_start3A_133 = arith.constant 0 : i32
    %dma_start3A_134 = tpu.memref_slice %arg4[%add3A_4, %dma_start3A_132, %dma_start3A_133] : memref<128x448x256xf32, #tpu.memory_space<hbm>> -> memref<1x64x256xf32, #tpu.memory_space<hbm>>
    %dma_start3A_135 = tpu.memref_squeeze %dma_start3A_134 : memref<1x64x256xf32, #tpu.memory_space<hbm>> -> memref<64x256xf32, #tpu.memory_space<hbm>>
    tpu.enqueue_dma source(%arg8 : memref<64x256xf32, #tpu.memory_space<vmem>>) target(%dma_start3A_135 : memref<64x256xf32, #tpu.memory_space<hbm>>) target_semaphore(%dma_start3A_131 : memref<!tpu.dma_semaphore, #tpu.memory_space<semaphore_mem>>)
    %dma_start3A_136 = arith.constant 5 : i32
    %dma_start3A_137 = arith.constant 320 : i32
    %dma_start3A_138 = arith.constant 0 : i32
    %dma_start3A_139 = tpu.memref_slice %arg2[%add3A_4, %dma_start3A_137, %dma_start3A_138] : memref<128x384x256xf32, #tpu.memory_space<hbm>> -> memref<1x64x256xf32, #tpu.memory_space<hbm>>
    %dma_start3A_140 = tpu.memref_squeeze %dma_start3A_139 : memref<1x64x256xf32, #tpu.memory_space<hbm>> -> memref<64x256xf32, #tpu.memory_space<hbm>>
    %dma_start3A_141 = tpu.memref_slice %arg13[%dma_start3A_136] : memref<14x!tpu.dma_semaphore, #tpu.memory_space<semaphore_mem>> -> memref<1x!tpu.dma_semaphore, #tpu.memory_space<semaphore_mem>>
    %dma_start3A_142 = tpu.memref_squeeze %dma_start3A_141 : memref<1x!tpu.dma_semaphore, #tpu.memory_space<semaphore_mem>> -> memref<!tpu.dma_semaphore, #tpu.memory_space<semaphore_mem>>
    %dma_start3A_143 = arith.constant 320 : i32
    %dma_start3A_144 = arith.constant 0 : i32
    %dma_start3A_145 = tpu.memref_slice %arg2[%add3A_4, %dma_start3A_143, %dma_start3A_144] : memref<128x384x256xf32, #tpu.memory_space<hbm>> -> memref<1x64x256xf32, #tpu.memory_space<hbm>>
    %dma_start3A_146 = tpu.memref_squeeze %dma_start3A_145 : memref<1x64x256xf32, #tpu.memory_space<hbm>> -> memref<64x256xf32, #tpu.memory_space<hbm>>
    tpu.enqueue_dma source(%dma_start3A_146 : memref<64x256xf32, #tpu.memory_space<hbm>>) target(%arg12 : memref<64x256xf32, #tpu.memory_space<vmem>>) target_semaphore(%dma_start3A_142 : memref<!tpu.dma_semaphore, #tpu.memory_space<semaphore_mem>>)
    %dma_wait3A_147 = arith.constant 2 : i32
    %dma_wait3A_148 = arith.constant 128 : i32
    %dma_wait3A_149 = arith.constant 0 : i32
    %dma_wait3A_150 = tpu.memref_slice %arg2[%add3A_4, %dma_wait3A_148, %dma_wait3A_149] : memref<128x384x256xf32, #tpu.memory_space<hbm>> -> memref<1x64x256xf32, #tpu.memory_space<hbm>>
    %dma_wait3A_151 = tpu.memref_squeeze %dma_wait3A_150 : memref<1x64x256xf32, #tpu.memory_space<hbm>> -> memref<64x256xf32, #tpu.memory_space<hbm>>
    %dma_wait3A_152 = tpu.memref_slice %arg13[%dma_wait3A_147] : memref<14x!tpu.dma_semaphore, #tpu.memory_space<semaphore_mem>> -> memref<1x!tpu.dma_semaphore, #tpu.memory_space<semaphore_mem>>
    %dma_wait3A_153 = tpu.memref_squeeze %dma_wait3A_152 : memref<1x!tpu.dma_semaphore, #tpu.memory_space<semaphore_mem>> -> memref<!tpu.dma_semaphore, #tpu.memory_space<semaphore_mem>>
    %dma_wait3A_154 = arith.constant 128 : i32
    %dma_wait3A_155 = arith.constant 0 : i32
    %dma_wait3A_156 = tpu.memref_slice %arg2[%add3A_4, %dma_wait3A_154, %dma_wait3A_155] : memref<128x384x256xf32, #tpu.memory_space<hbm>> -> memref<1x64x256xf32, #tpu.memory_space<hbm>>
    %dma_wait3A_157 = tpu.memref_squeeze %dma_wait3A_156 : memref<1x64x256xf32, #tpu.memory_space<hbm>> -> memref<64x256xf32, #tpu.memory_space<hbm>>
    tpu.wait_dma2 semaphore(%dma_wait3A_153 : memref<!tpu.dma_semaphore, #tpu.memory_space<semaphore_mem>>) src(%dma_wait3A_157 : memref<64x256xf32, #tpu.memory_space<hbm>>) dst(%arg9 : memref<64x256xf32, #tpu.memory_space<vmem>>)
    %dma_start3A_158 = arith.constant 8 : i32
    %dma_start3A_159 = arith.constant 160 : i32
    %dma_start3A_160 = arith.constant 0 : i32
    %dma_start3A_161 = tpu.memref_slice %arg4[%add3A_4, %dma_start3A_159, %dma_start3A_160] : memref<128x448x256xf32, #tpu.memory_space<hbm>> -> memref<1x64x256xf32, #tpu.memory_space<hbm>>
    %dma_start3A_162 = tpu.memref_squeeze %dma_start3A_161 : memref<1x64x256xf32, #tpu.memory_space<hbm>> -> memref<64x256xf32, #tpu.memory_space<hbm>>
    %dma_start3A_163 = tpu.memref_slice %arg13[%dma_start3A_158] : memref<14x!tpu.dma_semaphore, #tpu.memory_space<semaphore_mem>> -> memref<1x!tpu.dma_semaphore, #tpu.memory_space<semaphore_mem>>
    %dma_start3A_164 = tpu.memref_squeeze %dma_start3A_163 : memref<1x!tpu.dma_semaphore, #tpu.memory_space<semaphore_mem>> -> memref<!tpu.dma_semaphore, #tpu.memory_space<semaphore_mem>>
    %dma_start3A_165 = arith.constant 160 : i32
    %dma_start3A_166 = arith.constant 0 : i32
    %dma_start3A_167 = tpu.memref_slice %arg4[%add3A_4, %dma_start3A_165, %dma_start3A_166] : memref<128x448x256xf32, #tpu.memory_space<hbm>> -> memref<1x64x256xf32, #tpu.memory_space<hbm>>
    %dma_start3A_168 = tpu.memref_squeeze %dma_start3A_167 : memref<1x64x256xf32, #tpu.memory_space<hbm>> -> memref<64x256xf32, #tpu.memory_space<hbm>>
    tpu.enqueue_dma source(%arg9 : memref<64x256xf32, #tpu.memory_space<vmem>>) target(%dma_start3A_168 : memref<64x256xf32, #tpu.memory_space<hbm>>) target_semaphore(%dma_start3A_164 : memref<!tpu.dma_semaphore, #tpu.memory_space<semaphore_mem>>)
    %dma_wait3A_169 = arith.constant 6 : i32
    %dma_wait3A_170 = arith.constant 0 : i32
    %dma_wait3A_171 = arith.constant 0 : i32
    %dma_wait3A_172 = tpu.memref_slice %arg4[%add3A_4, %dma_wait3A_170, %dma_wait3A_171] : memref<128x448x256xf32, #tpu.memory_space<hbm>> -> memref<1x64x256xf32, #tpu.memory_space<hbm>>
    %dma_wait3A_173 = tpu.memref_squeeze %dma_wait3A_172 : memref<1x64x256xf32, #tpu.memory_space<hbm>> -> memref<64x256xf32, #tpu.memory_space<hbm>>
    %dma_wait3A_174 = tpu.memref_slice %arg13[%dma_wait3A_169] : memref<14x!tpu.dma_semaphore, #tpu.memory_space<semaphore_mem>> -> memref<1x!tpu.dma_semaphore, #tpu.memory_space<semaphore_mem>>
    %dma_wait3A_175 = tpu.memref_squeeze %dma_wait3A_174 : memref<1x!tpu.dma_semaphore, #tpu.memory_space<semaphore_mem>> -> memref<!tpu.dma_semaphore, #tpu.memory_space<semaphore_mem>>
    %dma_wait3A_176 = arith.constant 0 : i32
    %dma_wait3A_177 = arith.constant 0 : i32
    %dma_wait3A_178 = tpu.memref_slice %arg4[%add3A_4, %dma_wait3A_176, %dma_wait3A_177] : memref<128x448x256xf32, #tpu.memory_space<hbm>> -> memref<1x64x256xf32, #tpu.memory_space<hbm>>
    %dma_wait3A_179 = tpu.memref_squeeze %dma_wait3A_178 : memref<1x64x256xf32, #tpu.memory_space<hbm>> -> memref<64x256xf32, #tpu.memory_space<hbm>>
    tpu.wait_dma2 semaphore(%dma_wait3A_175 : memref<!tpu.dma_semaphore, #tpu.memory_space<semaphore_mem>>) src(%arg7 : memref<64x256xf32, #tpu.memory_space<vmem>>) dst(%dma_wait3A_179 : memref<64x256xf32, #tpu.memory_space<hbm>>)
    %dma_start3A_180 = arith.constant 0 : i32
    %dma_start3A_181 = arith.constant 0 : i32
    %dma_start3A_182 = arith.constant 0 : i32
    %dma_start3A_183 = tpu.memref_slice %arg2[%add3A_8, %dma_start3A_181, %dma_start3A_182] : memref<128x384x256xf32, #tpu.memory_space<hbm>> -> memref<1x64x256xf32, #tpu.memory_space<hbm>>
    %dma_start3A_184 = tpu.memref_squeeze %dma_start3A_183 : memref<1x64x256xf32, #tpu.memory_space<hbm>> -> memref<64x256xf32, #tpu.memory_space<hbm>>
    %dma_start3A_185 = tpu.memref_slice %arg13[%dma_start3A_180] : memref<14x!tpu.dma_semaphore, #tpu.memory_space<semaphore_mem>> -> memref<1x!tpu.dma_semaphore, #tpu.memory_space<semaphore_mem>>
    %dma_start3A_186 = tpu.memref_squeeze %dma_start3A_185 : memref<1x!tpu.dma_semaphore, #tpu.memory_space<semaphore_mem>> -> memref<!tpu.dma_semaphore, #tpu.memory_space<semaphore_mem>>
    %dma_start3A_187 = arith.constant 0 : i32
    %dma_start3A_188 = arith.constant 0 : i32
    %dma_start3A_189 = tpu.memref_slice %arg2[%add3A_8, %dma_start3A_187, %dma_start3A_188] : memref<128x384x256xf32, #tpu.memory_space<hbm>> -> memref<1x64x256xf32, #tpu.memory_space<hbm>>
    %dma_start3A_190 = tpu.memref_squeeze %dma_start3A_189 : memref<1x64x256xf32, #tpu.memory_space<hbm>> -> memref<64x256xf32, #tpu.memory_space<hbm>>
    tpu.enqueue_dma source(%dma_start3A_190 : memref<64x256xf32, #tpu.memory_space<hbm>>) target(%arg7 : memref<64x256xf32, #tpu.memory_space<vmem>>) target_semaphore(%dma_start3A_186 : memref<!tpu.dma_semaphore, #tpu.memory_space<semaphore_mem>>)
    %dma_wait3A_191 = arith.constant 12 : i32
    %dma_wait3A_192 = arith.constant 64 : i32
    %dma_wait3A_193 = arith.constant 0 : i32
    %dma_wait3A_194 = tpu.memref_slice %arg4[%add3A_4, %dma_wait3A_192, %dma_wait3A_193] : memref<128x448x256xf32, #tpu.memory_space<hbm>> -> memref<1x32x256xf32, #tpu.memory_space<hbm>>
    %dma_wait3A_195 = tpu.memref_squeeze %dma_wait3A_194 : memref<1x32x256xf32, #tpu.memory_space<hbm>> -> memref<32x256xf32, #tpu.memory_space<hbm>>
    %dma_wait3A_196 = tpu.memref_slice %arg13[%dma_wait3A_191] : memref<14x!tpu.dma_semaphore, #tpu.memory_space<semaphore_mem>> -> memref<1x!tpu.dma_semaphore, #tpu.memory_space<semaphore_mem>>
    %dma_wait3A_197 = tpu.memref_squeeze %dma_wait3A_196 : memref<1x!tpu.dma_semaphore, #tpu.memory_space<semaphore_mem>> -> memref<!tpu.dma_semaphore, #tpu.memory_space<semaphore_mem>>
    %dma_wait3A_198 = arith.constant 64 : i32
    %dma_wait3A_199 = arith.constant 0 : i32
    %dma_wait3A_200 = tpu.memref_slice %arg4[%add3A_4, %dma_wait3A_198, %dma_wait3A_199] : memref<128x448x256xf32, #tpu.memory_space<hbm>> -> memref<1x32x256xf32, #tpu.memory_space<hbm>>
    %dma_wait3A_201 = tpu.memref_squeeze %dma_wait3A_200 : memref<1x32x256xf32, #tpu.memory_space<hbm>> -> memref<32x256xf32, #tpu.memory_space<hbm>>
    tpu.wait_dma2 semaphore(%dma_wait3A_197 : memref<!tpu.dma_semaphore, #tpu.memory_space<semaphore_mem>>) src(%arg5 : memref<32x256xf32, #tpu.memory_space<vmem>>) dst(%dma_wait3A_201 : memref<32x256xf32, #tpu.memory_space<hbm>>)
    %dma_wait3A_202 = arith.constant 13 : i32
    %dma_wait3A_203 = arith.constant 352 : i32
    %dma_wait3A_204 = arith.constant 0 : i32
    %dma_wait3A_205 = tpu.memref_slice %arg4[%add3A_4, %dma_wait3A_203, %dma_wait3A_204] : memref<128x448x256xf32, #tpu.memory_space<hbm>> -> memref<1x32x256xf32, #tpu.memory_space<hbm>>
    %dma_wait3A_206 = tpu.memref_squeeze %dma_wait3A_205 : memref<1x32x256xf32, #tpu.memory_space<hbm>> -> memref<32x256xf32, #tpu.memory_space<hbm>>
    %dma_wait3A_207 = tpu.memref_slice %arg13[%dma_wait3A_202] : memref<14x!tpu.dma_semaphore, #tpu.memory_space<semaphore_mem>> -> memref<1x!tpu.dma_semaphore, #tpu.memory_space<semaphore_mem>>
    %dma_wait3A_208 = tpu.memref_squeeze %dma_wait3A_207 : memref<1x!tpu.dma_semaphore, #tpu.memory_space<semaphore_mem>> -> memref<!tpu.dma_semaphore, #tpu.memory_space<semaphore_mem>>
    %dma_wait3A_209 = arith.constant 352 : i32
    %dma_wait3A_210 = arith.constant 0 : i32
    %dma_wait3A_211 = tpu.memref_slice %arg4[%add3A_4, %dma_wait3A_209, %dma_wait3A_210] : memref<128x448x256xf32, #tpu.memory_space<hbm>> -> memref<1x32x256xf32, #tpu.memory_space<hbm>>
    %dma_wait3A_212 = tpu.memref_squeeze %dma_wait3A_211 : memref<1x32x256xf32, #tpu.memory_space<hbm>> -> memref<32x256xf32, #tpu.memory_space<hbm>>
    tpu.wait_dma2 semaphore(%dma_wait3A_208 : memref<!tpu.dma_semaphore, #tpu.memory_space<semaphore_mem>>) src(%arg6 : memref<32x256xf32, #tpu.memory_space<vmem>>) dst(%dma_wait3A_212 : memref<32x256xf32, #tpu.memory_space<hbm>>)
    %dma_start3A_213 = arith.constant 12 : i32
    %dma_start3A_214 = arith.constant 64 : i32
    %dma_start3A_215 = arith.constant 0 : i32
    %dma_start3A_216 = tpu.memref_slice %arg4[%add3A_8, %dma_start3A_214, %dma_start3A_215] : memref<128x448x256xf32, #tpu.memory_space<hbm>> -> memref<1x32x256xf32, #tpu.memory_space<hbm>>
    %dma_start3A_217 = tpu.memref_squeeze %dma_start3A_216 : memref<1x32x256xf32, #tpu.memory_space<hbm>> -> memref<32x256xf32, #tpu.memory_space<hbm>>
    %dma_start3A_218 = tpu.memref_slice %arg13[%dma_start3A_213] : memref<14x!tpu.dma_semaphore, #tpu.memory_space<semaphore_mem>> -> memref<1x!tpu.dma_semaphore, #tpu.memory_space<semaphore_mem>>
    %dma_start3A_219 = tpu.memref_squeeze %dma_start3A_218 : memref<1x!tpu.dma_semaphore, #tpu.memory_space<semaphore_mem>> -> memref<!tpu.dma_semaphore, #tpu.memory_space<semaphore_mem>>
    %dma_start3A_220 = arith.constant 64 : i32
    %dma_start3A_221 = arith.constant 0 : i32
    %dma_start3A_222 = tpu.memref_slice %arg4[%add3A_8, %dma_start3A_220, %dma_start3A_221] : memref<128x448x256xf32, #tpu.memory_space<hbm>> -> memref<1x32x256xf32, #tpu.memory_space<hbm>>
    %dma_start3A_223 = tpu.memref_squeeze %dma_start3A_222 : memref<1x32x256xf32, #tpu.memory_space<hbm>> -> memref<32x256xf32, #tpu.memory_space<hbm>>
    tpu.enqueue_dma source(%arg5 : memref<32x256xf32, #tpu.memory_space<vmem>>) target(%dma_start3A_223 : memref<32x256xf32, #tpu.memory_space<hbm>>) target_semaphore(%dma_start3A_219 : memref<!tpu.dma_semaphore, #tpu.memory_space<semaphore_mem>>)
    %dma_start3A_224 = arith.constant 13 : i32
    %dma_start3A_225 = arith.constant 352 : i32
    %dma_start3A_226 = arith.constant 0 : i32
    %dma_start3A_227 = tpu.memref_slice %arg4[%add3A_8, %dma_start3A_225, %dma_start3A_226] : memref<128x448x256xf32, #tpu.memory_space<hbm>> -> memref<1x32x256xf32, #tpu.memory_space<hbm>>
    %dma_start3A_228 = tpu.memref_squeeze %dma_start3A_227 : memref<1x32x256xf32, #tpu.memory_space<hbm>> -> memref<32x256xf32, #tpu.memory_space<hbm>>
    %dma_start3A_229 = tpu.memref_slice %arg13[%dma_start3A_224] : memref<14x!tpu.dma_semaphore, #tpu.memory_space<semaphore_mem>> -> memref<1x!tpu.dma_semaphore, #tpu.memory_space<semaphore_mem>>
    %dma_start3A_230 = tpu.memref_squeeze %dma_start3A_229 : memref<1x!tpu.dma_semaphore, #tpu.memory_space<semaphore_mem>> -> memref<!tpu.dma_semaphore, #tpu.memory_space<semaphore_mem>>
    %dma_start3A_231 = arith.constant 352 : i32
    %dma_start3A_232 = arith.constant 0 : i32
    %dma_start3A_233 = tpu.memref_slice %arg4[%add3A_8, %dma_start3A_231, %dma_start3A_232] : memref<128x448x256xf32, #tpu.memory_space<hbm>> -> memref<1x32x256xf32, #tpu.memory_space<hbm>>
    %dma_start3A_234 = tpu.memref_squeeze %dma_start3A_233 : memref<1x32x256xf32, #tpu.memory_space<hbm>> -> memref<32x256xf32, #tpu.memory_space<hbm>>
    tpu.enqueue_dma source(%arg6 : memref<32x256xf32, #tpu.memory_space<vmem>>) target(%dma_start3A_234 : memref<32x256xf32, #tpu.memory_space<hbm>>) target_semaphore(%dma_start3A_230 : memref<!tpu.dma_semaphore, #tpu.memory_space<semaphore_mem>>)
    %dma_wait3A_235 = arith.constant 3 : i32
    %dma_wait3A_236 = arith.constant 192 : i32
    %dma_wait3A_237 = arith.constant 0 : i32
    %dma_wait3A_238 = tpu.memref_slice %arg2[%add3A_4, %dma_wait3A_236, %dma_wait3A_237] : memref<128x384x256xf32, #tpu.memory_space<hbm>> -> memref<1x64x256xf32, #tpu.memory_space<hbm>>
    %dma_wait3A_239 = tpu.memref_squeeze %dma_wait3A_238 : memref<1x64x256xf32, #tpu.memory_space<hbm>> -> memref<64x256xf32, #tpu.memory_space<hbm>>
    %dma_wait3A_240 = tpu.memref_slice %arg13[%dma_wait3A_235] : memref<14x!tpu.dma_semaphore, #tpu.memory_space<semaphore_mem>> -> memref<1x!tpu.dma_semaphore, #tpu.memory_space<semaphore_mem>>
    %dma_wait3A_241 = tpu.memref_squeeze %dma_wait3A_240 : memref<1x!tpu.dma_semaphore, #tpu.memory_space<semaphore_mem>> -> memref<!tpu.dma_semaphore, #tpu.memory_space<semaphore_mem>>
    %dma_wait3A_242 = arith.constant 192 : i32
    %dma_wait3A_243 = arith.constant 0 : i32
    %dma_wait3A_244 = tpu.memref_slice %arg2[%add3A_4, %dma_wait3A_242, %dma_wait3A_243] : memref<128x384x256xf32, #tpu.memory_space<hbm>> -> memref<1x64x256xf32, #tpu.memory_space<hbm>>
    %dma_wait3A_245 = tpu.memref_squeeze %dma_wait3A_244 : memref<1x64x256xf32, #tpu.memory_space<hbm>> -> memref<64x256xf32, #tpu.memory_space<hbm>>
    tpu.wait_dma2 semaphore(%dma_wait3A_241 : memref<!tpu.dma_semaphore, #tpu.memory_space<semaphore_mem>>) src(%dma_wait3A_245 : memref<64x256xf32, #tpu.memory_space<hbm>>) dst(%arg10 : memref<64x256xf32, #tpu.memory_space<vmem>>)
    %dma_start3A_246 = arith.constant 9 : i32
    %dma_start3A_247 = arith.constant 224 : i32
    %dma_start3A_248 = arith.constant 0 : i32
    %dma_start3A_249 = tpu.memref_slice %arg4[%add3A_4, %dma_start3A_247, %dma_start3A_248] : memref<128x448x256xf32, #tpu.memory_space<hbm>> -> memref<1x64x256xf32, #tpu.memory_space<hbm>>
    %dma_start3A_250 = tpu.memref_squeeze %dma_start3A_249 : memref<1x64x256xf32, #tpu.memory_space<hbm>> -> memref<64x256xf32, #tpu.memory_space<hbm>>
    %dma_start3A_251 = tpu.memref_slice %arg13[%dma_start3A_246] : memref<14x!tpu.dma_semaphore, #tpu.memory_space<semaphore_mem>> -> memref<1x!tpu.dma_semaphore, #tpu.memory_space<semaphore_mem>>
    %dma_start3A_252 = tpu.memref_squeeze %dma_start3A_251 : memref<1x!tpu.dma_semaphore, #tpu.memory_space<semaphore_mem>> -> memref<!tpu.dma_semaphore, #tpu.memory_space<semaphore_mem>>
    %dma_start3A_253 = arith.constant 224 : i32
    %dma_start3A_254 = arith.constant 0 : i32
    %dma_start3A_255 = tpu.memref_slice %arg4[%add3A_4, %dma_start3A_253, %dma_start3A_254] : memref<128x448x256xf32, #tpu.memory_space<hbm>> -> memref<1x64x256xf32, #tpu.memory_space<hbm>>
    %dma_start3A_256 = tpu.memref_squeeze %dma_start3A_255 : memref<1x64x256xf32, #tpu.memory_space<hbm>> -> memref<64x256xf32, #tpu.memory_space<hbm>>
    tpu.enqueue_dma source(%arg10 : memref<64x256xf32, #tpu.memory_space<vmem>>) target(%dma_start3A_256 : memref<64x256xf32, #tpu.memory_space<hbm>>) target_semaphore(%dma_start3A_252 : memref<!tpu.dma_semaphore, #tpu.memory_space<semaphore_mem>>)
    %dma_wait3A_257 = arith.constant 7 : i32
    %dma_wait3A_258 = arith.constant 96 : i32
    %dma_wait3A_259 = arith.constant 0 : i32
    %dma_wait3A_260 = tpu.memref_slice %arg4[%add3A_4, %dma_wait3A_258, %dma_wait3A_259] : memref<128x448x256xf32, #tpu.memory_space<hbm>> -> memref<1x64x256xf32, #tpu.memory_space<hbm>>
    %dma_wait3A_261 = tpu.memref_squeeze %dma_wait3A_260 : memref<1x64x256xf32, #tpu.memory_space<hbm>> -> memref<64x256xf32, #tpu.memory_space<hbm>>
    %dma_wait3A_262 = tpu.memref_slice %arg13[%dma_wait3A_257] : memref<14x!tpu.dma_semaphore, #tpu.memory_space<semaphore_mem>> -> memref<1x!tpu.dma_semaphore, #tpu.memory_space<semaphore_mem>>
    %dma_wait3A_263 = tpu.memref_squeeze %dma_wait3A_262 : memref<1x!tpu.dma_semaphore, #tpu.memory_space<semaphore_mem>> -> memref<!tpu.dma_semaphore, #tpu.memory_space<semaphore_mem>>
    %dma_wait3A_264 = arith.constant 96 : i32
    %dma_wait3A_265 = arith.constant 0 : i32
    %dma_wait3A_266 = tpu.memref_slice %arg4[%add3A_4, %dma_wait3A_264, %dma_wait3A_265] : memref<128x448x256xf32, #tpu.memory_space<hbm>> -> memref<1x64x256xf32, #tpu.memory_space<hbm>>
    %dma_wait3A_267 = tpu.memref_squeeze %dma_wait3A_266 : memref<1x64x256xf32, #tpu.memory_space<hbm>> -> memref<64x256xf32, #tpu.memory_space<hbm>>
    tpu.wait_dma2 semaphore(%dma_wait3A_263 : memref<!tpu.dma_semaphore, #tpu.memory_space<semaphore_mem>>) src(%arg8 : memref<64x256xf32, #tpu.memory_space<vmem>>) dst(%dma_wait3A_267 : memref<64x256xf32, #tpu.memory_space<hbm>>)
    %dma_start3A_268 = arith.constant 1 : i32
    %dma_start3A_269 = arith.constant 64 : i32
    %dma_start3A_270 = arith.constant 0 : i32
    %dma_start3A_271 = tpu.memref_slice %arg2[%add3A_8, %dma_start3A_269, %dma_start3A_270] : memref<128x384x256xf32, #tpu.memory_space<hbm>> -> memref<1x64x256xf32, #tpu.memory_space<hbm>>
    %dma_start3A_272 = tpu.memref_squeeze %dma_start3A_271 : memref<1x64x256xf32, #tpu.memory_space<hbm>> -> memref<64x256xf32, #tpu.memory_space<hbm>>
    %dma_start3A_273 = tpu.memref_slice %arg13[%dma_start3A_268] : memref<14x!tpu.dma_semaphore, #tpu.memory_space<semaphore_mem>> -> memref<1x!tpu.dma_semaphore, #tpu.memory_space<semaphore_mem>>
    %dma_start3A_274 = tpu.memref_squeeze %dma_start3A_273 : memref<1x!tpu.dma_semaphore, #tpu.memory_space<semaphore_mem>> -> memref<!tpu.dma_semaphore, #tpu.memory_space<semaphore_mem>>
    %dma_start3A_275 = arith.constant 64 : i32
    %dma_start3A_276 = arith.constant 0 : i32
    %dma_start3A_277 = tpu.memref_slice %arg2[%add3A_8, %dma_start3A_275, %dma_start3A_276] : memref<128x384x256xf32, #tpu.memory_space<hbm>> -> memref<1x64x256xf32, #tpu.memory_space<hbm>>
    %dma_start3A_278 = tpu.memref_squeeze %dma_start3A_277 : memref<1x64x256xf32, #tpu.memory_space<hbm>> -> memref<64x256xf32, #tpu.memory_space<hbm>>
    tpu.enqueue_dma source(%dma_start3A_278 : memref<64x256xf32, #tpu.memory_space<hbm>>) target(%arg8 : memref<64x256xf32, #tpu.memory_space<vmem>>) target_semaphore(%dma_start3A_274 : memref<!tpu.dma_semaphore, #tpu.memory_space<semaphore_mem>>)
    %dma_wait3A_279 = arith.constant 4 : i32
    %dma_wait3A_280 = arith.constant 256 : i32
    %dma_wait3A_281 = arith.constant 0 : i32
    %dma_wait3A_282 = tpu.memref_slice %arg2[%add3A_4, %dma_wait3A_280, %dma_wait3A_281] : memref<128x384x256xf32, #tpu.memory_space<hbm>> -> memref<1x64x256xf32, #tpu.memory_space<hbm>>
    %dma_wait3A_283 = tpu.memref_squeeze %dma_wait3A_282 : memref<1x64x256xf32, #tpu.memory_space<hbm>> -> memref<64x256xf32, #tpu.memory_space<hbm>>
    %dma_wait3A_284 = tpu.memref_slice %arg13[%dma_wait3A_279] : memref<14x!tpu.dma_semaphore, #tpu.memory_space<semaphore_mem>> -> memref<1x!tpu.dma_semaphore, #tpu.memory_space<semaphore_mem>>
    %dma_wait3A_285 = tpu.memref_squeeze %dma_wait3A_284 : memref<1x!tpu.dma_semaphore, #tpu.memory_space<semaphore_mem>> -> memref<!tpu.dma_semaphore, #tpu.memory_space<semaphore_mem>>
    %dma_wait3A_286 = arith.constant 256 : i32
    %dma_wait3A_287 = arith.constant 0 : i32
    %dma_wait3A_288 = tpu.memref_slice %arg2[%add3A_4, %dma_wait3A_286, %dma_wait3A_287] : memref<128x384x256xf32, #tpu.memory_space<hbm>> -> memref<1x64x256xf32, #tpu.memory_space<hbm>>
    %dma_wait3A_289 = tpu.memref_squeeze %dma_wait3A_288 : memref<1x64x256xf32, #tpu.memory_space<hbm>> -> memref<64x256xf32, #tpu.memory_space<hbm>>
    tpu.wait_dma2 semaphore(%dma_wait3A_285 : memref<!tpu.dma_semaphore, #tpu.memory_space<semaphore_mem>>) src(%dma_wait3A_289 : memref<64x256xf32, #tpu.memory_space<hbm>>) dst(%arg11 : memref<64x256xf32, #tpu.memory_space<vmem>>)
    %dma_start3A_290 = arith.constant 10 : i32
    %dma_start3A_291 = arith.constant 288 : i32
    %dma_start3A_292 = arith.constant 0 : i32
    %dma_start3A_293 = tpu.memref_slice %arg4[%add3A_4, %dma_start3A_291, %dma_start3A_292] : memref<128x448x256xf32, #tpu.memory_space<hbm>> -> memref<1x64x256xf32, #tpu.memory_space<hbm>>
    %dma_start3A_294 = tpu.memref_squeeze %dma_start3A_293 : memref<1x64x256xf32, #tpu.memory_space<hbm>> -> memref<64x256xf32, #tpu.memory_space<hbm>>
    %dma_start3A_295 = tpu.memref_slice %arg13[%dma_start3A_290] : memref<14x!tpu.dma_semaphore, #tpu.memory_space<semaphore_mem>> -> memref<1x!tpu.dma_semaphore, #tpu.memory_space<semaphore_mem>>
    %dma_start3A_296 = tpu.memref_squeeze %dma_start3A_295 : memref<1x!tpu.dma_semaphore, #tpu.memory_space<semaphore_mem>> -> memref<!tpu.dma_semaphore, #tpu.memory_space<semaphore_mem>>
    %dma_start3A_297 = arith.constant 288 : i32
    %dma_start3A_298 = arith.constant 0 : i32
    %dma_start3A_299 = tpu.memref_slice %arg4[%add3A_4, %dma_start3A_297, %dma_start3A_298] : memref<128x448x256xf32, #tpu.memory_space<hbm>> -> memref<1x64x256xf32, #tpu.memory_space<hbm>>
    %dma_start3A_300 = tpu.memref_squeeze %dma_start3A_299 : memref<1x64x256xf32, #tpu.memory_space<hbm>> -> memref<64x256xf32, #tpu.memory_space<hbm>>
    tpu.enqueue_dma source(%arg11 : memref<64x256xf32, #tpu.memory_space<vmem>>) target(%dma_start3A_300 : memref<64x256xf32, #tpu.memory_space<hbm>>) target_semaphore(%dma_start3A_296 : memref<!tpu.dma_semaphore, #tpu.memory_space<semaphore_mem>>)
    %dma_wait3A_301 = arith.constant 8 : i32
    %dma_wait3A_302 = arith.constant 160 : i32
    %dma_wait3A_303 = arith.constant 0 : i32
    %dma_wait3A_304 = tpu.memref_slice %arg4[%add3A_4, %dma_wait3A_302, %dma_wait3A_303] : memref<128x448x256xf32, #tpu.memory_space<hbm>> -> memref<1x64x256xf32, #tpu.memory_space<hbm>>
    %dma_wait3A_305 = tpu.memref_squeeze %dma_wait3A_304 : memref<1x64x256xf32, #tpu.memory_space<hbm>> -> memref<64x256xf32, #tpu.memory_space<hbm>>
    %dma_wait3A_306 = tpu.memref_slice %arg13[%dma_wait3A_301] : memref<14x!tpu.dma_semaphore, #tpu.memory_space<semaphore_mem>> -> memref<1x!tpu.dma_semaphore, #tpu.memory_space<semaphore_mem>>
    %dma_wait3A_307 = tpu.memref_squeeze %dma_wait3A_306 : memref<1x!tpu.dma_semaphore, #tpu.memory_space<semaphore_mem>> -> memref<!tpu.dma_semaphore, #tpu.memory_space<semaphore_mem>>
    %dma_wait3A_308 = arith.constant 160 : i32
    %dma_wait3A_309 = arith.constant 0 : i32
    %dma_wait3A_310 = tpu.memref_slice %arg4[%add3A_4, %dma_wait3A_308, %dma_wait3A_309] : memref<128x448x256xf32, #tpu.memory_space<hbm>> -> memref<1x64x256xf32, #tpu.memory_space<hbm>>
    %dma_wait3A_311 = tpu.memref_squeeze %dma_wait3A_310 : memref<1x64x256xf32, #tpu.memory_space<hbm>> -> memref<64x256xf32, #tpu.memory_space<hbm>>
    tpu.wait_dma2 semaphore(%dma_wait3A_307 : memref<!tpu.dma_semaphore, #tpu.memory_space<semaphore_mem>>) src(%arg9 : memref<64x256xf32, #tpu.memory_space<vmem>>) dst(%dma_wait3A_311 : memref<64x256xf32, #tpu.memory_space<hbm>>)
    %dma_start3A_312 = arith.constant 2 : i32
    %dma_start3A_313 = arith.constant 128 : i32
    %dma_start3A_314 = arith.constant 0 : i32
    %dma_start3A_315 = tpu.memref_slice %arg2[%add3A_8, %dma_start3A_313, %dma_start3A_314] : memref<128x384x256xf32, #tpu.memory_space<hbm>> -> memref<1x64x256xf32, #tpu.memory_space<hbm>>
    %dma_start3A_316 = tpu.memref_squeeze %dma_start3A_315 : memref<1x64x256xf32, #tpu.memory_space<hbm>> -> memref<64x256xf32, #tpu.memory_space<hbm>>
    %dma_start3A_317 = tpu.memref_slice %arg13[%dma_start3A_312] : memref<14x!tpu.dma_semaphore, #tpu.memory_space<semaphore_mem>> -> memref<1x!tpu.dma_semaphore, #tpu.memory_space<semaphore_mem>>
    %dma_start3A_318 = tpu.memref_squeeze %dma_start3A_317 : memref<1x!tpu.dma_semaphore, #tpu.memory_space<semaphore_mem>> -> memref<!tpu.dma_semaphore, #tpu.memory_space<semaphore_mem>>
    %dma_start3A_319 = arith.constant 128 : i32
    %dma_start3A_320 = arith.constant 0 : i32
    %dma_start3A_321 = tpu.memref_slice %arg2[%add3A_8, %dma_start3A_319, %dma_start3A_320] : memref<128x384x256xf32, #tpu.memory_space<hbm>> -> memref<1x64x256xf32, #tpu.memory_space<hbm>>
    %dma_start3A_322 = tpu.memref_squeeze %dma_start3A_321 : memref<1x64x256xf32, #tpu.memory_space<hbm>> -> memref<64x256xf32, #tpu.memory_space<hbm>>
    tpu.enqueue_dma source(%dma_start3A_322 : memref<64x256xf32, #tpu.memory_space<hbm>>) target(%arg9 : memref<64x256xf32, #tpu.memory_space<vmem>>) target_semaphore(%dma_start3A_318 : memref<!tpu.dma_semaphore, #tpu.memory_space<semaphore_mem>>)
    %dma_wait3A_323 = arith.constant 5 : i32
    %dma_wait3A_324 = arith.constant 320 : i32
    %dma_wait3A_325 = arith.constant 0 : i32
    %dma_wait3A_326 = tpu.memref_slice %arg2[%add3A_4, %dma_wait3A_324, %dma_wait3A_325] : memref<128x384x256xf32, #tpu.memory_space<hbm>> -> memref<1x64x256xf32, #tpu.memory_space<hbm>>
    %dma_wait3A_327 = tpu.memref_squeeze %dma_wait3A_326 : memref<1x64x256xf32, #tpu.memory_space<hbm>> -> memref<64x256xf32, #tpu.memory_space<hbm>>
    %dma_wait3A_328 = tpu.memref_slice %arg13[%dma_wait3A_323] : memref<14x!tpu.dma_semaphore, #tpu.memory_space<semaphore_mem>> -> memref<1x!tpu.dma_semaphore, #tpu.memory_space<semaphore_mem>>
    %dma_wait3A_329 = tpu.memref_squeeze %dma_wait3A_328 : memref<1x!tpu.dma_semaphore, #tpu.memory_space<semaphore_mem>> -> memref<!tpu.dma_semaphore, #tpu.memory_space<semaphore_mem>>
    %dma_wait3A_330 = arith.constant 320 : i32
    %dma_wait3A_331 = arith.constant 0 : i32
    %dma_wait3A_332 = tpu.memref_slice %arg2[%add3A_4, %dma_wait3A_330, %dma_wait3A_331] : memref<128x384x256xf32, #tpu.memory_space<hbm>> -> memref<1x64x256xf32, #tpu.memory_space<hbm>>
    %dma_wait3A_333 = tpu.memref_squeeze %dma_wait3A_332 : memref<1x64x256xf32, #tpu.memory_space<hbm>> -> memref<64x256xf32, #tpu.memory_space<hbm>>
    tpu.wait_dma2 semaphore(%dma_wait3A_329 : memref<!tpu.dma_semaphore, #tpu.memory_space<semaphore_mem>>) src(%dma_wait3A_333 : memref<64x256xf32, #tpu.memory_space<hbm>>) dst(%arg12 : memref<64x256xf32, #tpu.memory_space<vmem>>)
    %dma_start3A_334 = arith.constant 11 : i32
    %dma_start3A_335 = arith.constant 384 : i32
    %dma_start3A_336 = arith.constant 0 : i32
    %dma_start3A_337 = tpu.memref_slice %arg4[%add3A_4, %dma_start3A_335, %dma_start3A_336] : memref<128x448x256xf32, #tpu.memory_space<hbm>> -> memref<1x64x256xf32, #tpu.memory_space<hbm>>
    %dma_start3A_338 = tpu.memref_squeeze %dma_start3A_337 : memref<1x64x256xf32, #tpu.memory_space<hbm>> -> memref<64x256xf32, #tpu.memory_space<hbm>>
    %dma_start3A_339 = tpu.memref_slice %arg13[%dma_start3A_334] : memref<14x!tpu.dma_semaphore, #tpu.memory_space<semaphore_mem>> -> memref<1x!tpu.dma_semaphore, #tpu.memory_space<semaphore_mem>>
    %dma_start3A_340 = tpu.memref_squeeze %dma_start3A_339 : memref<1x!tpu.dma_semaphore, #tpu.memory_space<semaphore_mem>> -> memref<!tpu.dma_semaphore, #tpu.memory_space<semaphore_mem>>
    %dma_start3A_341 = arith.constant 384 : i32
    %dma_start3A_342 = arith.constant 0 : i32
    %dma_start3A_343 = tpu.memref_slice %arg4[%add3A_4, %dma_start3A_341, %dma_start3A_342] : memref<128x448x256xf32, #tpu.memory_space<hbm>> -> memref<1x64x256xf32, #tpu.memory_space<hbm>>
    %dma_start3A_344 = tpu.memref_squeeze %dma_start3A_343 : memref<1x64x256xf32, #tpu.memory_space<hbm>> -> memref<64x256xf32, #tpu.memory_space<hbm>>
    tpu.enqueue_dma source(%arg12 : memref<64x256xf32, #tpu.memory_space<vmem>>) target(%dma_start3A_344 : memref<64x256xf32, #tpu.memory_space<hbm>>) target_semaphore(%dma_start3A_340 : memref<!tpu.dma_semaphore, #tpu.memory_space<semaphore_mem>>)
    %dma_wait3A_345 = arith.constant 9 : i32
    %dma_wait3A_346 = arith.constant 224 : i32
    %dma_wait3A_347 = arith.constant 0 : i32
    %dma_wait3A_348 = tpu.memref_slice %arg4[%add3A_4, %dma_wait3A_346, %dma_wait3A_347] : memref<128x448x256xf32, #tpu.memory_space<hbm>> -> memref<1x64x256xf32, #tpu.memory_space<hbm>>
    %dma_wait3A_349 = tpu.memref_squeeze %dma_wait3A_348 : memref<1x64x256xf32, #tpu.memory_space<hbm>> -> memref<64x256xf32, #tpu.memory_space<hbm>>
    %dma_wait3A_350 = tpu.memref_slice %arg13[%dma_wait3A_345] : memref<14x!tpu.dma_semaphore, #tpu.memory_space<semaphore_mem>> -> memref<1x!tpu.dma_semaphore, #tpu.memory_space<semaphore_mem>>
    %dma_wait3A_351 = tpu.memref_squeeze %dma_wait3A_350 : memref<1x!tpu.dma_semaphore, #tpu.memory_space<semaphore_mem>> -> memref<!tpu.dma_semaphore, #tpu.memory_space<semaphore_mem>>
    %dma_wait3A_352 = arith.constant 224 : i32
    %dma_wait3A_353 = arith.constant 0 : i32
    %dma_wait3A_354 = tpu.memref_slice %arg4[%add3A_4, %dma_wait3A_352, %dma_wait3A_353] : memref<128x448x256xf32, #tpu.memory_space<hbm>> -> memref<1x64x256xf32, #tpu.memory_space<hbm>>
    %dma_wait3A_355 = tpu.memref_squeeze %dma_wait3A_354 : memref<1x64x256xf32, #tpu.memory_space<hbm>> -> memref<64x256xf32, #tpu.memory_space<hbm>>
    tpu.wait_dma2 semaphore(%dma_wait3A_351 : memref<!tpu.dma_semaphore, #tpu.memory_space<semaphore_mem>>) src(%arg10 : memref<64x256xf32, #tpu.memory_space<vmem>>) dst(%dma_wait3A_355 : memref<64x256xf32, #tpu.memory_space<hbm>>)
    %dma_start3A_356 = arith.constant 3 : i32
    %dma_start3A_357 = arith.constant 192 : i32
    %dma_start3A_358 = arith.constant 0 : i32
    %dma_start3A_359 = tpu.memref_slice %arg2[%add3A_8, %dma_start3A_357, %dma_start3A_358] : memref<128x384x256xf32, #tpu.memory_space<hbm>> -> memref<1x64x256xf32, #tpu.memory_space<hbm>>
    %dma_start3A_360 = tpu.memref_squeeze %dma_start3A_359 : memref<1x64x256xf32, #tpu.memory_space<hbm>> -> memref<64x256xf32, #tpu.memory_space<hbm>>
    %dma_start3A_361 = tpu.memref_slice %arg13[%dma_start3A_356] : memref<14x!tpu.dma_semaphore, #tpu.memory_space<semaphore_mem>> -> memref<1x!tpu.dma_semaphore, #tpu.memory_space<semaphore_mem>>
    %dma_start3A_362 = tpu.memref_squeeze %dma_start3A_361 : memref<1x!tpu.dma_semaphore, #tpu.memory_space<semaphore_mem>> -> memref<!tpu.dma_semaphore, #tpu.memory_space<semaphore_mem>>
    %dma_start3A_363 = arith.constant 192 : i32
    %dma_start3A_364 = arith.constant 0 : i32
    %dma_start3A_365 = tpu.memref_slice %arg2[%add3A_8, %dma_start3A_363, %dma_start3A_364] : memref<128x384x256xf32, #tpu.memory_space<hbm>> -> memref<1x64x256xf32, #tpu.memory_space<hbm>>
    %dma_start3A_366 = tpu.memref_squeeze %dma_start3A_365 : memref<1x64x256xf32, #tpu.memory_space<hbm>> -> memref<64x256xf32, #tpu.memory_space<hbm>>
    tpu.enqueue_dma source(%dma_start3A_366 : memref<64x256xf32, #tpu.memory_space<hbm>>) target(%arg10 : memref<64x256xf32, #tpu.memory_space<vmem>>) target_semaphore(%dma_start3A_362 : memref<!tpu.dma_semaphore, #tpu.memory_space<semaphore_mem>>)
    %dma_wait3A_367 = arith.constant 0 : i32
    %dma_wait3A_368 = arith.constant 0 : i32
    %dma_wait3A_369 = arith.constant 0 : i32
    %dma_wait3A_370 = tpu.memref_slice %arg2[%add3A_8, %dma_wait3A_368, %dma_wait3A_369] : memref<128x384x256xf32, #tpu.memory_space<hbm>> -> memref<1x64x256xf32, #tpu.memory_space<hbm>>
    %dma_wait3A_371 = tpu.memref_squeeze %dma_wait3A_370 : memref<1x64x256xf32, #tpu.memory_space<hbm>> -> memref<64x256xf32, #tpu.memory_space<hbm>>
    %dma_wait3A_372 = tpu.memref_slice %arg13[%dma_wait3A_367] : memref<14x!tpu.dma_semaphore, #tpu.memory_space<semaphore_mem>> -> memref<1x!tpu.dma_semaphore, #tpu.memory_space<semaphore_mem>>
    %dma_wait3A_373 = tpu.memref_squeeze %dma_wait3A_372 : memref<1x!tpu.dma_semaphore, #tpu.memory_space<semaphore_mem>> -> memref<!tpu.dma_semaphore, #tpu.memory_space<semaphore_mem>>
    %dma_wait3A_374 = arith.constant 0 : i32
    %dma_wait3A_375 = arith.constant 0 : i32
    %dma_wait3A_376 = tpu.memref_slice %arg2[%add3A_8, %dma_wait3A_374, %dma_wait3A_375] : memref<128x384x256xf32, #tpu.memory_space<hbm>> -> memref<1x64x256xf32, #tpu.memory_space<hbm>>
    %dma_wait3A_377 = tpu.memref_squeeze %dma_wait3A_376 : memref<1x64x256xf32, #tpu.memory_space<hbm>> -> memref<64x256xf32, #tpu.memory_space<hbm>>
    tpu.wait_dma2 semaphore(%dma_wait3A_373 : memref<!tpu.dma_semaphore, #tpu.memory_space<semaphore_mem>>) src(%dma_wait3A_377 : memref<64x256xf32, #tpu.memory_space<hbm>>) dst(%arg7 : memref<64x256xf32, #tpu.memory_space<vmem>>)
    %dma_start3A_378 = arith.constant 6 : i32
    %dma_start3A_379 = arith.constant 0 : i32
    %dma_start3A_380 = arith.constant 0 : i32
    %dma_start3A_381 = tpu.memref_slice %arg4[%add3A_8, %dma_start3A_379, %dma_start3A_380] : memref<128x448x256xf32, #tpu.memory_space<hbm>> -> memref<1x64x256xf32, #tpu.memory_space<hbm>>
    %dma_start3A_382 = tpu.memref_squeeze %dma_start3A_381 : memref<1x64x256xf32, #tpu.memory_space<hbm>> -> memref<64x256xf32, #tpu.memory_space<hbm>>
    %dma_start3A_383 = tpu.memref_slice %arg13[%dma_start3A_378] : memref<14x!tpu.dma_semaphore, #tpu.memory_space<semaphore_mem>> -> memref<1x!tpu.dma_semaphore, #tpu.memory_space<semaphore_mem>>
    %dma_start3A_384 = tpu.memref_squeeze %dma_start3A_383 : memref<1x!tpu.dma_semaphore, #tpu.memory_space<semaphore_mem>> -> memref<!tpu.dma_semaphore, #tpu.memory_space<semaphore_mem>>
    %dma_start3A_385 = arith.constant 0 : i32
    %dma_start3A_386 = arith.constant 0 : i32
    %dma_start3A_387 = tpu.memref_slice %arg4[%add3A_8, %dma_start3A_385, %dma_start3A_386] : memref<128x448x256xf32, #tpu.memory_space<hbm>> -> memref<1x64x256xf32, #tpu.memory_space<hbm>>
    %dma_start3A_388 = tpu.memref_squeeze %dma_start3A_387 : memref<1x64x256xf32, #tpu.memory_space<hbm>> -> memref<64x256xf32, #tpu.memory_space<hbm>>
    tpu.enqueue_dma source(%arg7 : memref<64x256xf32, #tpu.memory_space<vmem>>) target(%dma_start3A_388 : memref<64x256xf32, #tpu.memory_space<hbm>>) target_semaphore(%dma_start3A_384 : memref<!tpu.dma_semaphore, #tpu.memory_space<semaphore_mem>>)
    %dma_wait3A_389 = arith.constant 10 : i32
    %dma_wait3A_390 = arith.constant 288 : i32
    %dma_wait3A_391 = arith.constant 0 : i32
    %dma_wait3A_392 = tpu.memref_slice %arg4[%add3A_4, %dma_wait3A_390, %dma_wait3A_391] : memref<128x448x256xf32, #tpu.memory_space<hbm>> -> memref<1x64x256xf32, #tpu.memory_space<hbm>>
    %dma_wait3A_393 = tpu.memref_squeeze %dma_wait3A_392 : memref<1x64x256xf32, #tpu.memory_space<hbm>> -> memref<64x256xf32, #tpu.memory_space<hbm>>
    %dma_wait3A_394 = tpu.memref_slice %arg13[%dma_wait3A_389] : memref<14x!tpu.dma_semaphore, #tpu.memory_space<semaphore_mem>> -> memref<1x!tpu.dma_semaphore, #tpu.memory_space<semaphore_mem>>
    %dma_wait3A_395 = tpu.memref_squeeze %dma_wait3A_394 : memref<1x!tpu.dma_semaphore, #tpu.memory_space<semaphore_mem>> -> memref<!tpu.dma_semaphore, #tpu.memory_space<semaphore_mem>>
    %dma_wait3A_396 = arith.constant 288 : i32
    %dma_wait3A_397 = arith.constant 0 : i32
    %dma_wait3A_398 = tpu.memref_slice %arg4[%add3A_4, %dma_wait3A_396, %dma_wait3A_397] : memref<128x448x256xf32, #tpu.memory_space<hbm>> -> memref<1x64x256xf32, #tpu.memory_space<hbm>>
    %dma_wait3A_399 = tpu.memref_squeeze %dma_wait3A_398 : memref<1x64x256xf32, #tpu.memory_space<hbm>> -> memref<64x256xf32, #tpu.memory_space<hbm>>
    tpu.wait_dma2 semaphore(%dma_wait3A_395 : memref<!tpu.dma_semaphore, #tpu.memory_space<semaphore_mem>>) src(%arg11 : memref<64x256xf32, #tpu.memory_space<vmem>>) dst(%dma_wait3A_399 : memref<64x256xf32, #tpu.memory_space<hbm>>)
    %dma_start3A_400 = arith.constant 4 : i32
    %dma_start3A_401 = arith.constant 256 : i32
    %dma_start3A_402 = arith.constant 0 : i32
    %dma_start3A_403 = tpu.memref_slice %arg2[%add3A_8, %dma_start3A_401, %dma_start3A_402] : memref<128x384x256xf32, #tpu.memory_space<hbm>> -> memref<1x64x256xf32, #tpu.memory_space<hbm>>
    %dma_start3A_404 = tpu.memref_squeeze %dma_start3A_403 : memref<1x64x256xf32, #tpu.memory_space<hbm>> -> memref<64x256xf32, #tpu.memory_space<hbm>>
    %dma_start3A_405 = tpu.memref_slice %arg13[%dma_start3A_400] : memref<14x!tpu.dma_semaphore, #tpu.memory_space<semaphore_mem>> -> memref<1x!tpu.dma_semaphore, #tpu.memory_space<semaphore_mem>>
    %dma_start3A_406 = tpu.memref_squeeze %dma_start3A_405 : memref<1x!tpu.dma_semaphore, #tpu.memory_space<semaphore_mem>> -> memref<!tpu.dma_semaphore, #tpu.memory_space<semaphore_mem>>
    %dma_start3A_407 = arith.constant 256 : i32
    %dma_start3A_408 = arith.constant 0 : i32
    %dma_start3A_409 = tpu.memref_slice %arg2[%add3A_8, %dma_start3A_407, %dma_start3A_408] : memref<128x384x256xf32, #tpu.memory_space<hbm>> -> memref<1x64x256xf32, #tpu.memory_space<hbm>>
    %dma_start3A_410 = tpu.memref_squeeze %dma_start3A_409 : memref<1x64x256xf32, #tpu.memory_space<hbm>> -> memref<64x256xf32, #tpu.memory_space<hbm>>
    tpu.enqueue_dma source(%dma_start3A_410 : memref<64x256xf32, #tpu.memory_space<hbm>>) target(%arg11 : memref<64x256xf32, #tpu.memory_space<vmem>>) target_semaphore(%dma_start3A_406 : memref<!tpu.dma_semaphore, #tpu.memory_space<semaphore_mem>>)
    %dma_wait3A_411 = arith.constant 1 : i32
    %dma_wait3A_412 = arith.constant 64 : i32
    %dma_wait3A_413 = arith.constant 0 : i32
    %dma_wait3A_414 = tpu.memref_slice %arg2[%add3A_8, %dma_wait3A_412, %dma_wait3A_413] : memref<128x384x256xf32, #tpu.memory_space<hbm>> -> memref<1x64x256xf32, #tpu.memory_space<hbm>>
    %dma_wait3A_415 = tpu.memref_squeeze %dma_wait3A_414 : memref<1x64x256xf32, #tpu.memory_space<hbm>> -> memref<64x256xf32, #tpu.memory_space<hbm>>
    %dma_wait3A_416 = tpu.memref_slice %arg13[%dma_wait3A_411] : memref<14x!tpu.dma_semaphore, #tpu.memory_space<semaphore_mem>> -> memref<1x!tpu.dma_semaphore, #tpu.memory_space<semaphore_mem>>
    %dma_wait3A_417 = tpu.memref_squeeze %dma_wait3A_416 : memref<1x!tpu.dma_semaphore, #tpu.memory_space<semaphore_mem>> -> memref<!tpu.dma_semaphore, #tpu.memory_space<semaphore_mem>>
    %dma_wait3A_418 = arith.constant 64 : i32
    %dma_wait3A_419 = arith.constant 0 : i32
    %dma_wait3A_420 = tpu.memref_slice %arg2[%add3A_8, %dma_wait3A_418, %dma_wait3A_419] : memref<128x384x256xf32, #tpu.memory_space<hbm>> -> memref<1x64x256xf32, #tpu.memory_space<hbm>>
    %dma_wait3A_421 = tpu.memref_squeeze %dma_wait3A_420 : memref<1x64x256xf32, #tpu.memory_space<hbm>> -> memref<64x256xf32, #tpu.memory_space<hbm>>
    tpu.wait_dma2 semaphore(%dma_wait3A_417 : memref<!tpu.dma_semaphore, #tpu.memory_space<semaphore_mem>>) src(%dma_wait3A_421 : memref<64x256xf32, #tpu.memory_space<hbm>>) dst(%arg8 : memref<64x256xf32, #tpu.memory_space<vmem>>)
    %dma_start3A_422 = arith.constant 7 : i32
    %dma_start3A_423 = arith.constant 96 : i32
    %dma_start3A_424 = arith.constant 0 : i32
    %dma_start3A_425 = tpu.memref_slice %arg4[%add3A_8, %dma_start3A_423, %dma_start3A_424] : memref<128x448x256xf32, #tpu.memory_space<hbm>> -> memref<1x64x256xf32, #tpu.memory_space<hbm>>
    %dma_start3A_426 = tpu.memref_squeeze %dma_start3A_425 : memref<1x64x256xf32, #tpu.memory_space<hbm>> -> memref<64x256xf32, #tpu.memory_space<hbm>>
    %dma_start3A_427 = tpu.memref_slice %arg13[%dma_start3A_422] : memref<14x!tpu.dma_semaphore, #tpu.memory_space<semaphore_mem>> -> memref<1x!tpu.dma_semaphore, #tpu.memory_space<semaphore_mem>>
    %dma_start3A_428 = tpu.memref_squeeze %dma_start3A_427 : memref<1x!tpu.dma_semaphore, #tpu.memory_space<semaphore_mem>> -> memref<!tpu.dma_semaphore, #tpu.memory_space<semaphore_mem>>
    %dma_start3A_429 = arith.constant 96 : i32
    %dma_start3A_430 = arith.constant 0 : i32
    %dma_start3A_431 = tpu.memref_slice %arg4[%add3A_8, %dma_start3A_429, %dma_start3A_430] : memref<128x448x256xf32, #tpu.memory_space<hbm>> -> memref<1x64x256xf32, #tpu.memory_space<hbm>>
    %dma_start3A_432 = tpu.memref_squeeze %dma_start3A_431 : memref<1x64x256xf32, #tpu.memory_space<hbm>> -> memref<64x256xf32, #tpu.memory_space<hbm>>
    tpu.enqueue_dma source(%arg8 : memref<64x256xf32, #tpu.memory_space<vmem>>) target(%dma_start3A_432 : memref<64x256xf32, #tpu.memory_space<hbm>>) target_semaphore(%dma_start3A_428 : memref<!tpu.dma_semaphore, #tpu.memory_space<semaphore_mem>>)
    %dma_wait3A_433 = arith.constant 11 : i32
    %dma_wait3A_434 = arith.constant 384 : i32
    %dma_wait3A_435 = arith.constant 0 : i32
    %dma_wait3A_436 = tpu.memref_slice %arg4[%add3A_4, %dma_wait3A_434, %dma_wait3A_435] : memref<128x448x256xf32, #tpu.memory_space<hbm>> -> memref<1x64x256xf32, #tpu.memory_space<hbm>>
    %dma_wait3A_437 = tpu.memref_squeeze %dma_wait3A_436 : memref<1x64x256xf32, #tpu.memory_space<hbm>> -> memref<64x256xf32, #tpu.memory_space<hbm>>
    %dma_wait3A_438 = tpu.memref_slice %arg13[%dma_wait3A_433] : memref<14x!tpu.dma_semaphore, #tpu.memory_space<semaphore_mem>> -> memref<1x!tpu.dma_semaphore, #tpu.memory_space<semaphore_mem>>
    %dma_wait3A_439 = tpu.memref_squeeze %dma_wait3A_438 : memref<1x!tpu.dma_semaphore, #tpu.memory_space<semaphore_mem>> -> memref<!tpu.dma_semaphore, #tpu.memory_space<semaphore_mem>>
    %dma_wait3A_440 = arith.constant 384 : i32
    %dma_wait3A_441 = arith.constant 0 : i32
    %dma_wait3A_442 = tpu.memref_slice %arg4[%add3A_4, %dma_wait3A_440, %dma_wait3A_441] : memref<128x448x256xf32, #tpu.memory_space<hbm>> -> memref<1x64x256xf32, #tpu.memory_space<hbm>>
    %dma_wait3A_443 = tpu.memref_squeeze %dma_wait3A_442 : memref<1x64x256xf32, #tpu.memory_space<hbm>> -> memref<64x256xf32, #tpu.memory_space<hbm>>
    tpu.wait_dma2 semaphore(%dma_wait3A_439 : memref<!tpu.dma_semaphore, #tpu.memory_space<semaphore_mem>>) src(%arg12 : memref<64x256xf32, #tpu.memory_space<vmem>>) dst(%dma_wait3A_443 : memref<64x256xf32, #tpu.memory_space<hbm>>)
    %dma_start3A_444 = arith.constant 5 : i32
    %dma_start3A_445 = arith.constant 320 : i32
    %dma_start3A_446 = arith.constant 0 : i32
    %dma_start3A_447 = tpu.memref_slice %arg2[%add3A_8, %dma_start3A_445, %dma_start3A_446] : memref<128x384x256xf32, #tpu.memory_space<hbm>> -> memref<1x64x256xf32, #tpu.memory_space<hbm>>
    %dma_start3A_448 = tpu.memref_squeeze %dma_start3A_447 : memref<1x64x256xf32, #tpu.memory_space<hbm>> -> memref<64x256xf32, #tpu.memory_space<hbm>>
    %dma_start3A_449 = tpu.memref_slice %arg13[%dma_start3A_444] : memref<14x!tpu.dma_semaphore, #tpu.memory_space<semaphore_mem>> -> memref<1x!tpu.dma_semaphore, #tpu.memory_space<semaphore_mem>>
    %dma_start3A_450 = tpu.memref_squeeze %dma_start3A_449 : memref<1x!tpu.dma_semaphore, #tpu.memory_space<semaphore_mem>> -> memref<!tpu.dma_semaphore, #tpu.memory_space<semaphore_mem>>
    %dma_start3A_451 = arith.constant 320 : i32
    %dma_start3A_452 = arith.constant 0 : i32
    %dma_start3A_453 = tpu.memref_slice %arg2[%add3A_8, %dma_start3A_451, %dma_start3A_452] : memref<128x384x256xf32, #tpu.memory_space<hbm>> -> memref<1x64x256xf32, #tpu.memory_space<hbm>>
    %dma_start3A_454 = tpu.memref_squeeze %dma_start3A_453 : memref<1x64x256xf32, #tpu.memory_space<hbm>> -> memref<64x256xf32, #tpu.memory_space<hbm>>
    tpu.enqueue_dma source(%dma_start3A_454 : memref<64x256xf32, #tpu.memory_space<hbm>>) target(%arg12 : memref<64x256xf32, #tpu.memory_space<vmem>>) target_semaphore(%dma_start3A_450 : memref<!tpu.dma_semaphore, #tpu.memory_space<semaphore_mem>>)
    %dma_wait3A_455 = arith.constant 2 : i32
    %dma_wait3A_456 = arith.constant 128 : i32
    %dma_wait3A_457 = arith.constant 0 : i32
    %dma_wait3A_458 = tpu.memref_slice %arg2[%add3A_8, %dma_wait3A_456, %dma_wait3A_457] : memref<128x384x256xf32, #tpu.memory_space<hbm>> -> memref<1x64x256xf32, #tpu.memory_space<hbm>>
    %dma_wait3A_459 = tpu.memref_squeeze %dma_wait3A_458 : memref<1x64x256xf32, #tpu.memory_space<hbm>> -> memref<64x256xf32, #tpu.memory_space<hbm>>
    %dma_wait3A_460 = tpu.memref_slice %arg13[%dma_wait3A_455] : memref<14x!tpu.dma_semaphore, #tpu.memory_space<semaphore_mem>> -> memref<1x!tpu.dma_semaphore, #tpu.memory_space<semaphore_mem>>
    %dma_wait3A_461 = tpu.memref_squeeze %dma_wait3A_460 : memref<1x!tpu.dma_semaphore, #tpu.memory_space<semaphore_mem>> -> memref<!tpu.dma_semaphore, #tpu.memory_space<semaphore_mem>>
    %dma_wait3A_462 = arith.constant 128 : i32
    %dma_wait3A_463 = arith.constant 0 : i32
    %dma_wait3A_464 = tpu.memref_slice %arg2[%add3A_8, %dma_wait3A_462, %dma_wait3A_463] : memref<128x384x256xf32, #tpu.memory_space<hbm>> -> memref<1x64x256xf32, #tpu.memory_space<hbm>>
    %dma_wait3A_465 = tpu.memref_squeeze %dma_wait3A_464 : memref<1x64x256xf32, #tpu.memory_space<hbm>> -> memref<64x256xf32, #tpu.memory_space<hbm>>
    tpu.wait_dma2 semaphore(%dma_wait3A_461 : memref<!tpu.dma_semaphore, #tpu.memory_space<semaphore_mem>>) src(%dma_wait3A_465 : memref<64x256xf32, #tpu.memory_space<hbm>>) dst(%arg9 : memref<64x256xf32, #tpu.memory_space<vmem>>)
    %dma_start3A_466 = arith.constant 8 : i32
    %dma_start3A_467 = arith.constant 160 : i32
    %dma_start3A_468 = arith.constant 0 : i32
    %dma_start3A_469 = tpu.memref_slice %arg4[%add3A_8, %dma_start3A_467, %dma_start3A_468] : memref<128x448x256xf32, #tpu.memory_space<hbm>> -> memref<1x64x256xf32, #tpu.memory_space<hbm>>
    %dma_start3A_470 = tpu.memref_squeeze %dma_start3A_469 : memref<1x64x256xf32, #tpu.memory_space<hbm>> -> memref<64x256xf32, #tpu.memory_space<hbm>>
    %dma_start3A_471 = tpu.memref_slice %arg13[%dma_start3A_466] : memref<14x!tpu.dma_semaphore, #tpu.memory_space<semaphore_mem>> -> memref<1x!tpu.dma_semaphore, #tpu.memory_space<semaphore_mem>>
    %dma_start3A_472 = tpu.memref_squeeze %dma_start3A_471 : memref<1x!tpu.dma_semaphore, #tpu.memory_space<semaphore_mem>> -> memref<!tpu.dma_semaphore, #tpu.memory_space<semaphore_mem>>
    %dma_start3A_473 = arith.constant 160 : i32
    %dma_start3A_474 = arith.constant 0 : i32
    %dma_start3A_475 = tpu.memref_slice %arg4[%add3A_8, %dma_start3A_473, %dma_start3A_474] : memref<128x448x256xf32, #tpu.memory_space<hbm>> -> memref<1x64x256xf32, #tpu.memory_space<hbm>>
    %dma_start3A_476 = tpu.memref_squeeze %dma_start3A_475 : memref<1x64x256xf32, #tpu.memory_space<hbm>> -> memref<64x256xf32, #tpu.memory_space<hbm>>
    tpu.enqueue_dma source(%arg9 : memref<64x256xf32, #tpu.memory_space<vmem>>) target(%dma_start3A_476 : memref<64x256xf32, #tpu.memory_space<hbm>>) target_semaphore(%dma_start3A_472 : memref<!tpu.dma_semaphore, #tpu.memory_space<semaphore_mem>>)
    %dma_wait3A_477 = arith.constant 6 : i32
    %dma_wait3A_478 = arith.constant 0 : i32
    %dma_wait3A_479 = arith.constant 0 : i32
    %dma_wait3A_480 = tpu.memref_slice %arg4[%add3A_8, %dma_wait3A_478, %dma_wait3A_479] : memref<128x448x256xf32, #tpu.memory_space<hbm>> -> memref<1x64x256xf32, #tpu.memory_space<hbm>>
    %dma_wait3A_481 = tpu.memref_squeeze %dma_wait3A_480 : memref<1x64x256xf32, #tpu.memory_space<hbm>> -> memref<64x256xf32, #tpu.memory_space<hbm>>
    %dma_wait3A_482 = tpu.memref_slice %arg13[%dma_wait3A_477] : memref<14x!tpu.dma_semaphore, #tpu.memory_space<semaphore_mem>> -> memref<1x!tpu.dma_semaphore, #tpu.memory_space<semaphore_mem>>
    %dma_wait3A_483 = tpu.memref_squeeze %dma_wait3A_482 : memref<1x!tpu.dma_semaphore, #tpu.memory_space<semaphore_mem>> -> memref<!tpu.dma_semaphore, #tpu.memory_space<semaphore_mem>>
    %dma_wait3A_484 = arith.constant 0 : i32
    %dma_wait3A_485 = arith.constant 0 : i32
    %dma_wait3A_486 = tpu.memref_slice %arg4[%add3A_8, %dma_wait3A_484, %dma_wait3A_485] : memref<128x448x256xf32, #tpu.memory_space<hbm>> -> memref<1x64x256xf32, #tpu.memory_space<hbm>>
    %dma_wait3A_487 = tpu.memref_squeeze %dma_wait3A_486 : memref<1x64x256xf32, #tpu.memory_space<hbm>> -> memref<64x256xf32, #tpu.memory_space<hbm>>
    tpu.wait_dma2 semaphore(%dma_wait3A_483 : memref<!tpu.dma_semaphore, #tpu.memory_space<semaphore_mem>>) src(%arg7 : memref<64x256xf32, #tpu.memory_space<vmem>>) dst(%dma_wait3A_487 : memref<64x256xf32, #tpu.memory_space<hbm>>)
    %dma_start3A_488 = arith.constant 0 : i32
    %dma_start3A_489 = arith.constant 0 : i32
    %dma_start3A_490 = arith.constant 0 : i32
    %dma_start3A_491 = tpu.memref_slice %arg2[%add3A_12, %dma_start3A_489, %dma_start3A_490] : memref<128x384x256xf32, #tpu.memory_space<hbm>> -> memref<1x64x256xf32, #tpu.memory_space<hbm>>
    %dma_start3A_492 = tpu.memref_squeeze %dma_start3A_491 : memref<1x64x256xf32, #tpu.memory_space<hbm>> -> memref<64x256xf32, #tpu.memory_space<hbm>>
    %dma_start3A_493 = tpu.memref_slice %arg13[%dma_start3A_488] : memref<14x!tpu.dma_semaphore, #tpu.memory_space<semaphore_mem>> -> memref<1x!tpu.dma_semaphore, #tpu.memory_space<semaphore_mem>>
    %dma_start3A_494 = tpu.memref_squeeze %dma_start3A_493 : memref<1x!tpu.dma_semaphore, #tpu.memory_space<semaphore_mem>> -> memref<!tpu.dma_semaphore, #tpu.memory_space<semaphore_mem>>
    %dma_start3A_495 = arith.constant 0 : i32
    %dma_start3A_496 = arith.constant 0 : i32
    %dma_start3A_497 = tpu.memref_slice %arg2[%add3A_12, %dma_start3A_495, %dma_start3A_496] : memref<128x384x256xf32, #tpu.memory_space<hbm>> -> memref<1x64x256xf32, #tpu.memory_space<hbm>>
    %dma_start3A_498 = tpu.memref_squeeze %dma_start3A_497 : memref<1x64x256xf32, #tpu.memory_space<hbm>> -> memref<64x256xf32, #tpu.memory_space<hbm>>
    tpu.enqueue_dma source(%dma_start3A_498 : memref<64x256xf32, #tpu.memory_space<hbm>>) target(%arg7 : memref<64x256xf32, #tpu.memory_space<vmem>>) target_semaphore(%dma_start3A_494 : memref<!tpu.dma_semaphore, #tpu.memory_space<semaphore_mem>>)
    %dma_wait3A_499 = arith.constant 12 : i32
    %dma_wait3A_500 = arith.constant 64 : i32
    %dma_wait3A_501 = arith.constant 0 : i32
    %dma_wait3A_502 = tpu.memref_slice %arg4[%add3A_8, %dma_wait3A_500, %dma_wait3A_501] : memref<128x448x256xf32, #tpu.memory_space<hbm>> -> memref<1x32x256xf32, #tpu.memory_space<hbm>>
    %dma_wait3A_503 = tpu.memref_squeeze %dma_wait3A_502 : memref<1x32x256xf32, #tpu.memory_space<hbm>> -> memref<32x256xf32, #tpu.memory_space<hbm>>
    %dma_wait3A_504 = tpu.memref_slice %arg13[%dma_wait3A_499] : memref<14x!tpu.dma_semaphore, #tpu.memory_space<semaphore_mem>> -> memref<1x!tpu.dma_semaphore, #tpu.memory_space<semaphore_mem>>
    %dma_wait3A_505 = tpu.memref_squeeze %dma_wait3A_504 : memref<1x!tpu.dma_semaphore, #tpu.memory_space<semaphore_mem>> -> memref<!tpu.dma_semaphore, #tpu.memory_space<semaphore_mem>>
    %dma_wait3A_506 = arith.constant 64 : i32
    %dma_wait3A_507 = arith.constant 0 : i32
    %dma_wait3A_508 = tpu.memref_slice %arg4[%add3A_8, %dma_wait3A_506, %dma_wait3A_507] : memref<128x448x256xf32, #tpu.memory_space<hbm>> -> memref<1x32x256xf32, #tpu.memory_space<hbm>>
    %dma_wait3A_509 = tpu.memref_squeeze %dma_wait3A_508 : memref<1x32x256xf32, #tpu.memory_space<hbm>> -> memref<32x256xf32, #tpu.memory_space<hbm>>
    tpu.wait_dma2 semaphore(%dma_wait3A_505 : memref<!tpu.dma_semaphore, #tpu.memory_space<semaphore_mem>>) src(%arg5 : memref<32x256xf32, #tpu.memory_space<vmem>>) dst(%dma_wait3A_509 : memref<32x256xf32, #tpu.memory_space<hbm>>)
    %dma_wait3A_510 = arith.constant 13 : i32
    %dma_wait3A_511 = arith.constant 352 : i32
    %dma_wait3A_512 = arith.constant 0 : i32
    %dma_wait3A_513 = tpu.memref_slice %arg4[%add3A_8, %dma_wait3A_511, %dma_wait3A_512] : memref<128x448x256xf32, #tpu.memory_space<hbm>> -> memref<1x32x256xf32, #tpu.memory_space<hbm>>
    %dma_wait3A_514 = tpu.memref_squeeze %dma_wait3A_513 : memref<1x32x256xf32, #tpu.memory_space<hbm>> -> memref<32x256xf32, #tpu.memory_space<hbm>>
    %dma_wait3A_515 = tpu.memref_slice %arg13[%dma_wait3A_510] : memref<14x!tpu.dma_semaphore, #tpu.memory_space<semaphore_mem>> -> memref<1x!tpu.dma_semaphore, #tpu.memory_space<semaphore_mem>>
    %dma_wait3A_516 = tpu.memref_squeeze %dma_wait3A_515 : memref<1x!tpu.dma_semaphore, #tpu.memory_space<semaphore_mem>> -> memref<!tpu.dma_semaphore, #tpu.memory_space<semaphore_mem>>
    %dma_wait3A_517 = arith.constant 352 : i32
    %dma_wait3A_518 = arith.constant 0 : i32
    %dma_wait3A_519 = tpu.memref_slice %arg4[%add3A_8, %dma_wait3A_517, %dma_wait3A_518] : memref<128x448x256xf32, #tpu.memory_space<hbm>> -> memref<1x32x256xf32, #tpu.memory_space<hbm>>
    %dma_wait3A_520 = tpu.memref_squeeze %dma_wait3A_519 : memref<1x32x256xf32, #tpu.memory_space<hbm>> -> memref<32x256xf32, #tpu.memory_space<hbm>>
    tpu.wait_dma2 semaphore(%dma_wait3A_516 : memref<!tpu.dma_semaphore, #tpu.memory_space<semaphore_mem>>) src(%arg6 : memref<32x256xf32, #tpu.memory_space<vmem>>) dst(%dma_wait3A_520 : memref<32x256xf32, #tpu.memory_space<hbm>>)
    %dma_start3A_521 = arith.constant 12 : i32
    %dma_start3A_522 = arith.constant 64 : i32
    %dma_start3A_523 = arith.constant 0 : i32
    %dma_start3A_524 = tpu.memref_slice %arg4[%add3A_12, %dma_start3A_522, %dma_start3A_523] : memref<128x448x256xf32, #tpu.memory_space<hbm>> -> memref<1x32x256xf32, #tpu.memory_space<hbm>>
    %dma_start3A_525 = tpu.memref_squeeze %dma_start3A_524 : memref<1x32x256xf32, #tpu.memory_space<hbm>> -> memref<32x256xf32, #tpu.memory_space<hbm>>
    %dma_start3A_526 = tpu.memref_slice %arg13[%dma_start3A_521] : memref<14x!tpu.dma_semaphore, #tpu.memory_space<semaphore_mem>> -> memref<1x!tpu.dma_semaphore, #tpu.memory_space<semaphore_mem>>
    %dma_start3A_527 = tpu.memref_squeeze %dma_start3A_526 : memref<1x!tpu.dma_semaphore, #tpu.memory_space<semaphore_mem>> -> memref<!tpu.dma_semaphore, #tpu.memory_space<semaphore_mem>>
    %dma_start3A_528 = arith.constant 64 : i32
    %dma_start3A_529 = arith.constant 0 : i32
    %dma_start3A_530 = tpu.memref_slice %arg4[%add3A_12, %dma_start3A_528, %dma_start3A_529] : memref<128x448x256xf32, #tpu.memory_space<hbm>> -> memref<1x32x256xf32, #tpu.memory_space<hbm>>
    %dma_start3A_531 = tpu.memref_squeeze %dma_start3A_530 : memref<1x32x256xf32, #tpu.memory_space<hbm>> -> memref<32x256xf32, #tpu.memory_space<hbm>>
    tpu.enqueue_dma source(%arg5 : memref<32x256xf32, #tpu.memory_space<vmem>>) target(%dma_start3A_531 : memref<32x256xf32, #tpu.memory_space<hbm>>) target_semaphore(%dma_start3A_527 : memref<!tpu.dma_semaphore, #tpu.memory_space<semaphore_mem>>)
    %dma_start3A_532 = arith.constant 13 : i32
    %dma_start3A_533 = arith.constant 352 : i32
    %dma_start3A_534 = arith.constant 0 : i32
    %dma_start3A_535 = tpu.memref_slice %arg4[%add3A_12, %dma_start3A_533, %dma_start3A_534] : memref<128x448x256xf32, #tpu.memory_space<hbm>> -> memref<1x32x256xf32, #tpu.memory_space<hbm>>
    %dma_start3A_536 = tpu.memref_squeeze %dma_start3A_535 : memref<1x32x256xf32, #tpu.memory_space<hbm>> -> memref<32x256xf32, #tpu.memory_space<hbm>>
    %dma_start3A_537 = tpu.memref_slice %arg13[%dma_start3A_532] : memref<14x!tpu.dma_semaphore, #tpu.memory_space<semaphore_mem>> -> memref<1x!tpu.dma_semaphore, #tpu.memory_space<semaphore_mem>>
    %dma_start3A_538 = tpu.memref_squeeze %dma_start3A_537 : memref<1x!tpu.dma_semaphore, #tpu.memory_space<semaphore_mem>> -> memref<!tpu.dma_semaphore, #tpu.memory_space<semaphore_mem>>
    %dma_start3A_539 = arith.constant 352 : i32
    %dma_start3A_540 = arith.constant 0 : i32
    %dma_start3A_541 = tpu.memref_slice %arg4[%add3A_12, %dma_start3A_539, %dma_start3A_540] : memref<128x448x256xf32, #tpu.memory_space<hbm>> -> memref<1x32x256xf32, #tpu.memory_space<hbm>>
    %dma_start3A_542 = tpu.memref_squeeze %dma_start3A_541 : memref<1x32x256xf32, #tpu.memory_space<hbm>> -> memref<32x256xf32, #tpu.memory_space<hbm>>
    tpu.enqueue_dma source(%arg6 : memref<32x256xf32, #tpu.memory_space<vmem>>) target(%dma_start3A_542 : memref<32x256xf32, #tpu.memory_space<hbm>>) target_semaphore(%dma_start3A_538 : memref<!tpu.dma_semaphore, #tpu.memory_space<semaphore_mem>>)
    %dma_wait3A_543 = arith.constant 3 : i32
    %dma_wait3A_544 = arith.constant 192 : i32
    %dma_wait3A_545 = arith.constant 0 : i32
    %dma_wait3A_546 = tpu.memref_slice %arg2[%add3A_8, %dma_wait3A_544, %dma_wait3A_545] : memref<128x384x256xf32, #tpu.memory_space<hbm>> -> memref<1x64x256xf32, #tpu.memory_space<hbm>>
    %dma_wait3A_547 = tpu.memref_squeeze %dma_wait3A_546 : memref<1x64x256xf32, #tpu.memory_space<hbm>> -> memref<64x256xf32, #tpu.memory_space<hbm>>
    %dma_wait3A_548 = tpu.memref_slice %arg13[%dma_wait3A_543] : memref<14x!tpu.dma_semaphore, #tpu.memory_space<semaphore_mem>> -> memref<1x!tpu.dma_semaphore, #tpu.memory_space<semaphore_mem>>
    %dma_wait3A_549 = tpu.memref_squeeze %dma_wait3A_548 : memref<1x!tpu.dma_semaphore, #tpu.memory_space<semaphore_mem>> -> memref<!tpu.dma_semaphore, #tpu.memory_space<semaphore_mem>>
    %dma_wait3A_550 = arith.constant 192 : i32
    %dma_wait3A_551 = arith.constant 0 : i32
    %dma_wait3A_552 = tpu.memref_slice %arg2[%add3A_8, %dma_wait3A_550, %dma_wait3A_551] : memref<128x384x256xf32, #tpu.memory_space<hbm>> -> memref<1x64x256xf32, #tpu.memory_space<hbm>>
    %dma_wait3A_553 = tpu.memref_squeeze %dma_wait3A_552 : memref<1x64x256xf32, #tpu.memory_space<hbm>> -> memref<64x256xf32, #tpu.memory_space<hbm>>
    tpu.wait_dma2 semaphore(%dma_wait3A_549 : memref<!tpu.dma_semaphore, #tpu.memory_space<semaphore_mem>>) src(%dma_wait3A_553 : memref<64x256xf32, #tpu.memory_space<hbm>>) dst(%arg10 : memref<64x256xf32, #tpu.memory_space<vmem>>)
    %dma_start3A_554 = arith.constant 9 : i32
    %dma_start3A_555 = arith.constant 224 : i32
    %dma_start3A_556 = arith.constant 0 : i32
    %dma_start3A_557 = tpu.memref_slice %arg4[%add3A_8, %dma_start3A_555, %dma_start3A_556] : memref<128x448x256xf32, #tpu.memory_space<hbm>> -> memref<1x64x256xf32, #tpu.memory_space<hbm>>
    %dma_start3A_558 = tpu.memref_squeeze %dma_start3A_557 : memref<1x64x256xf32, #tpu.memory_space<hbm>> -> memref<64x256xf32, #tpu.memory_space<hbm>>
    %dma_start3A_559 = tpu.memref_slice %arg13[%dma_start3A_554] : memref<14x!tpu.dma_semaphore, #tpu.memory_space<semaphore_mem>> -> memref<1x!tpu.dma_semaphore, #tpu.memory_space<semaphore_mem>>
    %dma_start3A_560 = tpu.memref_squeeze %dma_start3A_559 : memref<1x!tpu.dma_semaphore, #tpu.memory_space<semaphore_mem>> -> memref<!tpu.dma_semaphore, #tpu.memory_space<semaphore_mem>>
    %dma_start3A_561 = arith.constant 224 : i32
    %dma_start3A_562 = arith.constant 0 : i32
    %dma_start3A_563 = tpu.memref_slice %arg4[%add3A_8, %dma_start3A_561, %dma_start3A_562] : memref<128x448x256xf32, #tpu.memory_space<hbm>> -> memref<1x64x256xf32, #tpu.memory_space<hbm>>
    %dma_start3A_564 = tpu.memref_squeeze %dma_start3A_563 : memref<1x64x256xf32, #tpu.memory_space<hbm>> -> memref<64x256xf32, #tpu.memory_space<hbm>>
    tpu.enqueue_dma source(%arg10 : memref<64x256xf32, #tpu.memory_space<vmem>>) target(%dma_start3A_564 : memref<64x256xf32, #tpu.memory_space<hbm>>) target_semaphore(%dma_start3A_560 : memref<!tpu.dma_semaphore, #tpu.memory_space<semaphore_mem>>)
    %dma_wait3A_565 = arith.constant 7 : i32
    %dma_wait3A_566 = arith.constant 96 : i32
    %dma_wait3A_567 = arith.constant 0 : i32
    %dma_wait3A_568 = tpu.memref_slice %arg4[%add3A_8, %dma_wait3A_566, %dma_wait3A_567] : memref<128x448x256xf32, #tpu.memory_space<hbm>> -> memref<1x64x256xf32, #tpu.memory_space<hbm>>
    %dma_wait3A_569 = tpu.memref_squeeze %dma_wait3A_568 : memref<1x64x256xf32, #tpu.memory_space<hbm>> -> memref<64x256xf32, #tpu.memory_space<hbm>>
    %dma_wait3A_570 = tpu.memref_slice %arg13[%dma_wait3A_565] : memref<14x!tpu.dma_semaphore, #tpu.memory_space<semaphore_mem>> -> memref<1x!tpu.dma_semaphore, #tpu.memory_space<semaphore_mem>>
    %dma_wait3A_571 = tpu.memref_squeeze %dma_wait3A_570 : memref<1x!tpu.dma_semaphore, #tpu.memory_space<semaphore_mem>> -> memref<!tpu.dma_semaphore, #tpu.memory_space<semaphore_mem>>
    %dma_wait3A_572 = arith.constant 96 : i32
    %dma_wait3A_573 = arith.constant 0 : i32
    %dma_wait3A_574 = tpu.memref_slice %arg4[%add3A_8, %dma_wait3A_572, %dma_wait3A_573] : memref<128x448x256xf32, #tpu.memory_space<hbm>> -> memref<1x64x256xf32, #tpu.memory_space<hbm>>
    %dma_wait3A_575 = tpu.memref_squeeze %dma_wait3A_574 : memref<1x64x256xf32, #tpu.memory_space<hbm>> -> memref<64x256xf32, #tpu.memory_space<hbm>>
    tpu.wait_dma2 semaphore(%dma_wait3A_571 : memref<!tpu.dma_semaphore, #tpu.memory_space<semaphore_mem>>) src(%arg8 : memref<64x256xf32, #tpu.memory_space<vmem>>) dst(%dma_wait3A_575 : memref<64x256xf32, #tpu.memory_space<hbm>>)
    %dma_start3A_576 = arith.constant 1 : i32
    %dma_start3A_577 = arith.constant 64 : i32
    %dma_start3A_578 = arith.constant 0 : i32
    %dma_start3A_579 = tpu.memref_slice %arg2[%add3A_12, %dma_start3A_577, %dma_start3A_578] : memref<128x384x256xf32, #tpu.memory_space<hbm>> -> memref<1x64x256xf32, #tpu.memory_space<hbm>>
    %dma_start3A_580 = tpu.memref_squeeze %dma_start3A_579 : memref<1x64x256xf32, #tpu.memory_space<hbm>> -> memref<64x256xf32, #tpu.memory_space<hbm>>
    %dma_start3A_581 = tpu.memref_slice %arg13[%dma_start3A_576] : memref<14x!tpu.dma_semaphore, #tpu.memory_space<semaphore_mem>> -> memref<1x!tpu.dma_semaphore, #tpu.memory_space<semaphore_mem>>
    %dma_start3A_582 = tpu.memref_squeeze %dma_start3A_581 : memref<1x!tpu.dma_semaphore, #tpu.memory_space<semaphore_mem>> -> memref<!tpu.dma_semaphore, #tpu.memory_space<semaphore_mem>>
    %dma_start3A_583 = arith.constant 64 : i32
    %dma_start3A_584 = arith.constant 0 : i32
    %dma_start3A_585 = tpu.memref_slice %arg2[%add3A_12, %dma_start3A_583, %dma_start3A_584] : memref<128x384x256xf32, #tpu.memory_space<hbm>> -> memref<1x64x256xf32, #tpu.memory_space<hbm>>
    %dma_start3A_586 = tpu.memref_squeeze %dma_start3A_585 : memref<1x64x256xf32, #tpu.memory_space<hbm>> -> memref<64x256xf32, #tpu.memory_space<hbm>>
    tpu.enqueue_dma source(%dma_start3A_586 : memref<64x256xf32, #tpu.memory_space<hbm>>) target(%arg8 : memref<64x256xf32, #tpu.memory_space<vmem>>) target_semaphore(%dma_start3A_582 : memref<!tpu.dma_semaphore, #tpu.memory_space<semaphore_mem>>)
    %dma_wait3A_587 = arith.constant 4 : i32
    %dma_wait3A_588 = arith.constant 256 : i32
    %dma_wait3A_589 = arith.constant 0 : i32
    %dma_wait3A_590 = tpu.memref_slice %arg2[%add3A_8, %dma_wait3A_588, %dma_wait3A_589] : memref<128x384x256xf32, #tpu.memory_space<hbm>> -> memref<1x64x256xf32, #tpu.memory_space<hbm>>
    %dma_wait3A_591 = tpu.memref_squeeze %dma_wait3A_590 : memref<1x64x256xf32, #tpu.memory_space<hbm>> -> memref<64x256xf32, #tpu.memory_space<hbm>>
    %dma_wait3A_592 = tpu.memref_slice %arg13[%dma_wait3A_587] : memref<14x!tpu.dma_semaphore, #tpu.memory_space<semaphore_mem>> -> memref<1x!tpu.dma_semaphore, #tpu.memory_space<semaphore_mem>>
    %dma_wait3A_593 = tpu.memref_squeeze %dma_wait3A_592 : memref<1x!tpu.dma_semaphore, #tpu.memory_space<semaphore_mem>> -> memref<!tpu.dma_semaphore, #tpu.memory_space<semaphore_mem>>
    %dma_wait3A_594 = arith.constant 256 : i32
    %dma_wait3A_595 = arith.constant 0 : i32
    %dma_wait3A_596 = tpu.memref_slice %arg2[%add3A_8, %dma_wait3A_594, %dma_wait3A_595] : memref<128x384x256xf32, #tpu.memory_space<hbm>> -> memref<1x64x256xf32, #tpu.memory_space<hbm>>
    %dma_wait3A_597 = tpu.memref_squeeze %dma_wait3A_596 : memref<1x64x256xf32, #tpu.memory_space<hbm>> -> memref<64x256xf32, #tpu.memory_space<hbm>>
    tpu.wait_dma2 semaphore(%dma_wait3A_593 : memref<!tpu.dma_semaphore, #tpu.memory_space<semaphore_mem>>) src(%dma_wait3A_597 : memref<64x256xf32, #tpu.memory_space<hbm>>) dst(%arg11 : memref<64x256xf32, #tpu.memory_space<vmem>>)
    %dma_start3A_598 = arith.constant 10 : i32
    %dma_start3A_599 = arith.constant 288 : i32
    %dma_start3A_600 = arith.constant 0 : i32
    %dma_start3A_601 = tpu.memref_slice %arg4[%add3A_8, %dma_start3A_599, %dma_start3A_600] : memref<128x448x256xf32, #tpu.memory_space<hbm>> -> memref<1x64x256xf32, #tpu.memory_space<hbm>>
    %dma_start3A_602 = tpu.memref_squeeze %dma_start3A_601 : memref<1x64x256xf32, #tpu.memory_space<hbm>> -> memref<64x256xf32, #tpu.memory_space<hbm>>
    %dma_start3A_603 = tpu.memref_slice %arg13[%dma_start3A_598] : memref<14x!tpu.dma_semaphore, #tpu.memory_space<semaphore_mem>> -> memref<1x!tpu.dma_semaphore, #tpu.memory_space<semaphore_mem>>
    %dma_start3A_604 = tpu.memref_squeeze %dma_start3A_603 : memref<1x!tpu.dma_semaphore, #tpu.memory_space<semaphore_mem>> -> memref<!tpu.dma_semaphore, #tpu.memory_space<semaphore_mem>>
    %dma_start3A_605 = arith.constant 288 : i32
    %dma_start3A_606 = arith.constant 0 : i32
    %dma_start3A_607 = tpu.memref_slice %arg4[%add3A_8, %dma_start3A_605, %dma_start3A_606] : memref<128x448x256xf32, #tpu.memory_space<hbm>> -> memref<1x64x256xf32, #tpu.memory_space<hbm>>
    %dma_start3A_608 = tpu.memref_squeeze %dma_start3A_607 : memref<1x64x256xf32, #tpu.memory_space<hbm>> -> memref<64x256xf32, #tpu.memory_space<hbm>>
    tpu.enqueue_dma source(%arg11 : memref<64x256xf32, #tpu.memory_space<vmem>>) target(%dma_start3A_608 : memref<64x256xf32, #tpu.memory_space<hbm>>) target_semaphore(%dma_start3A_604 : memref<!tpu.dma_semaphore, #tpu.memory_space<semaphore_mem>>)
    %dma_wait3A_609 = arith.constant 8 : i32
    %dma_wait3A_610 = arith.constant 160 : i32
    %dma_wait3A_611 = arith.constant 0 : i32
    %dma_wait3A_612 = tpu.memref_slice %arg4[%add3A_8, %dma_wait3A_610, %dma_wait3A_611] : memref<128x448x256xf32, #tpu.memory_space<hbm>> -> memref<1x64x256xf32, #tpu.memory_space<hbm>>
    %dma_wait3A_613 = tpu.memref_squeeze %dma_wait3A_612 : memref<1x64x256xf32, #tpu.memory_space<hbm>> -> memref<64x256xf32, #tpu.memory_space<hbm>>
    %dma_wait3A_614 = tpu.memref_slice %arg13[%dma_wait3A_609] : memref<14x!tpu.dma_semaphore, #tpu.memory_space<semaphore_mem>> -> memref<1x!tpu.dma_semaphore, #tpu.memory_space<semaphore_mem>>
    %dma_wait3A_615 = tpu.memref_squeeze %dma_wait3A_614 : memref<1x!tpu.dma_semaphore, #tpu.memory_space<semaphore_mem>> -> memref<!tpu.dma_semaphore, #tpu.memory_space<semaphore_mem>>
    %dma_wait3A_616 = arith.constant 160 : i32
    %dma_wait3A_617 = arith.constant 0 : i32
    %dma_wait3A_618 = tpu.memref_slice %arg4[%add3A_8, %dma_wait3A_616, %dma_wait3A_617] : memref<128x448x256xf32, #tpu.memory_space<hbm>> -> memref<1x64x256xf32, #tpu.memory_space<hbm>>
    %dma_wait3A_619 = tpu.memref_squeeze %dma_wait3A_618 : memref<1x64x256xf32, #tpu.memory_space<hbm>> -> memref<64x256xf32, #tpu.memory_space<hbm>>
    tpu.wait_dma2 semaphore(%dma_wait3A_615 : memref<!tpu.dma_semaphore, #tpu.memory_space<semaphore_mem>>) src(%arg9 : memref<64x256xf32, #tpu.memory_space<vmem>>) dst(%dma_wait3A_619 : memref<64x256xf32, #tpu.memory_space<hbm>>)
    %dma_start3A_620 = arith.constant 2 : i32
    %dma_start3A_621 = arith.constant 128 : i32
    %dma_start3A_622 = arith.constant 0 : i32
    %dma_start3A_623 = tpu.memref_slice %arg2[%add3A_12, %dma_start3A_621, %dma_start3A_622] : memref<128x384x256xf32, #tpu.memory_space<hbm>> -> memref<1x64x256xf32, #tpu.memory_space<hbm>>
    %dma_start3A_624 = tpu.memref_squeeze %dma_start3A_623 : memref<1x64x256xf32, #tpu.memory_space<hbm>> -> memref<64x256xf32, #tpu.memory_space<hbm>>
    %dma_start3A_625 = tpu.memref_slice %arg13[%dma_start3A_620] : memref<14x!tpu.dma_semaphore, #tpu.memory_space<semaphore_mem>> -> memref<1x!tpu.dma_semaphore, #tpu.memory_space<semaphore_mem>>
    %dma_start3A_626 = tpu.memref_squeeze %dma_start3A_625 : memref<1x!tpu.dma_semaphore, #tpu.memory_space<semaphore_mem>> -> memref<!tpu.dma_semaphore, #tpu.memory_space<semaphore_mem>>
    %dma_start3A_627 = arith.constant 128 : i32
    %dma_start3A_628 = arith.constant 0 : i32
    %dma_start3A_629 = tpu.memref_slice %arg2[%add3A_12, %dma_start3A_627, %dma_start3A_628] : memref<128x384x256xf32, #tpu.memory_space<hbm>> -> memref<1x64x256xf32, #tpu.memory_space<hbm>>
    %dma_start3A_630 = tpu.memref_squeeze %dma_start3A_629 : memref<1x64x256xf32, #tpu.memory_space<hbm>> -> memref<64x256xf32, #tpu.memory_space<hbm>>
    tpu.enqueue_dma source(%dma_start3A_630 : memref<64x256xf32, #tpu.memory_space<hbm>>) target(%arg9 : memref<64x256xf32, #tpu.memory_space<vmem>>) target_semaphore(%dma_start3A_626 : memref<!tpu.dma_semaphore, #tpu.memory_space<semaphore_mem>>)
    %dma_wait3A_631 = arith.constant 5 : i32
    %dma_wait3A_632 = arith.constant 320 : i32
    %dma_wait3A_633 = arith.constant 0 : i32
    %dma_wait3A_634 = tpu.memref_slice %arg2[%add3A_8, %dma_wait3A_632, %dma_wait3A_633] : memref<128x384x256xf32, #tpu.memory_space<hbm>> -> memref<1x64x256xf32, #tpu.memory_space<hbm>>
    %dma_wait3A_635 = tpu.memref_squeeze %dma_wait3A_634 : memref<1x64x256xf32, #tpu.memory_space<hbm>> -> memref<64x256xf32, #tpu.memory_space<hbm>>
    %dma_wait3A_636 = tpu.memref_slice %arg13[%dma_wait3A_631] : memref<14x!tpu.dma_semaphore, #tpu.memory_space<semaphore_mem>> -> memref<1x!tpu.dma_semaphore, #tpu.memory_space<semaphore_mem>>
    %dma_wait3A_637 = tpu.memref_squeeze %dma_wait3A_636 : memref<1x!tpu.dma_semaphore, #tpu.memory_space<semaphore_mem>> -> memref<!tpu.dma_semaphore, #tpu.memory_space<semaphore_mem>>
    %dma_wait3A_638 = arith.constant 320 : i32
    %dma_wait3A_639 = arith.constant 0 : i32
    %dma_wait3A_640 = tpu.memref_slice %arg2[%add3A_8, %dma_wait3A_638, %dma_wait3A_639] : memref<128x384x256xf32, #tpu.memory_space<hbm>> -> memref<1x64x256xf32, #tpu.memory_space<hbm>>
    %dma_wait3A_641 = tpu.memref_squeeze %dma_wait3A_640 : memref<1x64x256xf32, #tpu.memory_space<hbm>> -> memref<64x256xf32, #tpu.memory_space<hbm>>
    tpu.wait_dma2 semaphore(%dma_wait3A_637 : memref<!tpu.dma_semaphore, #tpu.memory_space<semaphore_mem>>) src(%dma_wait3A_641 : memref<64x256xf32, #tpu.memory_space<hbm>>) dst(%arg12 : memref<64x256xf32, #tpu.memory_space<vmem>>)
    %dma_start3A_642 = arith.constant 11 : i32
    %dma_start3A_643 = arith.constant 384 : i32
    %dma_start3A_644 = arith.constant 0 : i32
    %dma_start3A_645 = tpu.memref_slice %arg4[%add3A_8, %dma_start3A_643, %dma_start3A_644] : memref<128x448x256xf32, #tpu.memory_space<hbm>> -> memref<1x64x256xf32, #tpu.memory_space<hbm>>
    %dma_start3A_646 = tpu.memref_squeeze %dma_start3A_645 : memref<1x64x256xf32, #tpu.memory_space<hbm>> -> memref<64x256xf32, #tpu.memory_space<hbm>>
    %dma_start3A_647 = tpu.memref_slice %arg13[%dma_start3A_642] : memref<14x!tpu.dma_semaphore, #tpu.memory_space<semaphore_mem>> -> memref<1x!tpu.dma_semaphore, #tpu.memory_space<semaphore_mem>>
    %dma_start3A_648 = tpu.memref_squeeze %dma_start3A_647 : memref<1x!tpu.dma_semaphore, #tpu.memory_space<semaphore_mem>> -> memref<!tpu.dma_semaphore, #tpu.memory_space<semaphore_mem>>
    %dma_start3A_649 = arith.constant 384 : i32
    %dma_start3A_650 = arith.constant 0 : i32
    %dma_start3A_651 = tpu.memref_slice %arg4[%add3A_8, %dma_start3A_649, %dma_start3A_650] : memref<128x448x256xf32, #tpu.memory_space<hbm>> -> memref<1x64x256xf32, #tpu.memory_space<hbm>>
    %dma_start3A_652 = tpu.memref_squeeze %dma_start3A_651 : memref<1x64x256xf32, #tpu.memory_space<hbm>> -> memref<64x256xf32, #tpu.memory_space<hbm>>
    tpu.enqueue_dma source(%arg12 : memref<64x256xf32, #tpu.memory_space<vmem>>) target(%dma_start3A_652 : memref<64x256xf32, #tpu.memory_space<hbm>>) target_semaphore(%dma_start3A_648 : memref<!tpu.dma_semaphore, #tpu.memory_space<semaphore_mem>>)
    %dma_wait3A_653 = arith.constant 9 : i32
    %dma_wait3A_654 = arith.constant 224 : i32
    %dma_wait3A_655 = arith.constant 0 : i32
    %dma_wait3A_656 = tpu.memref_slice %arg4[%add3A_8, %dma_wait3A_654, %dma_wait3A_655] : memref<128x448x256xf32, #tpu.memory_space<hbm>> -> memref<1x64x256xf32, #tpu.memory_space<hbm>>
    %dma_wait3A_657 = tpu.memref_squeeze %dma_wait3A_656 : memref<1x64x256xf32, #tpu.memory_space<hbm>> -> memref<64x256xf32, #tpu.memory_space<hbm>>
    %dma_wait3A_658 = tpu.memref_slice %arg13[%dma_wait3A_653] : memref<14x!tpu.dma_semaphore, #tpu.memory_space<semaphore_mem>> -> memref<1x!tpu.dma_semaphore, #tpu.memory_space<semaphore_mem>>
    %dma_wait3A_659 = tpu.memref_squeeze %dma_wait3A_658 : memref<1x!tpu.dma_semaphore, #tpu.memory_space<semaphore_mem>> -> memref<!tpu.dma_semaphore, #tpu.memory_space<semaphore_mem>>
    %dma_wait3A_660 = arith.constant 224 : i32
    %dma_wait3A_661 = arith.constant 0 : i32
    %dma_wait3A_662 = tpu.memref_slice %arg4[%add3A_8, %dma_wait3A_660, %dma_wait3A_661] : memref<128x448x256xf32, #tpu.memory_space<hbm>> -> memref<1x64x256xf32, #tpu.memory_space<hbm>>
    %dma_wait3A_663 = tpu.memref_squeeze %dma_wait3A_662 : memref<1x64x256xf32, #tpu.memory_space<hbm>> -> memref<64x256xf32, #tpu.memory_space<hbm>>
    tpu.wait_dma2 semaphore(%dma_wait3A_659 : memref<!tpu.dma_semaphore, #tpu.memory_space<semaphore_mem>>) src(%arg10 : memref<64x256xf32, #tpu.memory_space<vmem>>) dst(%dma_wait3A_663 : memref<64x256xf32, #tpu.memory_space<hbm>>)
    %dma_start3A_664 = arith.constant 3 : i32
    %dma_start3A_665 = arith.constant 192 : i32
    %dma_start3A_666 = arith.constant 0 : i32
    %dma_start3A_667 = tpu.memref_slice %arg2[%add3A_12, %dma_start3A_665, %dma_start3A_666] : memref<128x384x256xf32, #tpu.memory_space<hbm>> -> memref<1x64x256xf32, #tpu.memory_space<hbm>>
    %dma_start3A_668 = tpu.memref_squeeze %dma_start3A_667 : memref<1x64x256xf32, #tpu.memory_space<hbm>> -> memref<64x256xf32, #tpu.memory_space<hbm>>
    %dma_start3A_669 = tpu.memref_slice %arg13[%dma_start3A_664] : memref<14x!tpu.dma_semaphore, #tpu.memory_space<semaphore_mem>> -> memref<1x!tpu.dma_semaphore, #tpu.memory_space<semaphore_mem>>
    %dma_start3A_670 = tpu.memref_squeeze %dma_start3A_669 : memref<1x!tpu.dma_semaphore, #tpu.memory_space<semaphore_mem>> -> memref<!tpu.dma_semaphore, #tpu.memory_space<semaphore_mem>>
    %dma_start3A_671 = arith.constant 192 : i32
    %dma_start3A_672 = arith.constant 0 : i32
    %dma_start3A_673 = tpu.memref_slice %arg2[%add3A_12, %dma_start3A_671, %dma_start3A_672] : memref<128x384x256xf32, #tpu.memory_space<hbm>> -> memref<1x64x256xf32, #tpu.memory_space<hbm>>
    %dma_start3A_674 = tpu.memref_squeeze %dma_start3A_673 : memref<1x64x256xf32, #tpu.memory_space<hbm>> -> memref<64x256xf32, #tpu.memory_space<hbm>>
    tpu.enqueue_dma source(%dma_start3A_674 : memref<64x256xf32, #tpu.memory_space<hbm>>) target(%arg10 : memref<64x256xf32, #tpu.memory_space<vmem>>) target_semaphore(%dma_start3A_670 : memref<!tpu.dma_semaphore, #tpu.memory_space<semaphore_mem>>)
    %dma_wait3A_675 = arith.constant 0 : i32
    %dma_wait3A_676 = arith.constant 0 : i32
    %dma_wait3A_677 = arith.constant 0 : i32
    %dma_wait3A_678 = tpu.memref_slice %arg2[%add3A_12, %dma_wait3A_676, %dma_wait3A_677] : memref<128x384x256xf32, #tpu.memory_space<hbm>> -> memref<1x64x256xf32, #tpu.memory_space<hbm>>
    %dma_wait3A_679 = tpu.memref_squeeze %dma_wait3A_678 : memref<1x64x256xf32, #tpu.memory_space<hbm>> -> memref<64x256xf32, #tpu.memory_space<hbm>>
    %dma_wait3A_680 = tpu.memref_slice %arg13[%dma_wait3A_675] : memref<14x!tpu.dma_semaphore, #tpu.memory_space<semaphore_mem>> -> memref<1x!tpu.dma_semaphore, #tpu.memory_space<semaphore_mem>>
    %dma_wait3A_681 = tpu.memref_squeeze %dma_wait3A_680 : memref<1x!tpu.dma_semaphore, #tpu.memory_space<semaphore_mem>> -> memref<!tpu.dma_semaphore, #tpu.memory_space<semaphore_mem>>
    %dma_wait3A_682 = arith.constant 0 : i32
    %dma_wait3A_683 = arith.constant 0 : i32
    %dma_wait3A_684 = tpu.memref_slice %arg2[%add3A_12, %dma_wait3A_682, %dma_wait3A_683] : memref<128x384x256xf32, #tpu.memory_space<hbm>> -> memref<1x64x256xf32, #tpu.memory_space<hbm>>
    %dma_wait3A_685 = tpu.memref_squeeze %dma_wait3A_684 : memref<1x64x256xf32, #tpu.memory_space<hbm>> -> memref<64x256xf32, #tpu.memory_space<hbm>>
    tpu.wait_dma2 semaphore(%dma_wait3A_681 : memref<!tpu.dma_semaphore, #tpu.memory_space<semaphore_mem>>) src(%dma_wait3A_685 : memref<64x256xf32, #tpu.memory_space<hbm>>) dst(%arg7 : memref<64x256xf32, #tpu.memory_space<vmem>>)
    %dma_start3A_686 = arith.constant 6 : i32
    %dma_start3A_687 = arith.constant 0 : i32
    %dma_start3A_688 = arith.constant 0 : i32
    %dma_start3A_689 = tpu.memref_slice %arg4[%add3A_12, %dma_start3A_687, %dma_start3A_688] : memref<128x448x256xf32, #tpu.memory_space<hbm>> -> memref<1x64x256xf32, #tpu.memory_space<hbm>>
    %dma_start3A_690 = tpu.memref_squeeze %dma_start3A_689 : memref<1x64x256xf32, #tpu.memory_space<hbm>> -> memref<64x256xf32, #tpu.memory_space<hbm>>
    %dma_start3A_691 = tpu.memref_slice %arg13[%dma_start3A_686] : memref<14x!tpu.dma_semaphore, #tpu.memory_space<semaphore_mem>> -> memref<1x!tpu.dma_semaphore, #tpu.memory_space<semaphore_mem>>
    %dma_start3A_692 = tpu.memref_squeeze %dma_start3A_691 : memref<1x!tpu.dma_semaphore, #tpu.memory_space<semaphore_mem>> -> memref<!tpu.dma_semaphore, #tpu.memory_space<semaphore_mem>>
    %dma_start3A_693 = arith.constant 0 : i32
    %dma_start3A_694 = arith.constant 0 : i32
    %dma_start3A_695 = tpu.memref_slice %arg4[%add3A_12, %dma_start3A_693, %dma_start3A_694] : memref<128x448x256xf32, #tpu.memory_space<hbm>> -> memref<1x64x256xf32, #tpu.memory_space<hbm>>
    %dma_start3A_696 = tpu.memref_squeeze %dma_start3A_695 : memref<1x64x256xf32, #tpu.memory_space<hbm>> -> memref<64x256xf32, #tpu.memory_space<hbm>>
    tpu.enqueue_dma source(%arg7 : memref<64x256xf32, #tpu.memory_space<vmem>>) target(%dma_start3A_696 : memref<64x256xf32, #tpu.memory_space<hbm>>) target_semaphore(%dma_start3A_692 : memref<!tpu.dma_semaphore, #tpu.memory_space<semaphore_mem>>)
    %dma_wait3A_697 = arith.constant 10 : i32
    %dma_wait3A_698 = arith.constant 288 : i32
    %dma_wait3A_699 = arith.constant 0 : i32
    %dma_wait3A_700 = tpu.memref_slice %arg4[%add3A_8, %dma_wait3A_698, %dma_wait3A_699] : memref<128x448x256xf32, #tpu.memory_space<hbm>> -> memref<1x64x256xf32, #tpu.memory_space<hbm>>
    %dma_wait3A_701 = tpu.memref_squeeze %dma_wait3A_700 : memref<1x64x256xf32, #tpu.memory_space<hbm>> -> memref<64x256xf32, #tpu.memory_space<hbm>>
    %dma_wait3A_702 = tpu.memref_slice %arg13[%dma_wait3A_697] : memref<14x!tpu.dma_semaphore, #tpu.memory_space<semaphore_mem>> -> memref<1x!tpu.dma_semaphore, #tpu.memory_space<semaphore_mem>>
    %dma_wait3A_703 = tpu.memref_squeeze %dma_wait3A_702 : memref<1x!tpu.dma_semaphore, #tpu.memory_space<semaphore_mem>> -> memref<!tpu.dma_semaphore, #tpu.memory_space<semaphore_mem>>
    %dma_wait3A_704 = arith.constant 288 : i32
    %dma_wait3A_705 = arith.constant 0 : i32
    %dma_wait3A_706 = tpu.memref_slice %arg4[%add3A_8, %dma_wait3A_704, %dma_wait3A_705] : memref<128x448x256xf32, #tpu.memory_space<hbm>> -> memref<1x64x256xf32, #tpu.memory_space<hbm>>
    %dma_wait3A_707 = tpu.memref_squeeze %dma_wait3A_706 : memref<1x64x256xf32, #tpu.memory_space<hbm>> -> memref<64x256xf32, #tpu.memory_space<hbm>>
    tpu.wait_dma2 semaphore(%dma_wait3A_703 : memref<!tpu.dma_semaphore, #tpu.memory_space<semaphore_mem>>) src(%arg11 : memref<64x256xf32, #tpu.memory_space<vmem>>) dst(%dma_wait3A_707 : memref<64x256xf32, #tpu.memory_space<hbm>>)
    %dma_start3A_708 = arith.constant 4 : i32
    %dma_start3A_709 = arith.constant 256 : i32
    %dma_start3A_710 = arith.constant 0 : i32
    %dma_start3A_711 = tpu.memref_slice %arg2[%add3A_12, %dma_start3A_709, %dma_start3A_710] : memref<128x384x256xf32, #tpu.memory_space<hbm>> -> memref<1x64x256xf32, #tpu.memory_space<hbm>>
    %dma_start3A_712 = tpu.memref_squeeze %dma_start3A_711 : memref<1x64x256xf32, #tpu.memory_space<hbm>> -> memref<64x256xf32, #tpu.memory_space<hbm>>
    %dma_start3A_713 = tpu.memref_slice %arg13[%dma_start3A_708] : memref<14x!tpu.dma_semaphore, #tpu.memory_space<semaphore_mem>> -> memref<1x!tpu.dma_semaphore, #tpu.memory_space<semaphore_mem>>
    %dma_start3A_714 = tpu.memref_squeeze %dma_start3A_713 : memref<1x!tpu.dma_semaphore, #tpu.memory_space<semaphore_mem>> -> memref<!tpu.dma_semaphore, #tpu.memory_space<semaphore_mem>>
    %dma_start3A_715 = arith.constant 256 : i32
    %dma_start3A_716 = arith.constant 0 : i32
    %dma_start3A_717 = tpu.memref_slice %arg2[%add3A_12, %dma_start3A_715, %dma_start3A_716] : memref<128x384x256xf32, #tpu.memory_space<hbm>> -> memref<1x64x256xf32, #tpu.memory_space<hbm>>
    %dma_start3A_718 = tpu.memref_squeeze %dma_start3A_717 : memref<1x64x256xf32, #tpu.memory_space<hbm>> -> memref<64x256xf32, #tpu.memory_space<hbm>>
    tpu.enqueue_dma source(%dma_start3A_718 : memref<64x256xf32, #tpu.memory_space<hbm>>) target(%arg11 : memref<64x256xf32, #tpu.memory_space<vmem>>) target_semaphore(%dma_start3A_714 : memref<!tpu.dma_semaphore, #tpu.memory_space<semaphore_mem>>)
    %dma_wait3A_719 = arith.constant 1 : i32
    %dma_wait3A_720 = arith.constant 64 : i32
    %dma_wait3A_721 = arith.constant 0 : i32
    %dma_wait3A_722 = tpu.memref_slice %arg2[%add3A_12, %dma_wait3A_720, %dma_wait3A_721] : memref<128x384x256xf32, #tpu.memory_space<hbm>> -> memref<1x64x256xf32, #tpu.memory_space<hbm>>
    %dma_wait3A_723 = tpu.memref_squeeze %dma_wait3A_722 : memref<1x64x256xf32, #tpu.memory_space<hbm>> -> memref<64x256xf32, #tpu.memory_space<hbm>>
    %dma_wait3A_724 = tpu.memref_slice %arg13[%dma_wait3A_719] : memref<14x!tpu.dma_semaphore, #tpu.memory_space<semaphore_mem>> -> memref<1x!tpu.dma_semaphore, #tpu.memory_space<semaphore_mem>>
    %dma_wait3A_725 = tpu.memref_squeeze %dma_wait3A_724 : memref<1x!tpu.dma_semaphore, #tpu.memory_space<semaphore_mem>> -> memref<!tpu.dma_semaphore, #tpu.memory_space<semaphore_mem>>
    %dma_wait3A_726 = arith.constant 64 : i32
    %dma_wait3A_727 = arith.constant 0 : i32
    %dma_wait3A_728 = tpu.memref_slice %arg2[%add3A_12, %dma_wait3A_726, %dma_wait3A_727] : memref<128x384x256xf32, #tpu.memory_space<hbm>> -> memref<1x64x256xf32, #tpu.memory_space<hbm>>
    %dma_wait3A_729 = tpu.memref_squeeze %dma_wait3A_728 : memref<1x64x256xf32, #tpu.memory_space<hbm>> -> memref<64x256xf32, #tpu.memory_space<hbm>>
    tpu.wait_dma2 semaphore(%dma_wait3A_725 : memref<!tpu.dma_semaphore, #tpu.memory_space<semaphore_mem>>) src(%dma_wait3A_729 : memref<64x256xf32, #tpu.memory_space<hbm>>) dst(%arg8 : memref<64x256xf32, #tpu.memory_space<vmem>>)
    %dma_start3A_730 = arith.constant 7 : i32
    %dma_start3A_731 = arith.constant 96 : i32
    %dma_start3A_732 = arith.constant 0 : i32
    %dma_start3A_733 = tpu.memref_slice %arg4[%add3A_12, %dma_start3A_731, %dma_start3A_732] : memref<128x448x256xf32, #tpu.memory_space<hbm>> -> memref<1x64x256xf32, #tpu.memory_space<hbm>>
    %dma_start3A_734 = tpu.memref_squeeze %dma_start3A_733 : memref<1x64x256xf32, #tpu.memory_space<hbm>> -> memref<64x256xf32, #tpu.memory_space<hbm>>
    %dma_start3A_735 = tpu.memref_slice %arg13[%dma_start3A_730] : memref<14x!tpu.dma_semaphore, #tpu.memory_space<semaphore_mem>> -> memref<1x!tpu.dma_semaphore, #tpu.memory_space<semaphore_mem>>
    %dma_start3A_736 = tpu.memref_squeeze %dma_start3A_735 : memref<1x!tpu.dma_semaphore, #tpu.memory_space<semaphore_mem>> -> memref<!tpu.dma_semaphore, #tpu.memory_space<semaphore_mem>>
    %dma_start3A_737 = arith.constant 96 : i32
    %dma_start3A_738 = arith.constant 0 : i32
    %dma_start3A_739 = tpu.memref_slice %arg4[%add3A_12, %dma_start3A_737, %dma_start3A_738] : memref<128x448x256xf32, #tpu.memory_space<hbm>> -> memref<1x64x256xf32, #tpu.memory_space<hbm>>
    %dma_start3A_740 = tpu.memref_squeeze %dma_start3A_739 : memref<1x64x256xf32, #tpu.memory_space<hbm>> -> memref<64x256xf32, #tpu.memory_space<hbm>>
    tpu.enqueue_dma source(%arg8 : memref<64x256xf32, #tpu.memory_space<vmem>>) target(%dma_start3A_740 : memref<64x256xf32, #tpu.memory_space<hbm>>) target_semaphore(%dma_start3A_736 : memref<!tpu.dma_semaphore, #tpu.memory_space<semaphore_mem>>)
    %dma_wait3A_741 = arith.constant 11 : i32
    %dma_wait3A_742 = arith.constant 384 : i32
    %dma_wait3A_743 = arith.constant 0 : i32
    %dma_wait3A_744 = tpu.memref_slice %arg4[%add3A_8, %dma_wait3A_742, %dma_wait3A_743] : memref<128x448x256xf32, #tpu.memory_space<hbm>> -> memref<1x64x256xf32, #tpu.memory_space<hbm>>
    %dma_wait3A_745 = tpu.memref_squeeze %dma_wait3A_744 : memref<1x64x256xf32, #tpu.memory_space<hbm>> -> memref<64x256xf32, #tpu.memory_space<hbm>>
    %dma_wait3A_746 = tpu.memref_slice %arg13[%dma_wait3A_741] : memref<14x!tpu.dma_semaphore, #tpu.memory_space<semaphore_mem>> -> memref<1x!tpu.dma_semaphore, #tpu.memory_space<semaphore_mem>>
    %dma_wait3A_747 = tpu.memref_squeeze %dma_wait3A_746 : memref<1x!tpu.dma_semaphore, #tpu.memory_space<semaphore_mem>> -> memref<!tpu.dma_semaphore, #tpu.memory_space<semaphore_mem>>
    %dma_wait3A_748 = arith.constant 384 : i32
    %dma_wait3A_749 = arith.constant 0 : i32
    %dma_wait3A_750 = tpu.memref_slice %arg4[%add3A_8, %dma_wait3A_748, %dma_wait3A_749] : memref<128x448x256xf32, #tpu.memory_space<hbm>> -> memref<1x64x256xf32, #tpu.memory_space<hbm>>
    %dma_wait3A_751 = tpu.memref_squeeze %dma_wait3A_750 : memref<1x64x256xf32, #tpu.memory_space<hbm>> -> memref<64x256xf32, #tpu.memory_space<hbm>>
    tpu.wait_dma2 semaphore(%dma_wait3A_747 : memref<!tpu.dma_semaphore, #tpu.memory_space<semaphore_mem>>) src(%arg12 : memref<64x256xf32, #tpu.memory_space<vmem>>) dst(%dma_wait3A_751 : memref<64x256xf32, #tpu.memory_space<hbm>>)
    %dma_start3A_752 = arith.constant 5 : i32
    %dma_start3A_753 = arith.constant 320 : i32
    %dma_start3A_754 = arith.constant 0 : i32
    %dma_start3A_755 = tpu.memref_slice %arg2[%add3A_12, %dma_start3A_753, %dma_start3A_754] : memref<128x384x256xf32, #tpu.memory_space<hbm>> -> memref<1x64x256xf32, #tpu.memory_space<hbm>>
    %dma_start3A_756 = tpu.memref_squeeze %dma_start3A_755 : memref<1x64x256xf32, #tpu.memory_space<hbm>> -> memref<64x256xf32, #tpu.memory_space<hbm>>
    %dma_start3A_757 = tpu.memref_slice %arg13[%dma_start3A_752] : memref<14x!tpu.dma_semaphore, #tpu.memory_space<semaphore_mem>> -> memref<1x!tpu.dma_semaphore, #tpu.memory_space<semaphore_mem>>
    %dma_start3A_758 = tpu.memref_squeeze %dma_start3A_757 : memref<1x!tpu.dma_semaphore, #tpu.memory_space<semaphore_mem>> -> memref<!tpu.dma_semaphore, #tpu.memory_space<semaphore_mem>>
    %dma_start3A_759 = arith.constant 320 : i32
    %dma_start3A_760 = arith.constant 0 : i32
    %dma_start3A_761 = tpu.memref_slice %arg2[%add3A_12, %dma_start3A_759, %dma_start3A_760] : memref<128x384x256xf32, #tpu.memory_space<hbm>> -> memref<1x64x256xf32, #tpu.memory_space<hbm>>
    %dma_start3A_762 = tpu.memref_squeeze %dma_start3A_761 : memref<1x64x256xf32, #tpu.memory_space<hbm>> -> memref<64x256xf32, #tpu.memory_space<hbm>>
    tpu.enqueue_dma source(%dma_start3A_762 : memref<64x256xf32, #tpu.memory_space<hbm>>) target(%arg12 : memref<64x256xf32, #tpu.memory_space<vmem>>) target_semaphore(%dma_start3A_758 : memref<!tpu.dma_semaphore, #tpu.memory_space<semaphore_mem>>)
    %dma_wait3A_763 = arith.constant 2 : i32
    %dma_wait3A_764 = arith.constant 128 : i32
    %dma_wait3A_765 = arith.constant 0 : i32
    %dma_wait3A_766 = tpu.memref_slice %arg2[%add3A_12, %dma_wait3A_764, %dma_wait3A_765] : memref<128x384x256xf32, #tpu.memory_space<hbm>> -> memref<1x64x256xf32, #tpu.memory_space<hbm>>
    %dma_wait3A_767 = tpu.memref_squeeze %dma_wait3A_766 : memref<1x64x256xf32, #tpu.memory_space<hbm>> -> memref<64x256xf32, #tpu.memory_space<hbm>>
    %dma_wait3A_768 = tpu.memref_slice %arg13[%dma_wait3A_763] : memref<14x!tpu.dma_semaphore, #tpu.memory_space<semaphore_mem>> -> memref<1x!tpu.dma_semaphore, #tpu.memory_space<semaphore_mem>>
    %dma_wait3A_769 = tpu.memref_squeeze %dma_wait3A_768 : memref<1x!tpu.dma_semaphore, #tpu.memory_space<semaphore_mem>> -> memref<!tpu.dma_semaphore, #tpu.memory_space<semaphore_mem>>
    %dma_wait3A_770 = arith.constant 128 : i32
    %dma_wait3A_771 = arith.constant 0 : i32
    %dma_wait3A_772 = tpu.memref_slice %arg2[%add3A_12, %dma_wait3A_770, %dma_wait3A_771] : memref<128x384x256xf32, #tpu.memory_space<hbm>> -> memref<1x64x256xf32, #tpu.memory_space<hbm>>
    %dma_wait3A_773 = tpu.memref_squeeze %dma_wait3A_772 : memref<1x64x256xf32, #tpu.memory_space<hbm>> -> memref<64x256xf32, #tpu.memory_space<hbm>>
    tpu.wait_dma2 semaphore(%dma_wait3A_769 : memref<!tpu.dma_semaphore, #tpu.memory_space<semaphore_mem>>) src(%dma_wait3A_773 : memref<64x256xf32, #tpu.memory_space<hbm>>) dst(%arg9 : memref<64x256xf32, #tpu.memory_space<vmem>>)
    %dma_start3A_774 = arith.constant 8 : i32
    %dma_start3A_775 = arith.constant 160 : i32
    %dma_start3A_776 = arith.constant 0 : i32
    %dma_start3A_777 = tpu.memref_slice %arg4[%add3A_12, %dma_start3A_775, %dma_start3A_776] : memref<128x448x256xf32, #tpu.memory_space<hbm>> -> memref<1x64x256xf32, #tpu.memory_space<hbm>>
    %dma_start3A_778 = tpu.memref_squeeze %dma_start3A_777 : memref<1x64x256xf32, #tpu.memory_space<hbm>> -> memref<64x256xf32, #tpu.memory_space<hbm>>
    %dma_start3A_779 = tpu.memref_slice %arg13[%dma_start3A_774] : memref<14x!tpu.dma_semaphore, #tpu.memory_space<semaphore_mem>> -> memref<1x!tpu.dma_semaphore, #tpu.memory_space<semaphore_mem>>
    %dma_start3A_780 = tpu.memref_squeeze %dma_start3A_779 : memref<1x!tpu.dma_semaphore, #tpu.memory_space<semaphore_mem>> -> memref<!tpu.dma_semaphore, #tpu.memory_space<semaphore_mem>>
    %dma_start3A_781 = arith.constant 160 : i32
    %dma_start3A_782 = arith.constant 0 : i32
    %dma_start3A_783 = tpu.memref_slice %arg4[%add3A_12, %dma_start3A_781, %dma_start3A_782] : memref<128x448x256xf32, #tpu.memory_space<hbm>> -> memref<1x64x256xf32, #tpu.memory_space<hbm>>
    %dma_start3A_784 = tpu.memref_squeeze %dma_start3A_783 : memref<1x64x256xf32, #tpu.memory_space<hbm>> -> memref<64x256xf32, #tpu.memory_space<hbm>>
    tpu.enqueue_dma source(%arg9 : memref<64x256xf32, #tpu.memory_space<vmem>>) target(%dma_start3A_784 : memref<64x256xf32, #tpu.memory_space<hbm>>) target_semaphore(%dma_start3A_780 : memref<!tpu.dma_semaphore, #tpu.memory_space<semaphore_mem>>)
    %dma_wait3A_785 = arith.constant 6 : i32
    %dma_wait3A_786 = arith.constant 0 : i32
    %dma_wait3A_787 = arith.constant 0 : i32
    %dma_wait3A_788 = tpu.memref_slice %arg4[%add3A_12, %dma_wait3A_786, %dma_wait3A_787] : memref<128x448x256xf32, #tpu.memory_space<hbm>> -> memref<1x64x256xf32, #tpu.memory_space<hbm>>
    %dma_wait3A_789 = tpu.memref_squeeze %dma_wait3A_788 : memref<1x64x256xf32, #tpu.memory_space<hbm>> -> memref<64x256xf32, #tpu.memory_space<hbm>>
    %dma_wait3A_790 = tpu.memref_slice %arg13[%dma_wait3A_785] : memref<14x!tpu.dma_semaphore, #tpu.memory_space<semaphore_mem>> -> memref<1x!tpu.dma_semaphore, #tpu.memory_space<semaphore_mem>>
    %dma_wait3A_791 = tpu.memref_squeeze %dma_wait3A_790 : memref<1x!tpu.dma_semaphore, #tpu.memory_space<semaphore_mem>> -> memref<!tpu.dma_semaphore, #tpu.memory_space<semaphore_mem>>
    %dma_wait3A_792 = arith.constant 0 : i32
    %dma_wait3A_793 = arith.constant 0 : i32
    %dma_wait3A_794 = tpu.memref_slice %arg4[%add3A_12, %dma_wait3A_792, %dma_wait3A_793] : memref<128x448x256xf32, #tpu.memory_space<hbm>> -> memref<1x64x256xf32, #tpu.memory_space<hbm>>
    %dma_wait3A_795 = tpu.memref_squeeze %dma_wait3A_794 : memref<1x64x256xf32, #tpu.memory_space<hbm>> -> memref<64x256xf32, #tpu.memory_space<hbm>>
    tpu.wait_dma2 semaphore(%dma_wait3A_791 : memref<!tpu.dma_semaphore, #tpu.memory_space<semaphore_mem>>) src(%arg7 : memref<64x256xf32, #tpu.memory_space<vmem>>) dst(%dma_wait3A_795 : memref<64x256xf32, #tpu.memory_space<hbm>>)
    %dma_start3A_796 = arith.constant 0 : i32
    %dma_start3A_797 = arith.constant 0 : i32
    %dma_start3A_798 = arith.constant 0 : i32
    %dma_start3A_799 = tpu.memref_slice %arg2[%add3A_16, %dma_start3A_797, %dma_start3A_798] : memref<128x384x256xf32, #tpu.memory_space<hbm>> -> memref<1x64x256xf32, #tpu.memory_space<hbm>>
    %dma_start3A_800 = tpu.memref_squeeze %dma_start3A_799 : memref<1x64x256xf32, #tpu.memory_space<hbm>> -> memref<64x256xf32, #tpu.memory_space<hbm>>
    %dma_start3A_801 = tpu.memref_slice %arg13[%dma_start3A_796] : memref<14x!tpu.dma_semaphore, #tpu.memory_space<semaphore_mem>> -> memref<1x!tpu.dma_semaphore, #tpu.memory_space<semaphore_mem>>
    %dma_start3A_802 = tpu.memref_squeeze %dma_start3A_801 : memref<1x!tpu.dma_semaphore, #tpu.memory_space<semaphore_mem>> -> memref<!tpu.dma_semaphore, #tpu.memory_space<semaphore_mem>>
    %dma_start3A_803 = arith.constant 0 : i32
    %dma_start3A_804 = arith.constant 0 : i32
    %dma_start3A_805 = tpu.memref_slice %arg2[%add3A_16, %dma_start3A_803, %dma_start3A_804] : memref<128x384x256xf32, #tpu.memory_space<hbm>> -> memref<1x64x256xf32, #tpu.memory_space<hbm>>
    %dma_start3A_806 = tpu.memref_squeeze %dma_start3A_805 : memref<1x64x256xf32, #tpu.memory_space<hbm>> -> memref<64x256xf32, #tpu.memory_space<hbm>>
    tpu.enqueue_dma source(%dma_start3A_806 : memref<64x256xf32, #tpu.memory_space<hbm>>) target(%arg7 : memref<64x256xf32, #tpu.memory_space<vmem>>) target_semaphore(%dma_start3A_802 : memref<!tpu.dma_semaphore, #tpu.memory_space<semaphore_mem>>)
    %dma_wait3A_807 = arith.constant 12 : i32
    %dma_wait3A_808 = arith.constant 64 : i32
    %dma_wait3A_809 = arith.constant 0 : i32
    %dma_wait3A_810 = tpu.memref_slice %arg4[%add3A_12, %dma_wait3A_808, %dma_wait3A_809] : memref<128x448x256xf32, #tpu.memory_space<hbm>> -> memref<1x32x256xf32, #tpu.memory_space<hbm>>
    %dma_wait3A_811 = tpu.memref_squeeze %dma_wait3A_810 : memref<1x32x256xf32, #tpu.memory_space<hbm>> -> memref<32x256xf32, #tpu.memory_space<hbm>>
    %dma_wait3A_812 = tpu.memref_slice %arg13[%dma_wait3A_807] : memref<14x!tpu.dma_semaphore, #tpu.memory_space<semaphore_mem>> -> memref<1x!tpu.dma_semaphore, #tpu.memory_space<semaphore_mem>>
    %dma_wait3A_813 = tpu.memref_squeeze %dma_wait3A_812 : memref<1x!tpu.dma_semaphore, #tpu.memory_space<semaphore_mem>> -> memref<!tpu.dma_semaphore, #tpu.memory_space<semaphore_mem>>
    %dma_wait3A_814 = arith.constant 64 : i32
    %dma_wait3A_815 = arith.constant 0 : i32
    %dma_wait3A_816 = tpu.memref_slice %arg4[%add3A_12, %dma_wait3A_814, %dma_wait3A_815] : memref<128x448x256xf32, #tpu.memory_space<hbm>> -> memref<1x32x256xf32, #tpu.memory_space<hbm>>
    %dma_wait3A_817 = tpu.memref_squeeze %dma_wait3A_816 : memref<1x32x256xf32, #tpu.memory_space<hbm>> -> memref<32x256xf32, #tpu.memory_space<hbm>>
    tpu.wait_dma2 semaphore(%dma_wait3A_813 : memref<!tpu.dma_semaphore, #tpu.memory_space<semaphore_mem>>) src(%arg5 : memref<32x256xf32, #tpu.memory_space<vmem>>) dst(%dma_wait3A_817 : memref<32x256xf32, #tpu.memory_space<hbm>>)
    %dma_wait3A_818 = arith.constant 13 : i32
    %dma_wait3A_819 = arith.constant 352 : i32
    %dma_wait3A_820 = arith.constant 0 : i32
    %dma_wait3A_821 = tpu.memref_slice %arg4[%add3A_12, %dma_wait3A_819, %dma_wait3A_820] : memref<128x448x256xf32, #tpu.memory_space<hbm>> -> memref<1x32x256xf32, #tpu.memory_space<hbm>>
    %dma_wait3A_822 = tpu.memref_squeeze %dma_wait3A_821 : memref<1x32x256xf32, #tpu.memory_space<hbm>> -> memref<32x256xf32, #tpu.memory_space<hbm>>
    %dma_wait3A_823 = tpu.memref_slice %arg13[%dma_wait3A_818] : memref<14x!tpu.dma_semaphore, #tpu.memory_space<semaphore_mem>> -> memref<1x!tpu.dma_semaphore, #tpu.memory_space<semaphore_mem>>
    %dma_wait3A_824 = tpu.memref_squeeze %dma_wait3A_823 : memref<1x!tpu.dma_semaphore, #tpu.memory_space<semaphore_mem>> -> memref<!tpu.dma_semaphore, #tpu.memory_space<semaphore_mem>>
    %dma_wait3A_825 = arith.constant 352 : i32
    %dma_wait3A_826 = arith.constant 0 : i32
    %dma_wait3A_827 = tpu.memref_slice %arg4[%add3A_12, %dma_wait3A_825, %dma_wait3A_826] : memref<128x448x256xf32, #tpu.memory_space<hbm>> -> memref<1x32x256xf32, #tpu.memory_space<hbm>>
    %dma_wait3A_828 = tpu.memref_squeeze %dma_wait3A_827 : memref<1x32x256xf32, #tpu.memory_space<hbm>> -> memref<32x256xf32, #tpu.memory_space<hbm>>
    tpu.wait_dma2 semaphore(%dma_wait3A_824 : memref<!tpu.dma_semaphore, #tpu.memory_space<semaphore_mem>>) src(%arg6 : memref<32x256xf32, #tpu.memory_space<vmem>>) dst(%dma_wait3A_828 : memref<32x256xf32, #tpu.memory_space<hbm>>)
    %dma_start3A_829 = arith.constant 12 : i32
    %dma_start3A_830 = arith.constant 64 : i32
    %dma_start3A_831 = arith.constant 0 : i32
    %dma_start3A_832 = tpu.memref_slice %arg4[%add3A_16, %dma_start3A_830, %dma_start3A_831] : memref<128x448x256xf32, #tpu.memory_space<hbm>> -> memref<1x32x256xf32, #tpu.memory_space<hbm>>
    %dma_start3A_833 = tpu.memref_squeeze %dma_start3A_832 : memref<1x32x256xf32, #tpu.memory_space<hbm>> -> memref<32x256xf32, #tpu.memory_space<hbm>>
    %dma_start3A_834 = tpu.memref_slice %arg13[%dma_start3A_829] : memref<14x!tpu.dma_semaphore, #tpu.memory_space<semaphore_mem>> -> memref<1x!tpu.dma_semaphore, #tpu.memory_space<semaphore_mem>>
    %dma_start3A_835 = tpu.memref_squeeze %dma_start3A_834 : memref<1x!tpu.dma_semaphore, #tpu.memory_space<semaphore_mem>> -> memref<!tpu.dma_semaphore, #tpu.memory_space<semaphore_mem>>
    %dma_start3A_836 = arith.constant 64 : i32
    %dma_start3A_837 = arith.constant 0 : i32
    %dma_start3A_838 = tpu.memref_slice %arg4[%add3A_16, %dma_start3A_836, %dma_start3A_837] : memref<128x448x256xf32, #tpu.memory_space<hbm>> -> memref<1x32x256xf32, #tpu.memory_space<hbm>>
    %dma_start3A_839 = tpu.memref_squeeze %dma_start3A_838 : memref<1x32x256xf32, #tpu.memory_space<hbm>> -> memref<32x256xf32, #tpu.memory_space<hbm>>
    tpu.enqueue_dma source(%arg5 : memref<32x256xf32, #tpu.memory_space<vmem>>) target(%dma_start3A_839 : memref<32x256xf32, #tpu.memory_space<hbm>>) target_semaphore(%dma_start3A_835 : memref<!tpu.dma_semaphore, #tpu.memory_space<semaphore_mem>>)
    %dma_start3A_840 = arith.constant 13 : i32
    %dma_start3A_841 = arith.constant 352 : i32
    %dma_start3A_842 = arith.constant 0 : i32
    %dma_start3A_843 = tpu.memref_slice %arg4[%add3A_16, %dma_start3A_841, %dma_start3A_842] : memref<128x448x256xf32, #tpu.memory_space<hbm>> -> memref<1x32x256xf32, #tpu.memory_space<hbm>>
    %dma_start3A_844 = tpu.memref_squeeze %dma_start3A_843 : memref<1x32x256xf32, #tpu.memory_space<hbm>> -> memref<32x256xf32, #tpu.memory_space<hbm>>
    %dma_start3A_845 = tpu.memref_slice %arg13[%dma_start3A_840] : memref<14x!tpu.dma_semaphore, #tpu.memory_space<semaphore_mem>> -> memref<1x!tpu.dma_semaphore, #tpu.memory_space<semaphore_mem>>
    %dma_start3A_846 = tpu.memref_squeeze %dma_start3A_845 : memref<1x!tpu.dma_semaphore, #tpu.memory_space<semaphore_mem>> -> memref<!tpu.dma_semaphore, #tpu.memory_space<semaphore_mem>>
    %dma_start3A_847 = arith.constant 352 : i32
    %dma_start3A_848 = arith.constant 0 : i32
    %dma_start3A_849 = tpu.memref_slice %arg4[%add3A_16, %dma_start3A_847, %dma_start3A_848] : memref<128x448x256xf32, #tpu.memory_space<hbm>> -> memref<1x32x256xf32, #tpu.memory_space<hbm>>
    %dma_start3A_850 = tpu.memref_squeeze %dma_start3A_849 : memref<1x32x256xf32, #tpu.memory_space<hbm>> -> memref<32x256xf32, #tpu.memory_space<hbm>>
    tpu.enqueue_dma source(%arg6 : memref<32x256xf32, #tpu.memory_space<vmem>>) target(%dma_start3A_850 : memref<32x256xf32, #tpu.memory_space<hbm>>) target_semaphore(%dma_start3A_846 : memref<!tpu.dma_semaphore, #tpu.memory_space<semaphore_mem>>)
    %dma_wait3A_851 = arith.constant 3 : i32
    %dma_wait3A_852 = arith.constant 192 : i32
    %dma_wait3A_853 = arith.constant 0 : i32
    %dma_wait3A_854 = tpu.memref_slice %arg2[%add3A_12, %dma_wait3A_852, %dma_wait3A_853] : memref<128x384x256xf32, #tpu.memory_space<hbm>> -> memref<1x64x256xf32, #tpu.memory_space<hbm>>
    %dma_wait3A_855 = tpu.memref_squeeze %dma_wait3A_854 : memref<1x64x256xf32, #tpu.memory_space<hbm>> -> memref<64x256xf32, #tpu.memory_space<hbm>>
    %dma_wait3A_856 = tpu.memref_slice %arg13[%dma_wait3A_851] : memref<14x!tpu.dma_semaphore, #tpu.memory_space<semaphore_mem>> -> memref<1x!tpu.dma_semaphore, #tpu.memory_space<semaphore_mem>>
    %dma_wait3A_857 = tpu.memref_squeeze %dma_wait3A_856 : memref<1x!tpu.dma_semaphore, #tpu.memory_space<semaphore_mem>> -> memref<!tpu.dma_semaphore, #tpu.memory_space<semaphore_mem>>
    %dma_wait3A_858 = arith.constant 192 : i32
    %dma_wait3A_859 = arith.constant 0 : i32
    %dma_wait3A_860 = tpu.memref_slice %arg2[%add3A_12, %dma_wait3A_858, %dma_wait3A_859] : memref<128x384x256xf32, #tpu.memory_space<hbm>> -> memref<1x64x256xf32, #tpu.memory_space<hbm>>
    %dma_wait3A_861 = tpu.memref_squeeze %dma_wait3A_860 : memref<1x64x256xf32, #tpu.memory_space<hbm>> -> memref<64x256xf32, #tpu.memory_space<hbm>>
    tpu.wait_dma2 semaphore(%dma_wait3A_857 : memref<!tpu.dma_semaphore, #tpu.memory_space<semaphore_mem>>) src(%dma_wait3A_861 : memref<64x256xf32, #tpu.memory_space<hbm>>) dst(%arg10 : memref<64x256xf32, #tpu.memory_space<vmem>>)
    %dma_start3A_862 = arith.constant 9 : i32
    %dma_start3A_863 = arith.constant 224 : i32
    %dma_start3A_864 = arith.constant 0 : i32
    %dma_start3A_865 = tpu.memref_slice %arg4[%add3A_12, %dma_start3A_863, %dma_start3A_864] : memref<128x448x256xf32, #tpu.memory_space<hbm>> -> memref<1x64x256xf32, #tpu.memory_space<hbm>>
    %dma_start3A_866 = tpu.memref_squeeze %dma_start3A_865 : memref<1x64x256xf32, #tpu.memory_space<hbm>> -> memref<64x256xf32, #tpu.memory_space<hbm>>
    %dma_start3A_867 = tpu.memref_slice %arg13[%dma_start3A_862] : memref<14x!tpu.dma_semaphore, #tpu.memory_space<semaphore_mem>> -> memref<1x!tpu.dma_semaphore, #tpu.memory_space<semaphore_mem>>
    %dma_start3A_868 = tpu.memref_squeeze %dma_start3A_867 : memref<1x!tpu.dma_semaphore, #tpu.memory_space<semaphore_mem>> -> memref<!tpu.dma_semaphore, #tpu.memory_space<semaphore_mem>>
    %dma_start3A_869 = arith.constant 224 : i32
    %dma_start3A_870 = arith.constant 0 : i32
    %dma_start3A_871 = tpu.memref_slice %arg4[%add3A_12, %dma_start3A_869, %dma_start3A_870] : memref<128x448x256xf32, #tpu.memory_space<hbm>> -> memref<1x64x256xf32, #tpu.memory_space<hbm>>
    %dma_start3A_872 = tpu.memref_squeeze %dma_start3A_871 : memref<1x64x256xf32, #tpu.memory_space<hbm>> -> memref<64x256xf32, #tpu.memory_space<hbm>>
    tpu.enqueue_dma source(%arg10 : memref<64x256xf32, #tpu.memory_space<vmem>>) target(%dma_start3A_872 : memref<64x256xf32, #tpu.memory_space<hbm>>) target_semaphore(%dma_start3A_868 : memref<!tpu.dma_semaphore, #tpu.memory_space<semaphore_mem>>)
    %dma_wait3A_873 = arith.constant 7 : i32
    %dma_wait3A_874 = arith.constant 96 : i32
    %dma_wait3A_875 = arith.constant 0 : i32
    %dma_wait3A_876 = tpu.memref_slice %arg4[%add3A_12, %dma_wait3A_874, %dma_wait3A_875] : memref<128x448x256xf32, #tpu.memory_space<hbm>> -> memref<1x64x256xf32, #tpu.memory_space<hbm>>
    %dma_wait3A_877 = tpu.memref_squeeze %dma_wait3A_876 : memref<1x64x256xf32, #tpu.memory_space<hbm>> -> memref<64x256xf32, #tpu.memory_space<hbm>>
    %dma_wait3A_878 = tpu.memref_slice %arg13[%dma_wait3A_873] : memref<14x!tpu.dma_semaphore, #tpu.memory_space<semaphore_mem>> -> memref<1x!tpu.dma_semaphore, #tpu.memory_space<semaphore_mem>>
    %dma_wait3A_879 = tpu.memref_squeeze %dma_wait3A_878 : memref<1x!tpu.dma_semaphore, #tpu.memory_space<semaphore_mem>> -> memref<!tpu.dma_semaphore, #tpu.memory_space<semaphore_mem>>
    %dma_wait3A_880 = arith.constant 96 : i32
    %dma_wait3A_881 = arith.constant 0 : i32
    %dma_wait3A_882 = tpu.memref_slice %arg4[%add3A_12, %dma_wait3A_880, %dma_wait3A_881] : memref<128x448x256xf32, #tpu.memory_space<hbm>> -> memref<1x64x256xf32, #tpu.memory_space<hbm>>
    %dma_wait3A_883 = tpu.memref_squeeze %dma_wait3A_882 : memref<1x64x256xf32, #tpu.memory_space<hbm>> -> memref<64x256xf32, #tpu.memory_space<hbm>>
    tpu.wait_dma2 semaphore(%dma_wait3A_879 : memref<!tpu.dma_semaphore, #tpu.memory_space<semaphore_mem>>) src(%arg8 : memref<64x256xf32, #tpu.memory_space<vmem>>) dst(%dma_wait3A_883 : memref<64x256xf32, #tpu.memory_space<hbm>>)
    %dma_start3A_884 = arith.constant 1 : i32
    %dma_start3A_885 = arith.constant 64 : i32
    %dma_start3A_886 = arith.constant 0 : i32
    %dma_start3A_887 = tpu.memref_slice %arg2[%add3A_16, %dma_start3A_885, %dma_start3A_886] : memref<128x384x256xf32, #tpu.memory_space<hbm>> -> memref<1x64x256xf32, #tpu.memory_space<hbm>>
    %dma_start3A_888 = tpu.memref_squeeze %dma_start3A_887 : memref<1x64x256xf32, #tpu.memory_space<hbm>> -> memref<64x256xf32, #tpu.memory_space<hbm>>
    %dma_start3A_889 = tpu.memref_slice %arg13[%dma_start3A_884] : memref<14x!tpu.dma_semaphore, #tpu.memory_space<semaphore_mem>> -> memref<1x!tpu.dma_semaphore, #tpu.memory_space<semaphore_mem>>
    %dma_start3A_890 = tpu.memref_squeeze %dma_start3A_889 : memref<1x!tpu.dma_semaphore, #tpu.memory_space<semaphore_mem>> -> memref<!tpu.dma_semaphore, #tpu.memory_space<semaphore_mem>>
    %dma_start3A_891 = arith.constant 64 : i32
    %dma_start3A_892 = arith.constant 0 : i32
    %dma_start3A_893 = tpu.memref_slice %arg2[%add3A_16, %dma_start3A_891, %dma_start3A_892] : memref<128x384x256xf32, #tpu.memory_space<hbm>> -> memref<1x64x256xf32, #tpu.memory_space<hbm>>
    %dma_start3A_894 = tpu.memref_squeeze %dma_start3A_893 : memref<1x64x256xf32, #tpu.memory_space<hbm>> -> memref<64x256xf32, #tpu.memory_space<hbm>>
    tpu.enqueue_dma source(%dma_start3A_894 : memref<64x256xf32, #tpu.memory_space<hbm>>) target(%arg8 : memref<64x256xf32, #tpu.memory_space<vmem>>) target_semaphore(%dma_start3A_890 : memref<!tpu.dma_semaphore, #tpu.memory_space<semaphore_mem>>)
    %dma_wait3A_895 = arith.constant 4 : i32
    %dma_wait3A_896 = arith.constant 256 : i32
    %dma_wait3A_897 = arith.constant 0 : i32
    %dma_wait3A_898 = tpu.memref_slice %arg2[%add3A_12, %dma_wait3A_896, %dma_wait3A_897] : memref<128x384x256xf32, #tpu.memory_space<hbm>> -> memref<1x64x256xf32, #tpu.memory_space<hbm>>
    %dma_wait3A_899 = tpu.memref_squeeze %dma_wait3A_898 : memref<1x64x256xf32, #tpu.memory_space<hbm>> -> memref<64x256xf32, #tpu.memory_space<hbm>>
    %dma_wait3A_900 = tpu.memref_slice %arg13[%dma_wait3A_895] : memref<14x!tpu.dma_semaphore, #tpu.memory_space<semaphore_mem>> -> memref<1x!tpu.dma_semaphore, #tpu.memory_space<semaphore_mem>>
    %dma_wait3A_901 = tpu.memref_squeeze %dma_wait3A_900 : memref<1x!tpu.dma_semaphore, #tpu.memory_space<semaphore_mem>> -> memref<!tpu.dma_semaphore, #tpu.memory_space<semaphore_mem>>
    %dma_wait3A_902 = arith.constant 256 : i32
    %dma_wait3A_903 = arith.constant 0 : i32
    %dma_wait3A_904 = tpu.memref_slice %arg2[%add3A_12, %dma_wait3A_902, %dma_wait3A_903] : memref<128x384x256xf32, #tpu.memory_space<hbm>> -> memref<1x64x256xf32, #tpu.memory_space<hbm>>
    %dma_wait3A_905 = tpu.memref_squeeze %dma_wait3A_904 : memref<1x64x256xf32, #tpu.memory_space<hbm>> -> memref<64x256xf32, #tpu.memory_space<hbm>>
    tpu.wait_dma2 semaphore(%dma_wait3A_901 : memref<!tpu.dma_semaphore, #tpu.memory_space<semaphore_mem>>) src(%dma_wait3A_905 : memref<64x256xf32, #tpu.memory_space<hbm>>) dst(%arg11 : memref<64x256xf32, #tpu.memory_space<vmem>>)
    %dma_start3A_906 = arith.constant 10 : i32
    %dma_start3A_907 = arith.constant 288 : i32
    %dma_start3A_908 = arith.constant 0 : i32
    %dma_start3A_909 = tpu.memref_slice %arg4[%add3A_12, %dma_start3A_907, %dma_start3A_908] : memref<128x448x256xf32, #tpu.memory_space<hbm>> -> memref<1x64x256xf32, #tpu.memory_space<hbm>>
    %dma_start3A_910 = tpu.memref_squeeze %dma_start3A_909 : memref<1x64x256xf32, #tpu.memory_space<hbm>> -> memref<64x256xf32, #tpu.memory_space<hbm>>
    %dma_start3A_911 = tpu.memref_slice %arg13[%dma_start3A_906] : memref<14x!tpu.dma_semaphore, #tpu.memory_space<semaphore_mem>> -> memref<1x!tpu.dma_semaphore, #tpu.memory_space<semaphore_mem>>
    %dma_start3A_912 = tpu.memref_squeeze %dma_start3A_911 : memref<1x!tpu.dma_semaphore, #tpu.memory_space<semaphore_mem>> -> memref<!tpu.dma_semaphore, #tpu.memory_space<semaphore_mem>>
    %dma_start3A_913 = arith.constant 288 : i32
    %dma_start3A_914 = arith.constant 0 : i32
    %dma_start3A_915 = tpu.memref_slice %arg4[%add3A_12, %dma_start3A_913, %dma_start3A_914] : memref<128x448x256xf32, #tpu.memory_space<hbm>> -> memref<1x64x256xf32, #tpu.memory_space<hbm>>
    %dma_start3A_916 = tpu.memref_squeeze %dma_start3A_915 : memref<1x64x256xf32, #tpu.memory_space<hbm>> -> memref<64x256xf32, #tpu.memory_space<hbm>>
    tpu.enqueue_dma source(%arg11 : memref<64x256xf32, #tpu.memory_space<vmem>>) target(%dma_start3A_916 : memref<64x256xf32, #tpu.memory_space<hbm>>) target_semaphore(%dma_start3A_912 : memref<!tpu.dma_semaphore, #tpu.memory_space<semaphore_mem>>)
    %dma_wait3A_917 = arith.constant 8 : i32
    %dma_wait3A_918 = arith.constant 160 : i32
    %dma_wait3A_919 = arith.constant 0 : i32
    %dma_wait3A_920 = tpu.memref_slice %arg4[%add3A_12, %dma_wait3A_918, %dma_wait3A_919] : memref<128x448x256xf32, #tpu.memory_space<hbm>> -> memref<1x64x256xf32, #tpu.memory_space<hbm>>
    %dma_wait3A_921 = tpu.memref_squeeze %dma_wait3A_920 : memref<1x64x256xf32, #tpu.memory_space<hbm>> -> memref<64x256xf32, #tpu.memory_space<hbm>>
    %dma_wait3A_922 = tpu.memref_slice %arg13[%dma_wait3A_917] : memref<14x!tpu.dma_semaphore, #tpu.memory_space<semaphore_mem>> -> memref<1x!tpu.dma_semaphore, #tpu.memory_space<semaphore_mem>>
    %dma_wait3A_923 = tpu.memref_squeeze %dma_wait3A_922 : memref<1x!tpu.dma_semaphore, #tpu.memory_space<semaphore_mem>> -> memref<!tpu.dma_semaphore, #tpu.memory_space<semaphore_mem>>
    %dma_wait3A_924 = arith.constant 160 : i32
    %dma_wait3A_925 = arith.constant 0 : i32
    %dma_wait3A_926 = tpu.memref_slice %arg4[%add3A_12, %dma_wait3A_924, %dma_wait3A_925] : memref<128x448x256xf32, #tpu.memory_space<hbm>> -> memref<1x64x256xf32, #tpu.memory_space<hbm>>
    %dma_wait3A_927 = tpu.memref_squeeze %dma_wait3A_926 : memref<1x64x256xf32, #tpu.memory_space<hbm>> -> memref<64x256xf32, #tpu.memory_space<hbm>>
    tpu.wait_dma2 semaphore(%dma_wait3A_923 : memref<!tpu.dma_semaphore, #tpu.memory_space<semaphore_mem>>) src(%arg9 : memref<64x256xf32, #tpu.memory_space<vmem>>) dst(%dma_wait3A_927 : memref<64x256xf32, #tpu.memory_space<hbm>>)
    %dma_start3A_928 = arith.constant 2 : i32
    %dma_start3A_929 = arith.constant 128 : i32
    %dma_start3A_930 = arith.constant 0 : i32
    %dma_start3A_931 = tpu.memref_slice %arg2[%add3A_16, %dma_start3A_929, %dma_start3A_930] : memref<128x384x256xf32, #tpu.memory_space<hbm>> -> memref<1x64x256xf32, #tpu.memory_space<hbm>>
    %dma_start3A_932 = tpu.memref_squeeze %dma_start3A_931 : memref<1x64x256xf32, #tpu.memory_space<hbm>> -> memref<64x256xf32, #tpu.memory_space<hbm>>
    %dma_start3A_933 = tpu.memref_slice %arg13[%dma_start3A_928] : memref<14x!tpu.dma_semaphore, #tpu.memory_space<semaphore_mem>> -> memref<1x!tpu.dma_semaphore, #tpu.memory_space<semaphore_mem>>
    %dma_start3A_934 = tpu.memref_squeeze %dma_start3A_933 : memref<1x!tpu.dma_semaphore, #tpu.memory_space<semaphore_mem>> -> memref<!tpu.dma_semaphore, #tpu.memory_space<semaphore_mem>>
    %dma_start3A_935 = arith.constant 128 : i32
    %dma_start3A_936 = arith.constant 0 : i32
    %dma_start3A_937 = tpu.memref_slice %arg2[%add3A_16, %dma_start3A_935, %dma_start3A_936] : memref<128x384x256xf32, #tpu.memory_space<hbm>> -> memref<1x64x256xf32, #tpu.memory_space<hbm>>
    %dma_start3A_938 = tpu.memref_squeeze %dma_start3A_937 : memref<1x64x256xf32, #tpu.memory_space<hbm>> -> memref<64x256xf32, #tpu.memory_space<hbm>>
    tpu.enqueue_dma source(%dma_start3A_938 : memref<64x256xf32, #tpu.memory_space<hbm>>) target(%arg9 : memref<64x256xf32, #tpu.memory_space<vmem>>) target_semaphore(%dma_start3A_934 : memref<!tpu.dma_semaphore, #tpu.memory_space<semaphore_mem>>)
    %dma_wait3A_939 = arith.constant 5 : i32
    %dma_wait3A_940 = arith.constant 320 : i32
    %dma_wait3A_941 = arith.constant 0 : i32
    %dma_wait3A_942 = tpu.memref_slice %arg2[%add3A_12, %dma_wait3A_940, %dma_wait3A_941] : memref<128x384x256xf32, #tpu.memory_space<hbm>> -> memref<1x64x256xf32, #tpu.memory_space<hbm>>
    %dma_wait3A_943 = tpu.memref_squeeze %dma_wait3A_942 : memref<1x64x256xf32, #tpu.memory_space<hbm>> -> memref<64x256xf32, #tpu.memory_space<hbm>>
    %dma_wait3A_944 = tpu.memref_slice %arg13[%dma_wait3A_939] : memref<14x!tpu.dma_semaphore, #tpu.memory_space<semaphore_mem>> -> memref<1x!tpu.dma_semaphore, #tpu.memory_space<semaphore_mem>>
    %dma_wait3A_945 = tpu.memref_squeeze %dma_wait3A_944 : memref<1x!tpu.dma_semaphore, #tpu.memory_space<semaphore_mem>> -> memref<!tpu.dma_semaphore, #tpu.memory_space<semaphore_mem>>
    %dma_wait3A_946 = arith.constant 320 : i32
    %dma_wait3A_947 = arith.constant 0 : i32
    %dma_wait3A_948 = tpu.memref_slice %arg2[%add3A_12, %dma_wait3A_946, %dma_wait3A_947] : memref<128x384x256xf32, #tpu.memory_space<hbm>> -> memref<1x64x256xf32, #tpu.memory_space<hbm>>
    %dma_wait3A_949 = tpu.memref_squeeze %dma_wait3A_948 : memref<1x64x256xf32, #tpu.memory_space<hbm>> -> memref<64x256xf32, #tpu.memory_space<hbm>>
    tpu.wait_dma2 semaphore(%dma_wait3A_945 : memref<!tpu.dma_semaphore, #tpu.memory_space<semaphore_mem>>) src(%dma_wait3A_949 : memref<64x256xf32, #tpu.memory_space<hbm>>) dst(%arg12 : memref<64x256xf32, #tpu.memory_space<vmem>>)
    %dma_start3A_950 = arith.constant 11 : i32
    %dma_start3A_951 = arith.constant 384 : i32
    %dma_start3A_952 = arith.constant 0 : i32
    %dma_start3A_953 = tpu.memref_slice %arg4[%add3A_12, %dma_start3A_951, %dma_start3A_952] : memref<128x448x256xf32, #tpu.memory_space<hbm>> -> memref<1x64x256xf32, #tpu.memory_space<hbm>>
    %dma_start3A_954 = tpu.memref_squeeze %dma_start3A_953 : memref<1x64x256xf32, #tpu.memory_space<hbm>> -> memref<64x256xf32, #tpu.memory_space<hbm>>
    %dma_start3A_955 = tpu.memref_slice %arg13[%dma_start3A_950] : memref<14x!tpu.dma_semaphore, #tpu.memory_space<semaphore_mem>> -> memref<1x!tpu.dma_semaphore, #tpu.memory_space<semaphore_mem>>
    %dma_start3A_956 = tpu.memref_squeeze %dma_start3A_955 : memref<1x!tpu.dma_semaphore, #tpu.memory_space<semaphore_mem>> -> memref<!tpu.dma_semaphore, #tpu.memory_space<semaphore_mem>>
    %dma_start3A_957 = arith.constant 384 : i32
    %dma_start3A_958 = arith.constant 0 : i32
    %dma_start3A_959 = tpu.memref_slice %arg4[%add3A_12, %dma_start3A_957, %dma_start3A_958] : memref<128x448x256xf32, #tpu.memory_space<hbm>> -> memref<1x64x256xf32, #tpu.memory_space<hbm>>
    %dma_start3A_960 = tpu.memref_squeeze %dma_start3A_959 : memref<1x64x256xf32, #tpu.memory_space<hbm>> -> memref<64x256xf32, #tpu.memory_space<hbm>>
    tpu.enqueue_dma source(%arg12 : memref<64x256xf32, #tpu.memory_space<vmem>>) target(%dma_start3A_960 : memref<64x256xf32, #tpu.memory_space<hbm>>) target_semaphore(%dma_start3A_956 : memref<!tpu.dma_semaphore, #tpu.memory_space<semaphore_mem>>)
    %dma_wait3A_961 = arith.constant 9 : i32
    %dma_wait3A_962 = arith.constant 224 : i32
    %dma_wait3A_963 = arith.constant 0 : i32
    %dma_wait3A_964 = tpu.memref_slice %arg4[%add3A_12, %dma_wait3A_962, %dma_wait3A_963] : memref<128x448x256xf32, #tpu.memory_space<hbm>> -> memref<1x64x256xf32, #tpu.memory_space<hbm>>
    %dma_wait3A_965 = tpu.memref_squeeze %dma_wait3A_964 : memref<1x64x256xf32, #tpu.memory_space<hbm>> -> memref<64x256xf32, #tpu.memory_space<hbm>>
    %dma_wait3A_966 = tpu.memref_slice %arg13[%dma_wait3A_961] : memref<14x!tpu.dma_semaphore, #tpu.memory_space<semaphore_mem>> -> memref<1x!tpu.dma_semaphore, #tpu.memory_space<semaphore_mem>>
    %dma_wait3A_967 = tpu.memref_squeeze %dma_wait3A_966 : memref<1x!tpu.dma_semaphore, #tpu.memory_space<semaphore_mem>> -> memref<!tpu.dma_semaphore, #tpu.memory_space<semaphore_mem>>
    %dma_wait3A_968 = arith.constant 224 : i32
    %dma_wait3A_969 = arith.constant 0 : i32
    %dma_wait3A_970 = tpu.memref_slice %arg4[%add3A_12, %dma_wait3A_968, %dma_wait3A_969] : memref<128x448x256xf32, #tpu.memory_space<hbm>> -> memref<1x64x256xf32, #tpu.memory_space<hbm>>
    %dma_wait3A_971 = tpu.memref_squeeze %dma_wait3A_970 : memref<1x64x256xf32, #tpu.memory_space<hbm>> -> memref<64x256xf32, #tpu.memory_space<hbm>>
    tpu.wait_dma2 semaphore(%dma_wait3A_967 : memref<!tpu.dma_semaphore, #tpu.memory_space<semaphore_mem>>) src(%arg10 : memref<64x256xf32, #tpu.memory_space<vmem>>) dst(%dma_wait3A_971 : memref<64x256xf32, #tpu.memory_space<hbm>>)
    %dma_start3A_972 = arith.constant 3 : i32
    %dma_start3A_973 = arith.constant 192 : i32
    %dma_start3A_974 = arith.constant 0 : i32
    %dma_start3A_975 = tpu.memref_slice %arg2[%add3A_16, %dma_start3A_973, %dma_start3A_974] : memref<128x384x256xf32, #tpu.memory_space<hbm>> -> memref<1x64x256xf32, #tpu.memory_space<hbm>>
    %dma_start3A_976 = tpu.memref_squeeze %dma_start3A_975 : memref<1x64x256xf32, #tpu.memory_space<hbm>> -> memref<64x256xf32, #tpu.memory_space<hbm>>
    %dma_start3A_977 = tpu.memref_slice %arg13[%dma_start3A_972] : memref<14x!tpu.dma_semaphore, #tpu.memory_space<semaphore_mem>> -> memref<1x!tpu.dma_semaphore, #tpu.memory_space<semaphore_mem>>
    %dma_start3A_978 = tpu.memref_squeeze %dma_start3A_977 : memref<1x!tpu.dma_semaphore, #tpu.memory_space<semaphore_mem>> -> memref<!tpu.dma_semaphore, #tpu.memory_space<semaphore_mem>>
    %dma_start3A_979 = arith.constant 192 : i32
    %dma_start3A_980 = arith.constant 0 : i32
    %dma_start3A_981 = tpu.memref_slice %arg2[%add3A_16, %dma_start3A_979, %dma_start3A_980] : memref<128x384x256xf32, #tpu.memory_space<hbm>> -> memref<1x64x256xf32, #tpu.memory_space<hbm>>
    %dma_start3A_982 = tpu.memref_squeeze %dma_start3A_981 : memref<1x64x256xf32, #tpu.memory_space<hbm>> -> memref<64x256xf32, #tpu.memory_space<hbm>>
    tpu.enqueue_dma source(%dma_start3A_982 : memref<64x256xf32, #tpu.memory_space<hbm>>) target(%arg10 : memref<64x256xf32, #tpu.memory_space<vmem>>) target_semaphore(%dma_start3A_978 : memref<!tpu.dma_semaphore, #tpu.memory_space<semaphore_mem>>)
    %dma_wait3A_983 = arith.constant 0 : i32
    %dma_wait3A_984 = arith.constant 0 : i32
    %dma_wait3A_985 = arith.constant 0 : i32
    %dma_wait3A_986 = tpu.memref_slice %arg2[%add3A_16, %dma_wait3A_984, %dma_wait3A_985] : memref<128x384x256xf32, #tpu.memory_space<hbm>> -> memref<1x64x256xf32, #tpu.memory_space<hbm>>
    %dma_wait3A_987 = tpu.memref_squeeze %dma_wait3A_986 : memref<1x64x256xf32, #tpu.memory_space<hbm>> -> memref<64x256xf32, #tpu.memory_space<hbm>>
    %dma_wait3A_988 = tpu.memref_slice %arg13[%dma_wait3A_983] : memref<14x!tpu.dma_semaphore, #tpu.memory_space<semaphore_mem>> -> memref<1x!tpu.dma_semaphore, #tpu.memory_space<semaphore_mem>>
    %dma_wait3A_989 = tpu.memref_squeeze %dma_wait3A_988 : memref<1x!tpu.dma_semaphore, #tpu.memory_space<semaphore_mem>> -> memref<!tpu.dma_semaphore, #tpu.memory_space<semaphore_mem>>
    %dma_wait3A_990 = arith.constant 0 : i32
    %dma_wait3A_991 = arith.constant 0 : i32
    %dma_wait3A_992 = tpu.memref_slice %arg2[%add3A_16, %dma_wait3A_990, %dma_wait3A_991] : memref<128x384x256xf32, #tpu.memory_space<hbm>> -> memref<1x64x256xf32, #tpu.memory_space<hbm>>
    %dma_wait3A_993 = tpu.memref_squeeze %dma_wait3A_992 : memref<1x64x256xf32, #tpu.memory_space<hbm>> -> memref<64x256xf32, #tpu.memory_space<hbm>>
    tpu.wait_dma2 semaphore(%dma_wait3A_989 : memref<!tpu.dma_semaphore, #tpu.memory_space<semaphore_mem>>) src(%dma_wait3A_993 : memref<64x256xf32, #tpu.memory_space<hbm>>) dst(%arg7 : memref<64x256xf32, #tpu.memory_space<vmem>>)
    %dma_start3A_994 = arith.constant 6 : i32
    %dma_start3A_995 = arith.constant 0 : i32
    %dma_start3A_996 = arith.constant 0 : i32
    %dma_start3A_997 = tpu.memref_slice %arg4[%add3A_16, %dma_start3A_995, %dma_start3A_996] : memref<128x448x256xf32, #tpu.memory_space<hbm>> -> memref<1x64x256xf32, #tpu.memory_space<hbm>>
    %dma_start3A_998 = tpu.memref_squeeze %dma_start3A_997 : memref<1x64x256xf32, #tpu.memory_space<hbm>> -> memref<64x256xf32, #tpu.memory_space<hbm>>
    %dma_start3A_999 = tpu.memref_slice %arg13[%dma_start3A_994] : memref<14x!tpu.dma_semaphore, #tpu.memory_space<semaphore_mem>> -> memref<1x!tpu.dma_semaphore, #tpu.memory_space<semaphore_mem>>
    %dma_start3A_1000 = tpu.memref_squeeze %dma_start3A_999 : memref<1x!tpu.dma_semaphore, #tpu.memory_space<semaphore_mem>> -> memref<!tpu.dma_semaphore, #tpu.memory_space<semaphore_mem>>
    %dma_start3A_1001 = arith.constant 0 : i32
    %dma_start3A_1002 = arith.constant 0 : i32
    %dma_start3A_1003 = tpu.memref_slice %arg4[%add3A_16, %dma_start3A_1001, %dma_start3A_1002] : memref<128x448x256xf32, #tpu.memory_space<hbm>> -> memref<1x64x256xf32, #tpu.memory_space<hbm>>
    %dma_start3A_1004 = tpu.memref_squeeze %dma_start3A_1003 : memref<1x64x256xf32, #tpu.memory_space<hbm>> -> memref<64x256xf32, #tpu.memory_space<hbm>>
    tpu.enqueue_dma source(%arg7 : memref<64x256xf32, #tpu.memory_space<vmem>>) target(%dma_start3A_1004 : memref<64x256xf32, #tpu.memory_space<hbm>>) target_semaphore(%dma_start3A_1000 : memref<!tpu.dma_semaphore, #tpu.memory_space<semaphore_mem>>)
    %dma_wait3A_1005 = arith.constant 10 : i32
    %dma_wait3A_1006 = arith.constant 288 : i32
    %dma_wait3A_1007 = arith.constant 0 : i32
    %dma_wait3A_1008 = tpu.memref_slice %arg4[%add3A_12, %dma_wait3A_1006, %dma_wait3A_1007] : memref<128x448x256xf32, #tpu.memory_space<hbm>> -> memref<1x64x256xf32, #tpu.memory_space<hbm>>
    %dma_wait3A_1009 = tpu.memref_squeeze %dma_wait3A_1008 : memref<1x64x256xf32, #tpu.memory_space<hbm>> -> memref<64x256xf32, #tpu.memory_space<hbm>>
    %dma_wait3A_1010 = tpu.memref_slice %arg13[%dma_wait3A_1005] : memref<14x!tpu.dma_semaphore, #tpu.memory_space<semaphore_mem>> -> memref<1x!tpu.dma_semaphore, #tpu.memory_space<semaphore_mem>>
    %dma_wait3A_1011 = tpu.memref_squeeze %dma_wait3A_1010 : memref<1x!tpu.dma_semaphore, #tpu.memory_space<semaphore_mem>> -> memref<!tpu.dma_semaphore, #tpu.memory_space<semaphore_mem>>
    %dma_wait3A_1012 = arith.constant 288 : i32
    %dma_wait3A_1013 = arith.constant 0 : i32
    %dma_wait3A_1014 = tpu.memref_slice %arg4[%add3A_12, %dma_wait3A_1012, %dma_wait3A_1013] : memref<128x448x256xf32, #tpu.memory_space<hbm>> -> memref<1x64x256xf32, #tpu.memory_space<hbm>>
    %dma_wait3A_1015 = tpu.memref_squeeze %dma_wait3A_1014 : memref<1x64x256xf32, #tpu.memory_space<hbm>> -> memref<64x256xf32, #tpu.memory_space<hbm>>
    tpu.wait_dma2 semaphore(%dma_wait3A_1011 : memref<!tpu.dma_semaphore, #tpu.memory_space<semaphore_mem>>) src(%arg11 : memref<64x256xf32, #tpu.memory_space<vmem>>) dst(%dma_wait3A_1015 : memref<64x256xf32, #tpu.memory_space<hbm>>)
    %dma_start3A_1016 = arith.constant 4 : i32
    %dma_start3A_1017 = arith.constant 256 : i32
    %dma_start3A_1018 = arith.constant 0 : i32
    %dma_start3A_1019 = tpu.memref_slice %arg2[%add3A_16, %dma_start3A_1017, %dma_start3A_1018] : memref<128x384x256xf32, #tpu.memory_space<hbm>> -> memref<1x64x256xf32, #tpu.memory_space<hbm>>
    %dma_start3A_1020 = tpu.memref_squeeze %dma_start3A_1019 : memref<1x64x256xf32, #tpu.memory_space<hbm>> -> memref<64x256xf32, #tpu.memory_space<hbm>>
    %dma_start3A_1021 = tpu.memref_slice %arg13[%dma_start3A_1016] : memref<14x!tpu.dma_semaphore, #tpu.memory_space<semaphore_mem>> -> memref<1x!tpu.dma_semaphore, #tpu.memory_space<semaphore_mem>>
    %dma_start3A_1022 = tpu.memref_squeeze %dma_start3A_1021 : memref<1x!tpu.dma_semaphore, #tpu.memory_space<semaphore_mem>> -> memref<!tpu.dma_semaphore, #tpu.memory_space<semaphore_mem>>
    %dma_start3A_1023 = arith.constant 256 : i32
    %dma_start3A_1024 = arith.constant 0 : i32
    %dma_start3A_1025 = tpu.memref_slice %arg2[%add3A_16, %dma_start3A_1023, %dma_start3A_1024] : memref<128x384x256xf32, #tpu.memory_space<hbm>> -> memref<1x64x256xf32, #tpu.memory_space<hbm>>
    %dma_start3A_1026 = tpu.memref_squeeze %dma_start3A_1025 : memref<1x64x256xf32, #tpu.memory_space<hbm>> -> memref<64x256xf32, #tpu.memory_space<hbm>>
    tpu.enqueue_dma source(%dma_start3A_1026 : memref<64x256xf32, #tpu.memory_space<hbm>>) target(%arg11 : memref<64x256xf32, #tpu.memory_space<vmem>>) target_semaphore(%dma_start3A_1022 : memref<!tpu.dma_semaphore, #tpu.memory_space<semaphore_mem>>)
    %dma_wait3A_1027 = arith.constant 1 : i32
    %dma_wait3A_1028 = arith.constant 64 : i32
    %dma_wait3A_1029 = arith.constant 0 : i32
    %dma_wait3A_1030 = tpu.memref_slice %arg2[%add3A_16, %dma_wait3A_1028, %dma_wait3A_1029] : memref<128x384x256xf32, #tpu.memory_space<hbm>> -> memref<1x64x256xf32, #tpu.memory_space<hbm>>
    %dma_wait3A_1031 = tpu.memref_squeeze %dma_wait3A_1030 : memref<1x64x256xf32, #tpu.memory_space<hbm>> -> memref<64x256xf32, #tpu.memory_space<hbm>>
    %dma_wait3A_1032 = tpu.memref_slice %arg13[%dma_wait3A_1027] : memref<14x!tpu.dma_semaphore, #tpu.memory_space<semaphore_mem>> -> memref<1x!tpu.dma_semaphore, #tpu.memory_space<semaphore_mem>>
    %dma_wait3A_1033 = tpu.memref_squeeze %dma_wait3A_1032 : memref<1x!tpu.dma_semaphore, #tpu.memory_space<semaphore_mem>> -> memref<!tpu.dma_semaphore, #tpu.memory_space<semaphore_mem>>
    %dma_wait3A_1034 = arith.constant 64 : i32
    %dma_wait3A_1035 = arith.constant 0 : i32
    %dma_wait3A_1036 = tpu.memref_slice %arg2[%add3A_16, %dma_wait3A_1034, %dma_wait3A_1035] : memref<128x384x256xf32, #tpu.memory_space<hbm>> -> memref<1x64x256xf32, #tpu.memory_space<hbm>>
    %dma_wait3A_1037 = tpu.memref_squeeze %dma_wait3A_1036 : memref<1x64x256xf32, #tpu.memory_space<hbm>> -> memref<64x256xf32, #tpu.memory_space<hbm>>
    tpu.wait_dma2 semaphore(%dma_wait3A_1033 : memref<!tpu.dma_semaphore, #tpu.memory_space<semaphore_mem>>) src(%dma_wait3A_1037 : memref<64x256xf32, #tpu.memory_space<hbm>>) dst(%arg8 : memref<64x256xf32, #tpu.memory_space<vmem>>)
    %dma_start3A_1038 = arith.constant 7 : i32
    %dma_start3A_1039 = arith.constant 96 : i32
    %dma_start3A_1040 = arith.constant 0 : i32
    %dma_start3A_1041 = tpu.memref_slice %arg4[%add3A_16, %dma_start3A_1039, %dma_start3A_1040] : memref<128x448x256xf32, #tpu.memory_space<hbm>> -> memref<1x64x256xf32, #tpu.memory_space<hbm>>
    %dma_start3A_1042 = tpu.memref_squeeze %dma_start3A_1041 : memref<1x64x256xf32, #tpu.memory_space<hbm>> -> memref<64x256xf32, #tpu.memory_space<hbm>>
    %dma_start3A_1043 = tpu.memref_slice %arg13[%dma_start3A_1038] : memref<14x!tpu.dma_semaphore, #tpu.memory_space<semaphore_mem>> -> memref<1x!tpu.dma_semaphore, #tpu.memory_space<semaphore_mem>>
    %dma_start3A_1044 = tpu.memref_squeeze %dma_start3A_1043 : memref<1x!tpu.dma_semaphore, #tpu.memory_space<semaphore_mem>> -> memref<!tpu.dma_semaphore, #tpu.memory_space<semaphore_mem>>
    %dma_start3A_1045 = arith.constant 96 : i32
    %dma_start3A_1046 = arith.constant 0 : i32
    %dma_start3A_1047 = tpu.memref_slice %arg4[%add3A_16, %dma_start3A_1045, %dma_start3A_1046] : memref<128x448x256xf32, #tpu.memory_space<hbm>> -> memref<1x64x256xf32, #tpu.memory_space<hbm>>
    %dma_start3A_1048 = tpu.memref_squeeze %dma_start3A_1047 : memref<1x64x256xf32, #tpu.memory_space<hbm>> -> memref<64x256xf32, #tpu.memory_space<hbm>>
    tpu.enqueue_dma source(%arg8 : memref<64x256xf32, #tpu.memory_space<vmem>>) target(%dma_start3A_1048 : memref<64x256xf32, #tpu.memory_space<hbm>>) target_semaphore(%dma_start3A_1044 : memref<!tpu.dma_semaphore, #tpu.memory_space<semaphore_mem>>)
    %dma_wait3A_1049 = arith.constant 11 : i32
    %dma_wait3A_1050 = arith.constant 384 : i32
    %dma_wait3A_1051 = arith.constant 0 : i32
    %dma_wait3A_1052 = tpu.memref_slice %arg4[%add3A_12, %dma_wait3A_1050, %dma_wait3A_1051] : memref<128x448x256xf32, #tpu.memory_space<hbm>> -> memref<1x64x256xf32, #tpu.memory_space<hbm>>
    %dma_wait3A_1053 = tpu.memref_squeeze %dma_wait3A_1052 : memref<1x64x256xf32, #tpu.memory_space<hbm>> -> memref<64x256xf32, #tpu.memory_space<hbm>>
    %dma_wait3A_1054 = tpu.memref_slice %arg13[%dma_wait3A_1049] : memref<14x!tpu.dma_semaphore, #tpu.memory_space<semaphore_mem>> -> memref<1x!tpu.dma_semaphore, #tpu.memory_space<semaphore_mem>>
    %dma_wait3A_1055 = tpu.memref_squeeze %dma_wait3A_1054 : memref<1x!tpu.dma_semaphore, #tpu.memory_space<semaphore_mem>> -> memref<!tpu.dma_semaphore, #tpu.memory_space<semaphore_mem>>
    %dma_wait3A_1056 = arith.constant 384 : i32
    %dma_wait3A_1057 = arith.constant 0 : i32
    %dma_wait3A_1058 = tpu.memref_slice %arg4[%add3A_12, %dma_wait3A_1056, %dma_wait3A_1057] : memref<128x448x256xf32, #tpu.memory_space<hbm>> -> memref<1x64x256xf32, #tpu.memory_space<hbm>>
    %dma_wait3A_1059 = tpu.memref_squeeze %dma_wait3A_1058 : memref<1x64x256xf32, #tpu.memory_space<hbm>> -> memref<64x256xf32, #tpu.memory_space<hbm>>
    tpu.wait_dma2 semaphore(%dma_wait3A_1055 : memref<!tpu.dma_semaphore, #tpu.memory_space<semaphore_mem>>) src(%arg12 : memref<64x256xf32, #tpu.memory_space<vmem>>) dst(%dma_wait3A_1059 : memref<64x256xf32, #tpu.memory_space<hbm>>)
    %dma_start3A_1060 = arith.constant 5 : i32
    %dma_start3A_1061 = arith.constant 320 : i32
    %dma_start3A_1062 = arith.constant 0 : i32
    %dma_start3A_1063 = tpu.memref_slice %arg2[%add3A_16, %dma_start3A_1061, %dma_start3A_1062] : memref<128x384x256xf32, #tpu.memory_space<hbm>> -> memref<1x64x256xf32, #tpu.memory_space<hbm>>
    %dma_start3A_1064 = tpu.memref_squeeze %dma_start3A_1063 : memref<1x64x256xf32, #tpu.memory_space<hbm>> -> memref<64x256xf32, #tpu.memory_space<hbm>>
    %dma_start3A_1065 = tpu.memref_slice %arg13[%dma_start3A_1060] : memref<14x!tpu.dma_semaphore, #tpu.memory_space<semaphore_mem>> -> memref<1x!tpu.dma_semaphore, #tpu.memory_space<semaphore_mem>>
    %dma_start3A_1066 = tpu.memref_squeeze %dma_start3A_1065 : memref<1x!tpu.dma_semaphore, #tpu.memory_space<semaphore_mem>> -> memref<!tpu.dma_semaphore, #tpu.memory_space<semaphore_mem>>
    %dma_start3A_1067 = arith.constant 320 : i32
    %dma_start3A_1068 = arith.constant 0 : i32
    %dma_start3A_1069 = tpu.memref_slice %arg2[%add3A_16, %dma_start3A_1067, %dma_start3A_1068] : memref<128x384x256xf32, #tpu.memory_space<hbm>> -> memref<1x64x256xf32, #tpu.memory_space<hbm>>
    %dma_start3A_1070 = tpu.memref_squeeze %dma_start3A_1069 : memref<1x64x256xf32, #tpu.memory_space<hbm>> -> memref<64x256xf32, #tpu.memory_space<hbm>>
    tpu.enqueue_dma source(%dma_start3A_1070 : memref<64x256xf32, #tpu.memory_space<hbm>>) target(%arg12 : memref<64x256xf32, #tpu.memory_space<vmem>>) target_semaphore(%dma_start3A_1066 : memref<!tpu.dma_semaphore, #tpu.memory_space<semaphore_mem>>)
    %dma_wait3A_1071 = arith.constant 2 : i32
    %dma_wait3A_1072 = arith.constant 128 : i32
    %dma_wait3A_1073 = arith.constant 0 : i32
    %dma_wait3A_1074 = tpu.memref_slice %arg2[%add3A_16, %dma_wait3A_1072, %dma_wait3A_1073] : memref<128x384x256xf32, #tpu.memory_space<hbm>> -> memref<1x64x256xf32, #tpu.memory_space<hbm>>
    %dma_wait3A_1075 = tpu.memref_squeeze %dma_wait3A_1074 : memref<1x64x256xf32, #tpu.memory_space<hbm>> -> memref<64x256xf32, #tpu.memory_space<hbm>>
    %dma_wait3A_1076 = tpu.memref_slice %arg13[%dma_wait3A_1071] : memref<14x!tpu.dma_semaphore, #tpu.memory_space<semaphore_mem>> -> memref<1x!tpu.dma_semaphore, #tpu.memory_space<semaphore_mem>>
    %dma_wait3A_1077 = tpu.memref_squeeze %dma_wait3A_1076 : memref<1x!tpu.dma_semaphore, #tpu.memory_space<semaphore_mem>> -> memref<!tpu.dma_semaphore, #tpu.memory_space<semaphore_mem>>
    %dma_wait3A_1078 = arith.constant 128 : i32
    %dma_wait3A_1079 = arith.constant 0 : i32
    %dma_wait3A_1080 = tpu.memref_slice %arg2[%add3A_16, %dma_wait3A_1078, %dma_wait3A_1079] : memref<128x384x256xf32, #tpu.memory_space<hbm>> -> memref<1x64x256xf32, #tpu.memory_space<hbm>>
    %dma_wait3A_1081 = tpu.memref_squeeze %dma_wait3A_1080 : memref<1x64x256xf32, #tpu.memory_space<hbm>> -> memref<64x256xf32, #tpu.memory_space<hbm>>
    tpu.wait_dma2 semaphore(%dma_wait3A_1077 : memref<!tpu.dma_semaphore, #tpu.memory_space<semaphore_mem>>) src(%dma_wait3A_1081 : memref<64x256xf32, #tpu.memory_space<hbm>>) dst(%arg9 : memref<64x256xf32, #tpu.memory_space<vmem>>)
    %dma_start3A_1082 = arith.constant 8 : i32
    %dma_start3A_1083 = arith.constant 160 : i32
    %dma_start3A_1084 = arith.constant 0 : i32
    %dma_start3A_1085 = tpu.memref_slice %arg4[%add3A_16, %dma_start3A_1083, %dma_start3A_1084] : memref<128x448x256xf32, #tpu.memory_space<hbm>> -> memref<1x64x256xf32, #tpu.memory_space<hbm>>
    %dma_start3A_1086 = tpu.memref_squeeze %dma_start3A_1085 : memref<1x64x256xf32, #tpu.memory_space<hbm>> -> memref<64x256xf32, #tpu.memory_space<hbm>>
    %dma_start3A_1087 = tpu.memref_slice %arg13[%dma_start3A_1082] : memref<14x!tpu.dma_semaphore, #tpu.memory_space<semaphore_mem>> -> memref<1x!tpu.dma_semaphore, #tpu.memory_space<semaphore_mem>>
    %dma_start3A_1088 = tpu.memref_squeeze %dma_start3A_1087 : memref<1x!tpu.dma_semaphore, #tpu.memory_space<semaphore_mem>> -> memref<!tpu.dma_semaphore, #tpu.memory_space<semaphore_mem>>
    %dma_start3A_1089 = arith.constant 160 : i32
    %dma_start3A_1090 = arith.constant 0 : i32
    %dma_start3A_1091 = tpu.memref_slice %arg4[%add3A_16, %dma_start3A_1089, %dma_start3A_1090] : memref<128x448x256xf32, #tpu.memory_space<hbm>> -> memref<1x64x256xf32, #tpu.memory_space<hbm>>
    %dma_start3A_1092 = tpu.memref_squeeze %dma_start3A_1091 : memref<1x64x256xf32, #tpu.memory_space<hbm>> -> memref<64x256xf32, #tpu.memory_space<hbm>>
    tpu.enqueue_dma source(%arg9 : memref<64x256xf32, #tpu.memory_space<vmem>>) target(%dma_start3A_1092 : memref<64x256xf32, #tpu.memory_space<hbm>>) target_semaphore(%dma_start3A_1088 : memref<!tpu.dma_semaphore, #tpu.memory_space<semaphore_mem>>)
    %dma_wait3A_1093 = arith.constant 3 : i32
    %dma_wait3A_1094 = arith.constant 192 : i32
    %dma_wait3A_1095 = arith.constant 0 : i32
    %dma_wait3A_1096 = tpu.memref_slice %arg2[%add3A_16, %dma_wait3A_1094, %dma_wait3A_1095] : memref<128x384x256xf32, #tpu.memory_space<hbm>> -> memref<1x64x256xf32, #tpu.memory_space<hbm>>
    %dma_wait3A_1097 = tpu.memref_squeeze %dma_wait3A_1096 : memref<1x64x256xf32, #tpu.memory_space<hbm>> -> memref<64x256xf32, #tpu.memory_space<hbm>>
    %dma_wait3A_1098 = tpu.memref_slice %arg13[%dma_wait3A_1093] : memref<14x!tpu.dma_semaphore, #tpu.memory_space<semaphore_mem>> -> memref<1x!tpu.dma_semaphore, #tpu.memory_space<semaphore_mem>>
    %dma_wait3A_1099 = tpu.memref_squeeze %dma_wait3A_1098 : memref<1x!tpu.dma_semaphore, #tpu.memory_space<semaphore_mem>> -> memref<!tpu.dma_semaphore, #tpu.memory_space<semaphore_mem>>
    %dma_wait3A_1100 = arith.constant 192 : i32
    %dma_wait3A_1101 = arith.constant 0 : i32
    %dma_wait3A_1102 = tpu.memref_slice %arg2[%add3A_16, %dma_wait3A_1100, %dma_wait3A_1101] : memref<128x384x256xf32, #tpu.memory_space<hbm>> -> memref<1x64x256xf32, #tpu.memory_space<hbm>>
    %dma_wait3A_1103 = tpu.memref_squeeze %dma_wait3A_1102 : memref<1x64x256xf32, #tpu.memory_space<hbm>> -> memref<64x256xf32, #tpu.memory_space<hbm>>
    tpu.wait_dma2 semaphore(%dma_wait3A_1099 : memref<!tpu.dma_semaphore, #tpu.memory_space<semaphore_mem>>) src(%dma_wait3A_1103 : memref<64x256xf32, #tpu.memory_space<hbm>>) dst(%arg10 : memref<64x256xf32, #tpu.memory_space<vmem>>)
    %dma_start3A_1104 = arith.constant 9 : i32
    %dma_start3A_1105 = arith.constant 224 : i32
    %dma_start3A_1106 = arith.constant 0 : i32
    %dma_start3A_1107 = tpu.memref_slice %arg4[%add3A_16, %dma_start3A_1105, %dma_start3A_1106] : memref<128x448x256xf32, #tpu.memory_space<hbm>> -> memref<1x64x256xf32, #tpu.memory_space<hbm>>
    %dma_start3A_1108 = tpu.memref_squeeze %dma_start3A_1107 : memref<1x64x256xf32, #tpu.memory_space<hbm>> -> memref<64x256xf32, #tpu.memory_space<hbm>>
    %dma_start3A_1109 = tpu.memref_slice %arg13[%dma_start3A_1104] : memref<14x!tpu.dma_semaphore, #tpu.memory_space<semaphore_mem>> -> memref<1x!tpu.dma_semaphore, #tpu.memory_space<semaphore_mem>>
    %dma_start3A_1110 = tpu.memref_squeeze %dma_start3A_1109 : memref<1x!tpu.dma_semaphore, #tpu.memory_space<semaphore_mem>> -> memref<!tpu.dma_semaphore, #tpu.memory_space<semaphore_mem>>
    %dma_start3A_1111 = arith.constant 224 : i32
    %dma_start3A_1112 = arith.constant 0 : i32
    %dma_start3A_1113 = tpu.memref_slice %arg4[%add3A_16, %dma_start3A_1111, %dma_start3A_1112] : memref<128x448x256xf32, #tpu.memory_space<hbm>> -> memref<1x64x256xf32, #tpu.memory_space<hbm>>
    %dma_start3A_1114 = tpu.memref_squeeze %dma_start3A_1113 : memref<1x64x256xf32, #tpu.memory_space<hbm>> -> memref<64x256xf32, #tpu.memory_space<hbm>>
    tpu.enqueue_dma source(%arg10 : memref<64x256xf32, #tpu.memory_space<vmem>>) target(%dma_start3A_1114 : memref<64x256xf32, #tpu.memory_space<hbm>>) target_semaphore(%dma_start3A_1110 : memref<!tpu.dma_semaphore, #tpu.memory_space<semaphore_mem>>)
    %dma_wait3A_1115 = arith.constant 4 : i32
    %dma_wait3A_1116 = arith.constant 256 : i32
    %dma_wait3A_1117 = arith.constant 0 : i32
    %dma_wait3A_1118 = tpu.memref_slice %arg2[%add3A_16, %dma_wait3A_1116, %dma_wait3A_1117] : memref<128x384x256xf32, #tpu.memory_space<hbm>> -> memref<1x64x256xf32, #tpu.memory_space<hbm>>
    %dma_wait3A_1119 = tpu.memref_squeeze %dma_wait3A_1118 : memref<1x64x256xf32, #tpu.memory_space<hbm>> -> memref<64x256xf32, #tpu.memory_space<hbm>>
    %dma_wait3A_1120 = tpu.memref_slice %arg13[%dma_wait3A_1115] : memref<14x!tpu.dma_semaphore, #tpu.memory_space<semaphore_mem>> -> memref<1x!tpu.dma_semaphore, #tpu.memory_space<semaphore_mem>>
    %dma_wait3A_1121 = tpu.memref_squeeze %dma_wait3A_1120 : memref<1x!tpu.dma_semaphore, #tpu.memory_space<semaphore_mem>> -> memref<!tpu.dma_semaphore, #tpu.memory_space<semaphore_mem>>
    %dma_wait3A_1122 = arith.constant 256 : i32
    %dma_wait3A_1123 = arith.constant 0 : i32
    %dma_wait3A_1124 = tpu.memref_slice %arg2[%add3A_16, %dma_wait3A_1122, %dma_wait3A_1123] : memref<128x384x256xf32, #tpu.memory_space<hbm>> -> memref<1x64x256xf32, #tpu.memory_space<hbm>>
    %dma_wait3A_1125 = tpu.memref_squeeze %dma_wait3A_1124 : memref<1x64x256xf32, #tpu.memory_space<hbm>> -> memref<64x256xf32, #tpu.memory_space<hbm>>
    tpu.wait_dma2 semaphore(%dma_wait3A_1121 : memref<!tpu.dma_semaphore, #tpu.memory_space<semaphore_mem>>) src(%dma_wait3A_1125 : memref<64x256xf32, #tpu.memory_space<hbm>>) dst(%arg11 : memref<64x256xf32, #tpu.memory_space<vmem>>)
    %dma_start3A_1126 = arith.constant 10 : i32
    %dma_start3A_1127 = arith.constant 288 : i32
    %dma_start3A_1128 = arith.constant 0 : i32
    %dma_start3A_1129 = tpu.memref_slice %arg4[%add3A_16, %dma_start3A_1127, %dma_start3A_1128] : memref<128x448x256xf32, #tpu.memory_space<hbm>> -> memref<1x64x256xf32, #tpu.memory_space<hbm>>
    %dma_start3A_1130 = tpu.memref_squeeze %dma_start3A_1129 : memref<1x64x256xf32, #tpu.memory_space<hbm>> -> memref<64x256xf32, #tpu.memory_space<hbm>>
    %dma_start3A_1131 = tpu.memref_slice %arg13[%dma_start3A_1126] : memref<14x!tpu.dma_semaphore, #tpu.memory_space<semaphore_mem>> -> memref<1x!tpu.dma_semaphore, #tpu.memory_space<semaphore_mem>>
    %dma_start3A_1132 = tpu.memref_squeeze %dma_start3A_1131 : memref<1x!tpu.dma_semaphore, #tpu.memory_space<semaphore_mem>> -> memref<!tpu.dma_semaphore, #tpu.memory_space<semaphore_mem>>
    %dma_start3A_1133 = arith.constant 288 : i32
    %dma_start3A_1134 = arith.constant 0 : i32
    %dma_start3A_1135 = tpu.memref_slice %arg4[%add3A_16, %dma_start3A_1133, %dma_start3A_1134] : memref<128x448x256xf32, #tpu.memory_space<hbm>> -> memref<1x64x256xf32, #tpu.memory_space<hbm>>
    %dma_start3A_1136 = tpu.memref_squeeze %dma_start3A_1135 : memref<1x64x256xf32, #tpu.memory_space<hbm>> -> memref<64x256xf32, #tpu.memory_space<hbm>>
    tpu.enqueue_dma source(%arg11 : memref<64x256xf32, #tpu.memory_space<vmem>>) target(%dma_start3A_1136 : memref<64x256xf32, #tpu.memory_space<hbm>>) target_semaphore(%dma_start3A_1132 : memref<!tpu.dma_semaphore, #tpu.memory_space<semaphore_mem>>)
    %dma_wait3A_1137 = arith.constant 5 : i32
    %dma_wait3A_1138 = arith.constant 320 : i32
    %dma_wait3A_1139 = arith.constant 0 : i32
    %dma_wait3A_1140 = tpu.memref_slice %arg2[%add3A_16, %dma_wait3A_1138, %dma_wait3A_1139] : memref<128x384x256xf32, #tpu.memory_space<hbm>> -> memref<1x64x256xf32, #tpu.memory_space<hbm>>
    %dma_wait3A_1141 = tpu.memref_squeeze %dma_wait3A_1140 : memref<1x64x256xf32, #tpu.memory_space<hbm>> -> memref<64x256xf32, #tpu.memory_space<hbm>>
    %dma_wait3A_1142 = tpu.memref_slice %arg13[%dma_wait3A_1137] : memref<14x!tpu.dma_semaphore, #tpu.memory_space<semaphore_mem>> -> memref<1x!tpu.dma_semaphore, #tpu.memory_space<semaphore_mem>>
    %dma_wait3A_1143 = tpu.memref_squeeze %dma_wait3A_1142 : memref<1x!tpu.dma_semaphore, #tpu.memory_space<semaphore_mem>> -> memref<!tpu.dma_semaphore, #tpu.memory_space<semaphore_mem>>
    %dma_wait3A_1144 = arith.constant 320 : i32
    %dma_wait3A_1145 = arith.constant 0 : i32
    %dma_wait3A_1146 = tpu.memref_slice %arg2[%add3A_16, %dma_wait3A_1144, %dma_wait3A_1145] : memref<128x384x256xf32, #tpu.memory_space<hbm>> -> memref<1x64x256xf32, #tpu.memory_space<hbm>>
    %dma_wait3A_1147 = tpu.memref_squeeze %dma_wait3A_1146 : memref<1x64x256xf32, #tpu.memory_space<hbm>> -> memref<64x256xf32, #tpu.memory_space<hbm>>
    tpu.wait_dma2 semaphore(%dma_wait3A_1143 : memref<!tpu.dma_semaphore, #tpu.memory_space<semaphore_mem>>) src(%dma_wait3A_1147 : memref<64x256xf32, #tpu.memory_space<hbm>>) dst(%arg12 : memref<64x256xf32, #tpu.memory_space<vmem>>)
    %dma_start3A_1148 = arith.constant 11 : i32
    %dma_start3A_1149 = arith.constant 384 : i32
    %dma_start3A_1150 = arith.constant 0 : i32
    %dma_start3A_1151 = tpu.memref_slice %arg4[%add3A_16, %dma_start3A_1149, %dma_start3A_1150] : memref<128x448x256xf32, #tpu.memory_space<hbm>> -> memref<1x64x256xf32, #tpu.memory_space<hbm>>
    %dma_start3A_1152 = tpu.memref_squeeze %dma_start3A_1151 : memref<1x64x256xf32, #tpu.memory_space<hbm>> -> memref<64x256xf32, #tpu.memory_space<hbm>>
    %dma_start3A_1153 = tpu.memref_slice %arg13[%dma_start3A_1148] : memref<14x!tpu.dma_semaphore, #tpu.memory_space<semaphore_mem>> -> memref<1x!tpu.dma_semaphore, #tpu.memory_space<semaphore_mem>>
    %dma_start3A_1154 = tpu.memref_squeeze %dma_start3A_1153 : memref<1x!tpu.dma_semaphore, #tpu.memory_space<semaphore_mem>> -> memref<!tpu.dma_semaphore, #tpu.memory_space<semaphore_mem>>
    %dma_start3A_1155 = arith.constant 384 : i32
    %dma_start3A_1156 = arith.constant 0 : i32
    %dma_start3A_1157 = tpu.memref_slice %arg4[%add3A_16, %dma_start3A_1155, %dma_start3A_1156] : memref<128x448x256xf32, #tpu.memory_space<hbm>> -> memref<1x64x256xf32, #tpu.memory_space<hbm>>
    %dma_start3A_1158 = tpu.memref_squeeze %dma_start3A_1157 : memref<1x64x256xf32, #tpu.memory_space<hbm>> -> memref<64x256xf32, #tpu.memory_space<hbm>>
    tpu.enqueue_dma source(%arg12 : memref<64x256xf32, #tpu.memory_space<vmem>>) target(%dma_start3A_1158 : memref<64x256xf32, #tpu.memory_space<hbm>>) target_semaphore(%dma_start3A_1154 : memref<!tpu.dma_semaphore, #tpu.memory_space<semaphore_mem>>)
    %dma_wait3A_1159 = arith.constant 6 : i32
    %dma_wait3A_1160 = arith.constant 0 : i32
    %dma_wait3A_1161 = arith.constant 0 : i32
    %dma_wait3A_1162 = tpu.memref_slice %arg4[%add3A_16, %dma_wait3A_1160, %dma_wait3A_1161] : memref<128x448x256xf32, #tpu.memory_space<hbm>> -> memref<1x64x256xf32, #tpu.memory_space<hbm>>
    %dma_wait3A_1163 = tpu.memref_squeeze %dma_wait3A_1162 : memref<1x64x256xf32, #tpu.memory_space<hbm>> -> memref<64x256xf32, #tpu.memory_space<hbm>>
    %dma_wait3A_1164 = tpu.memref_slice %arg13[%dma_wait3A_1159] : memref<14x!tpu.dma_semaphore, #tpu.memory_space<semaphore_mem>> -> memref<1x!tpu.dma_semaphore, #tpu.memory_space<semaphore_mem>>
    %dma_wait3A_1165 = tpu.memref_squeeze %dma_wait3A_1164 : memref<1x!tpu.dma_semaphore, #tpu.memory_space<semaphore_mem>> -> memref<!tpu.dma_semaphore, #tpu.memory_space<semaphore_mem>>
    %dma_wait3A_1166 = arith.constant 0 : i32
    %dma_wait3A_1167 = arith.constant 0 : i32
    %dma_wait3A_1168 = tpu.memref_slice %arg4[%add3A_16, %dma_wait3A_1166, %dma_wait3A_1167] : memref<128x448x256xf32, #tpu.memory_space<hbm>> -> memref<1x64x256xf32, #tpu.memory_space<hbm>>
    %dma_wait3A_1169 = tpu.memref_squeeze %dma_wait3A_1168 : memref<1x64x256xf32, #tpu.memory_space<hbm>> -> memref<64x256xf32, #tpu.memory_space<hbm>>
    tpu.wait_dma2 semaphore(%dma_wait3A_1165 : memref<!tpu.dma_semaphore, #tpu.memory_space<semaphore_mem>>) src(%arg7 : memref<64x256xf32, #tpu.memory_space<vmem>>) dst(%dma_wait3A_1169 : memref<64x256xf32, #tpu.memory_space<hbm>>)
    %dma_wait3A_1170 = arith.constant 7 : i32
    %dma_wait3A_1171 = arith.constant 96 : i32
    %dma_wait3A_1172 = arith.constant 0 : i32
    %dma_wait3A_1173 = tpu.memref_slice %arg4[%add3A_16, %dma_wait3A_1171, %dma_wait3A_1172] : memref<128x448x256xf32, #tpu.memory_space<hbm>> -> memref<1x64x256xf32, #tpu.memory_space<hbm>>
    %dma_wait3A_1174 = tpu.memref_squeeze %dma_wait3A_1173 : memref<1x64x256xf32, #tpu.memory_space<hbm>> -> memref<64x256xf32, #tpu.memory_space<hbm>>
    %dma_wait3A_1175 = tpu.memref_slice %arg13[%dma_wait3A_1170] : memref<14x!tpu.dma_semaphore, #tpu.memory_space<semaphore_mem>> -> memref<1x!tpu.dma_semaphore, #tpu.memory_space<semaphore_mem>>
    %dma_wait3A_1176 = tpu.memref_squeeze %dma_wait3A_1175 : memref<1x!tpu.dma_semaphore, #tpu.memory_space<semaphore_mem>> -> memref<!tpu.dma_semaphore, #tpu.memory_space<semaphore_mem>>
    %dma_wait3A_1177 = arith.constant 96 : i32
    %dma_wait3A_1178 = arith.constant 0 : i32
    %dma_wait3A_1179 = tpu.memref_slice %arg4[%add3A_16, %dma_wait3A_1177, %dma_wait3A_1178] : memref<128x448x256xf32, #tpu.memory_space<hbm>> -> memref<1x64x256xf32, #tpu.memory_space<hbm>>
    %dma_wait3A_1180 = tpu.memref_squeeze %dma_wait3A_1179 : memref<1x64x256xf32, #tpu.memory_space<hbm>> -> memref<64x256xf32, #tpu.memory_space<hbm>>
    tpu.wait_dma2 semaphore(%dma_wait3A_1176 : memref<!tpu.dma_semaphore, #tpu.memory_space<semaphore_mem>>) src(%arg8 : memref<64x256xf32, #tpu.memory_space<vmem>>) dst(%dma_wait3A_1180 : memref<64x256xf32, #tpu.memory_space<hbm>>)
    %dma_wait3A_1181 = arith.constant 8 : i32
    %dma_wait3A_1182 = arith.constant 160 : i32
    %dma_wait3A_1183 = arith.constant 0 : i32
    %dma_wait3A_1184 = tpu.memref_slice %arg4[%add3A_16, %dma_wait3A_1182, %dma_wait3A_1183] : memref<128x448x256xf32, #tpu.memory_space<hbm>> -> memref<1x64x256xf32, #tpu.memory_space<hbm>>
    %dma_wait3A_1185 = tpu.memref_squeeze %dma_wait3A_1184 : memref<1x64x256xf32, #tpu.memory_space<hbm>> -> memref<64x256xf32, #tpu.memory_space<hbm>>
    %dma_wait3A_1186 = tpu.memref_slice %arg13[%dma_wait3A_1181] : memref<14x!tpu.dma_semaphore, #tpu.memory_space<semaphore_mem>> -> memref<1x!tpu.dma_semaphore, #tpu.memory_space<semaphore_mem>>
    %dma_wait3A_1187 = tpu.memref_squeeze %dma_wait3A_1186 : memref<1x!tpu.dma_semaphore, #tpu.memory_space<semaphore_mem>> -> memref<!tpu.dma_semaphore, #tpu.memory_space<semaphore_mem>>
    %dma_wait3A_1188 = arith.constant 160 : i32
    %dma_wait3A_1189 = arith.constant 0 : i32
    %dma_wait3A_1190 = tpu.memref_slice %arg4[%add3A_16, %dma_wait3A_1188, %dma_wait3A_1189] : memref<128x448x256xf32, #tpu.memory_space<hbm>> -> memref<1x64x256xf32, #tpu.memory_space<hbm>>
    %dma_wait3A_1191 = tpu.memref_squeeze %dma_wait3A_1190 : memref<1x64x256xf32, #tpu.memory_space<hbm>> -> memref<64x256xf32, #tpu.memory_space<hbm>>
    tpu.wait_dma2 semaphore(%dma_wait3A_1187 : memref<!tpu.dma_semaphore, #tpu.memory_space<semaphore_mem>>) src(%arg9 : memref<64x256xf32, #tpu.memory_space<vmem>>) dst(%dma_wait3A_1191 : memref<64x256xf32, #tpu.memory_space<hbm>>)
    %dma_wait3A_1192 = arith.constant 9 : i32
    %dma_wait3A_1193 = arith.constant 224 : i32
    %dma_wait3A_1194 = arith.constant 0 : i32
    %dma_wait3A_1195 = tpu.memref_slice %arg4[%add3A_16, %dma_wait3A_1193, %dma_wait3A_1194] : memref<128x448x256xf32, #tpu.memory_space<hbm>> -> memref<1x64x256xf32, #tpu.memory_space<hbm>>
    %dma_wait3A_1196 = tpu.memref_squeeze %dma_wait3A_1195 : memref<1x64x256xf32, #tpu.memory_space<hbm>> -> memref<64x256xf32, #tpu.memory_space<hbm>>
    %dma_wait3A_1197 = tpu.memref_slice %arg13[%dma_wait3A_1192] : memref<14x!tpu.dma_semaphore, #tpu.memory_space<semaphore_mem>> -> memref<1x!tpu.dma_semaphore, #tpu.memory_space<semaphore_mem>>
    %dma_wait3A_1198 = tpu.memref_squeeze %dma_wait3A_1197 : memref<1x!tpu.dma_semaphore, #tpu.memory_space<semaphore_mem>> -> memref<!tpu.dma_semaphore, #tpu.memory_space<semaphore_mem>>
    %dma_wait3A_1199 = arith.constant 224 : i32
    %dma_wait3A_1200 = arith.constant 0 : i32
    %dma_wait3A_1201 = tpu.memref_slice %arg4[%add3A_16, %dma_wait3A_1199, %dma_wait3A_1200] : memref<128x448x256xf32, #tpu.memory_space<hbm>> -> memref<1x64x256xf32, #tpu.memory_space<hbm>>
    %dma_wait3A_1202 = tpu.memref_squeeze %dma_wait3A_1201 : memref<1x64x256xf32, #tpu.memory_space<hbm>> -> memref<64x256xf32, #tpu.memory_space<hbm>>
    tpu.wait_dma2 semaphore(%dma_wait3A_1198 : memref<!tpu.dma_semaphore, #tpu.memory_space<semaphore_mem>>) src(%arg10 : memref<64x256xf32, #tpu.memory_space<vmem>>) dst(%dma_wait3A_1202 : memref<64x256xf32, #tpu.memory_space<hbm>>)
    %dma_wait3A_1203 = arith.constant 10 : i32
    %dma_wait3A_1204 = arith.constant 288 : i32
    %dma_wait3A_1205 = arith.constant 0 : i32
    %dma_wait3A_1206 = tpu.memref_slice %arg4[%add3A_16, %dma_wait3A_1204, %dma_wait3A_1205] : memref<128x448x256xf32, #tpu.memory_space<hbm>> -> memref<1x64x256xf32, #tpu.memory_space<hbm>>
    %dma_wait3A_1207 = tpu.memref_squeeze %dma_wait3A_1206 : memref<1x64x256xf32, #tpu.memory_space<hbm>> -> memref<64x256xf32, #tpu.memory_space<hbm>>
    %dma_wait3A_1208 = tpu.memref_slice %arg13[%dma_wait3A_1203] : memref<14x!tpu.dma_semaphore, #tpu.memory_space<semaphore_mem>> -> memref<1x!tpu.dma_semaphore, #tpu.memory_space<semaphore_mem>>
    %dma_wait3A_1209 = tpu.memref_squeeze %dma_wait3A_1208 : memref<1x!tpu.dma_semaphore, #tpu.memory_space<semaphore_mem>> -> memref<!tpu.dma_semaphore, #tpu.memory_space<semaphore_mem>>
    %dma_wait3A_1210 = arith.constant 288 : i32
    %dma_wait3A_1211 = arith.constant 0 : i32
    %dma_wait3A_1212 = tpu.memref_slice %arg4[%add3A_16, %dma_wait3A_1210, %dma_wait3A_1211] : memref<128x448x256xf32, #tpu.memory_space<hbm>> -> memref<1x64x256xf32, #tpu.memory_space<hbm>>
    %dma_wait3A_1213 = tpu.memref_squeeze %dma_wait3A_1212 : memref<1x64x256xf32, #tpu.memory_space<hbm>> -> memref<64x256xf32, #tpu.memory_space<hbm>>
    tpu.wait_dma2 semaphore(%dma_wait3A_1209 : memref<!tpu.dma_semaphore, #tpu.memory_space<semaphore_mem>>) src(%arg11 : memref<64x256xf32, #tpu.memory_space<vmem>>) dst(%dma_wait3A_1213 : memref<64x256xf32, #tpu.memory_space<hbm>>)
    %dma_wait3A_1214 = arith.constant 11 : i32
    %dma_wait3A_1215 = arith.constant 384 : i32
    %dma_wait3A_1216 = arith.constant 0 : i32
    %dma_wait3A_1217 = tpu.memref_slice %arg4[%add3A_16, %dma_wait3A_1215, %dma_wait3A_1216] : memref<128x448x256xf32, #tpu.memory_space<hbm>> -> memref<1x64x256xf32, #tpu.memory_space<hbm>>
    %dma_wait3A_1218 = tpu.memref_squeeze %dma_wait3A_1217 : memref<1x64x256xf32, #tpu.memory_space<hbm>> -> memref<64x256xf32, #tpu.memory_space<hbm>>
    %dma_wait3A_1219 = tpu.memref_slice %arg13[%dma_wait3A_1214] : memref<14x!tpu.dma_semaphore, #tpu.memory_space<semaphore_mem>> -> memref<1x!tpu.dma_semaphore, #tpu.memory_space<semaphore_mem>>
    %dma_wait3A_1220 = tpu.memref_squeeze %dma_wait3A_1219 : memref<1x!tpu.dma_semaphore, #tpu.memory_space<semaphore_mem>> -> memref<!tpu.dma_semaphore, #tpu.memory_space<semaphore_mem>>
    %dma_wait3A_1221 = arith.constant 384 : i32
    %dma_wait3A_1222 = arith.constant 0 : i32
    %dma_wait3A_1223 = tpu.memref_slice %arg4[%add3A_16, %dma_wait3A_1221, %dma_wait3A_1222] : memref<128x448x256xf32, #tpu.memory_space<hbm>> -> memref<1x64x256xf32, #tpu.memory_space<hbm>>
    %dma_wait3A_1224 = tpu.memref_squeeze %dma_wait3A_1223 : memref<1x64x256xf32, #tpu.memory_space<hbm>> -> memref<64x256xf32, #tpu.memory_space<hbm>>
    tpu.wait_dma2 semaphore(%dma_wait3A_1220 : memref<!tpu.dma_semaphore, #tpu.memory_space<semaphore_mem>>) src(%arg12 : memref<64x256xf32, #tpu.memory_space<vmem>>) dst(%dma_wait3A_1224 : memref<64x256xf32, #tpu.memory_space<hbm>>)
    %dma_wait3A_1225 = arith.constant 12 : i32
    %dma_wait3A_1226 = arith.constant 64 : i32
    %dma_wait3A_1227 = arith.constant 0 : i32
    %dma_wait3A_1228 = tpu.memref_slice %arg4[%add3A_16, %dma_wait3A_1226, %dma_wait3A_1227] : memref<128x448x256xf32, #tpu.memory_space<hbm>> -> memref<1x32x256xf32, #tpu.memory_space<hbm>>
    %dma_wait3A_1229 = tpu.memref_squeeze %dma_wait3A_1228 : memref<1x32x256xf32, #tpu.memory_space<hbm>> -> memref<32x256xf32, #tpu.memory_space<hbm>>
    %dma_wait3A_1230 = tpu.memref_slice %arg13[%dma_wait3A_1225] : memref<14x!tpu.dma_semaphore, #tpu.memory_space<semaphore_mem>> -> memref<1x!tpu.dma_semaphore, #tpu.memory_space<semaphore_mem>>
    %dma_wait3A_1231 = tpu.memref_squeeze %dma_wait3A_1230 : memref<1x!tpu.dma_semaphore, #tpu.memory_space<semaphore_mem>> -> memref<!tpu.dma_semaphore, #tpu.memory_space<semaphore_mem>>
    %dma_wait3A_1232 = arith.constant 64 : i32
    %dma_wait3A_1233 = arith.constant 0 : i32
    %dma_wait3A_1234 = tpu.memref_slice %arg4[%add3A_16, %dma_wait3A_1232, %dma_wait3A_1233] : memref<128x448x256xf32, #tpu.memory_space<hbm>> -> memref<1x32x256xf32, #tpu.memory_space<hbm>>
    %dma_wait3A_1235 = tpu.memref_squeeze %dma_wait3A_1234 : memref<1x32x256xf32, #tpu.memory_space<hbm>> -> memref<32x256xf32, #tpu.memory_space<hbm>>
    tpu.wait_dma2 semaphore(%dma_wait3A_1231 : memref<!tpu.dma_semaphore, #tpu.memory_space<semaphore_mem>>) src(%arg5 : memref<32x256xf32, #tpu.memory_space<vmem>>) dst(%dma_wait3A_1235 : memref<32x256xf32, #tpu.memory_space<hbm>>)
    %dma_wait3A_1236 = arith.constant 13 : i32
    %dma_wait3A_1237 = arith.constant 352 : i32
    %dma_wait3A_1238 = arith.constant 0 : i32
    %dma_wait3A_1239 = tpu.memref_slice %arg4[%add3A_16, %dma_wait3A_1237, %dma_wait3A_1238] : memref<128x448x256xf32, #tpu.memory_space<hbm>> -> memref<1x32x256xf32, #tpu.memory_space<hbm>>
    %dma_wait3A_1240 = tpu.memref_squeeze %dma_wait3A_1239 : memref<1x32x256xf32, #tpu.memory_space<hbm>> -> memref<32x256xf32, #tpu.memory_space<hbm>>
    %dma_wait3A_1241 = tpu.memref_slice %arg13[%dma_wait3A_1236] : memref<14x!tpu.dma_semaphore, #tpu.memory_space<semaphore_mem>> -> memref<1x!tpu.dma_semaphore, #tpu.memory_space<semaphore_mem>>
    %dma_wait3A_1242 = tpu.memref_squeeze %dma_wait3A_1241 : memref<1x!tpu.dma_semaphore, #tpu.memory_space<semaphore_mem>> -> memref<!tpu.dma_semaphore, #tpu.memory_space<semaphore_mem>>
    %dma_wait3A_1243 = arith.constant 352 : i32
    %dma_wait3A_1244 = arith.constant 0 : i32
    %dma_wait3A_1245 = tpu.memref_slice %arg4[%add3A_16, %dma_wait3A_1243, %dma_wait3A_1244] : memref<128x448x256xf32, #tpu.memory_space<hbm>> -> memref<1x32x256xf32, #tpu.memory_space<hbm>>
    %dma_wait3A_1246 = tpu.memref_squeeze %dma_wait3A_1245 : memref<1x32x256xf32, #tpu.memory_space<hbm>> -> memref<32x256xf32, #tpu.memory_space<hbm>>
    tpu.wait_dma2 semaphore(%dma_wait3A_1242 : memref<!tpu.dma_semaphore, #tpu.memory_space<semaphore_mem>>) src(%arg6 : memref<32x256xf32, #tpu.memory_space<vmem>>) dst(%dma_wait3A_1246 : memref<32x256xf32, #tpu.memory_space<hbm>>)
    return
  }
}

</mosaic_0001>

<sc_bundles>
// kernel: kernel.3.cloned.1.call-start
scs
__scs_entry_jumppad:
0x0: {  	(pc) =	sbr.rel $0x88, $3  }
0x1: {  	(tag) =	ssettag $0x0;
	lr =	simm.s32 $0x1  }
0x2: {  	[smem:$0x3F9F] =	sst lr;
	_ =	strace $0xD0000000  }
0x3: {  	_ = 	snop  }
0x4: {  	_ = 	snop  }
0x5: {  	_ = 	snop  }
0x6: {  	_ = 	snop  }
0x7: {  	_ = 	snop  }
__scs_overlays_trampoline_lowered:
0x8: {  	[smem:$0x3FAE] =	sst s0  }
0x9: {  	[smem:$0x3FAF] =	sst s1  }
0xa: {  	[smem:$0x3FB0] =	sst s2  }
0xb: {  	[smem:$0x3FB1] =	sst s3  }
0xc: {  	[smem:$0x3FB2] =	sst s4  }
0xd: {  	[smem:$0x3FB3] =	sst s5  }
0xe: {  	[smem:$0x3FB4] =	sst s6  }
0xf: {  	[smem:$0x3FB5] =	sst s7  }
0x10: {  	[smem:$0x3FB6] =	sst s8  }
0x11: {  	[smem:$0x3FB7] =	sst s9;
	s0 =	simm.s32 @!p0 $0x0  }
0x12: {  	s1 =	sld [smem:$0x3F9D];
	s0 =	simm.s32 @p0 $0x1  }
0x13: {  	[smem:$0x3FB8] =	sst s0;
	s0 =	simm.s32 @!p1 $0x0  }
0x14: {  	s2 =	sld [smem:$0x3F9C];
	s0 =	simm.s32 @p1 $0x1  }
0x15: {  	[smem:$0x3FB9] =	sst s0;
	s0 =	simm.s32 @!p2 $0x0  }
0x16: {  	s3 =	sld [smem:$0x3FDB];
	s0 =	simm.s32 @p2 $0x1  }
0x17: {  	s4 =	simm.s32 $0x1BF5;
	[smem:$0x3FBB] =	sst s0  }
0x18: {  	s0 =	sld [smem:$0x3F9E];
	_ =	swait.ge [sflag:s4], $0x0  }
0x19: {  	s7 =	sld [smem:$0x3F9F]  }
0x1a: {  	s8 =	sadd.s32 $0xFFFFE003, lr  }
0x1b: {  	s9 =	sadd.s32 $0xFFFFFEF7, lr;
	s5 =	simm.s32 $0xFFFFFFFF;
	p2 =	slt.u32 s8, $0xFFFFF086  }
0x1c: {  	p1 =	slt.u32 s9, $0xF7A;
	s5 =	simm.s32 @!p2 $0x0  }
0x1d: {  	s5 =	simm.s32 @p1 $0x1;
	p0 =	seq.s32 s7, s2  }
0x1e: {  	s7 =	smul.u32 @!p0 $0xF7A, s2;
	p2 =	seq.s32 @!p0 s5, $0x0  }
0x1f: {  	s9 =	smul.u32 $0xF7A, s1;
	s8 =	simm.s32 @!p0 $0x1BF5;
	p2 =	por !p2, p0  }
0x20: {  	[sflag:s8] =	ssyncset.s32 @!p0 $0xFFFFF086;
	s6 =	sadd.s32 @!p0 s3, s7;
	s7 =	simm.s32 @!p0 $0x108  }
0x21: {  	s3 =	sadd.s32 s3, s9;
	s6 =	sadd.s32 @!p0 $0x88, s6;
	s7 =	simm.s32 @p2 $0x1082  }
0x22: {  	[simem:s7], [sflag:s8] =	dma.local @!p0 [hbm:s6], $0xF7A  }
0x23: {  	s9 =	sor.u32 $0xD0000000, s2;
	s6 =	simm.s32 $0x108;
	_ =	swait.ge @!p0 [sflag:s8], $0x0  }
0x24: {  	s3 =	sadd.s32 $0x88, s3;
	s6 =	simm.s32 @!p1 $0x1082;
	[sflag:s4] =	ssyncset.s32 $0xFFFFF086  }
0x25: {  	[simem:s6], [sflag:s4] =	dma.local [hbm:s3], $0xF7A  }
0x26: {  	[smem:$0x3F9F] =	sst s1;
	(tag) =	ssettag s2;
	_ =	strace s9  }
0x27: {  	s1 =	sld [smem:$0x3FAF]  }
0x28: {  	s2 =	sld [smem:$0x3FB0]  }
0x29: {  	s4 =	sld [smem:$0x3FB2]  }
0x2a: {  	p0 =	seq.s32 s5, $0x0;
	s5 =	sld [smem:$0x3FB3]  }
0x2b: {  	s6 =	sld [smem:$0x3FB4]  }
0x2c: {  	s7 =	sld [smem:$0x3FB5]  }
0x2d: {  	s3 =	simm.s32 $0x108;
	s8 =	sld [smem:$0x3FB6]  }
0x2e: {  	s3 =	simm.s32 @!p0 $0x1082;
	s9 =	sld [smem:$0x3FB7]  }
0x2f: {  	lr =	sadd.s32 s0, s3;
	s0 =	sld [smem:$0x3FAE]  }
0x30: {  	s3 =	sld [smem:$0x3FB1]  }
0x31: {  	[smem:$0x3FBA] =	sst s10  }
0x32: {  	s10 =	sld [smem:$0x3FB8];
	_ =	sdelay $0x3  }
0x33: {  	p0 =	seq.s32 s10, $0x1;
	s10 =	sld [smem:$0x3FBA];
	_ =	sdelay $0x3  }
0x34: {  	[smem:$0x3FBA] =	sst s10  }
0x35: {  	s10 =	sld [smem:$0x3FB9];
	_ =	sdelay $0x3  }
0x36: {  	p1 =	seq.s32 s10, $0x1;
	s10 =	sld [smem:$0x3FBA];
	_ =	sdelay $0x3  }
0x37: {  	[smem:$0x3FBA] =	sst s10  }
0x38: {  	s10 =	sld [smem:$0x3FBB]  }
0x39: {  	_ = 	snop;
	(pc) =	sbr.ind lr, $3  }
0x3a: {  	_ = 	snop  }
0x3b: {  	_ = 	snop  }
0x3c: {  	p2 =	seq.s32 s10, $0x1;
	s10 =	sld [smem:$0x3FBA]  }
0x3d: {  	_ =	shalt  }
0x3e: {  	_ =	shalt  }
0x3f: {  	_ =	shalt  }
0x40: {  	_ =	shalt  }
0x41: {  	_ =	shalt  }
0x42: {  	_ =	shalt  }
0x43: {  	_ =	shalt  }
0x44: {  	_ =	shalt  }
0x45: {  	_ =	shalt  }
0x46: {  	_ =	shalt  }
0x47: {  	_ =	shalt  }
0x48: {  	_ =	shalt  }
0x49: {  	_ =	shalt  }
0x4a: {  	_ =	shalt  }
0x4b: {  	_ =	shalt  }
0x4c: {  	_ =	shalt  }
0x4d: {  	_ =	shalt  }
0x4e: {  	_ =	shalt  }
0x4f: {  	_ =	shalt  }
0x50: {  	_ =	shalt  }
0x51: {  	_ =	shalt  }
0x52: {  	_ =	shalt  }
0x53: {  	_ =	shalt  }
0x54: {  	_ =	shalt  }
0x55: {  	_ =	shalt  }
0x56: {  	_ =	shalt  }
0x57: {  	_ =	shalt  }
0x58: {  	_ =	shalt  }
0x59: {  	_ =	shalt  }
0x5a: {  	_ =	shalt  }
0x5b: {  	_ =	shalt  }
0x5c: {  	_ =	shalt  }
0x5d: {  	_ =	shalt  }
0x5e: {  	_ =	shalt  }
0x5f: {  	_ =	shalt  }
0x60: {  	_ =	shalt  }
0x61: {  	_ =	shalt  }
0x62: {  	_ =	shalt  }
0x63: {  	_ =	shalt  }
0x64: {  	_ =	shalt  }
0x65: {  	_ =	shalt  }
0x66: {  	_ =	shalt  }
0x67: {  	_ =	shalt  }
0x68: {  	_ =	shalt  }
0x69: {  	_ =	shalt  }
0x6a: {  	_ =	shalt  }
0x6b: {  	_ =	shalt  }
0x6c: {  	_ =	shalt  }
0x6d: {  	_ =	shalt  }
0x6e: {  	_ =	shalt  }
0x6f: {  	_ =	shalt  }
0x70: {  	_ =	shalt  }
0x71: {  	_ =	shalt  }
0x72: {  	_ =	shalt  }
0x73: {  	_ =	shalt  }
0x74: {  	_ =	shalt  }
0x75: {  	_ =	shalt  }
0x76: {  	_ =	shalt  }
0x77: {  	_ =	shalt  }
0x78: {  	_ =	shalt  }
0x79: {  	_ =	shalt  }
0x7a: {  	_ =	shalt  }
0x7b: {  	_ =	shalt  }
0x7c: {  	_ =	shalt  }
0x7d: {  	_ =	shalt  }
0x7e: {  	_ =	shalt  }
0x7f: {  	_ =	shalt  }
0x80: {  	_ =	shalt  }
0x81: {  	_ =	shalt  }
0x82: {  	_ =	shalt  }
0x83: {  	_ =	shalt  }
0x84: {  	_ =	shalt  }
0x85: {  	_ =	shalt  }
0x86: {  	_ =	shalt  }
0x87: {  	_ =	shalt  }
.Lfunc_end0:
.L_simem_size_0:
called_computation_lowered:
.L_overlay_start_0:
0x88: {  	s2 =	sld [smem:$0x3FD9]  }
0x89: {  	s3 =	sld [smem:$0x3FFE];
	_ =	sdelay $0x1  }
0x8a: {  	s1 =	srdreg.scid  }
0x8b: {  	s0 =	sand.u32 $0x1, s1  }
0x8c: {  	s17 =	sshll.u32 s0, $0xA;
	s2 =	sadd.s32 s3, s2  }
0x8d: {  	s2 =	sadd.s32 s2, s17  }
0x8e: {  	[smem:$0x3FC6] =	sst s2  }
0x8f: {  	_ = 	snop  }
0x90: {  	s2 =	sld [smem:$0x3FC8]  }
0x91: {  	s18 =	sld [smem:$0x3FD0];
	(tm) =	ssettm $0x1  }
0x92: {  	s4 =	sld [smem:$0x3FFB];
	_ =	sdelay $0x3  }
0x93: {  	_ =	strace s4  }
0x94: {  	s4 =	sld [smem:$0x3FFC];
	_ =	sdelay $0x3  }
0x95: {  	_ =	strace s4  }
0x96: {  	s4 =	sld [smem:$0x3FFD];
	_ =	sdelay $0x3  }
0x97: {  	_ =	strace s4  }
0x98: {  	_ =	strace $0x8FFFFFFF  }
0x99: {  	s19 =	sld [smem:$0x3FDB];
	_ =	sdelay $0x1  }
0x9a: {  	s5 =	simm.s32 $_scs_section_size  }
0x9b: {  	s6 =	simm.s32 $_size__tile_overlayer_lowered;
	s7 =	simm.s32 $_tile_overlayer_lowered  }
0x9c: {  	s22 =	simm.s32 $0x1BFF;
	s21 =	sshll.u32 s7, $0x1;
	s4 =	sadd.s32 s5, s19  }
0x9d: {  	s8 =	simm.s32 $0x0;
	s20 =	sshll.u32 s6, $0x1;
	s6 =	sadd.s32 s21, s4  }
0x9e: {  	[timem:s8], [sflag:s22] =	dma.local [hbm:s6], s20  }
0x9f: {  	_ =	swait.ge [sflag:s22], s20  }
0xa0: {  	s5 =	ssub.s32 $0x0, s20;
	[sflag:s22] =	ssyncset.done $0x0  }
0xa1: {  	[sflag:s22] =	ssyncadd.s32 s5;
	_ =	sdelay $0x1  }
0xa2: {  	s23 =	simm.s32 $0x1B8B  }
0xa3: {  	_ =	swait.ge [sflag:s23], $0x1  }
0xa4: {  	[sflag:s23] =	ssyncset.done $0x0  }
0xa5: {  	s25 =	simm.s32 $0x1B8E;
	s24 =	sld [smem:$0x3FFE];
	[sflag:s23] =	ssyncadd.s32 $0xFFFFFFFF  }
0xa6: {  	s26 =	simm.s32 $execute0_lowered;
	[smem:$0x3FD2] =	sst s25  }
0xa7: {  	s6 =	sshll.u32 s26, $0x1;
	_ =	strace $0x80000046;
	[dreg:$0x1] =	wrdreg $0xFFFFFFFF  }
0xa8: {  	s28 =	simm.s32 $_size_execute0_lowered;
	s4 =	sadd.s32 s4, s6;
	[dreg:$0x0] =	wrdreg $0x0  }
0xa9: {  	s6 =	sshll.u32 s28, $0x1;
	[dreg:$0x2] =	wrdreg s4  }
0xaa: {  	[dreg:$0x3] =	wrdreg s6  }
0xab: {  	[dreg:$0x4] =	wrdreg $0xC0  }
0xac: {  	_ =	task [dreg:s8], $0x5FFFF  }
0xad: {  	[dreg:$0x1] =	wrdreg $0xFFFFFFFF  }
0xae: {  	[dreg:$0x0] =	wrdreg $0x60  }
0xaf: {  	[dreg:$0x2] =	wrdreg s18  }
0xb0: {  	[dreg:$0x3] =	wrdreg s2  }
0xb1: {  	[dreg:$0x4] =	wrdreg s24  }
0xb2: {  	[dreg:$0x5] =	wrdreg $0x9  }
0xb3: {  	_ =	task.clear_ibuf [dreg:s8], $0x6FFFF;
	_ =	strace $0x90000046  }
0xb4: {  	s29 =	simm.s32 $0x9;
	_ =	strace $0x80000048  }
0xb5: {  	_ =	swait.ge [sflag:s29], $0x1  }
0xb6: {  	[sflag:s29] =	ssyncadd.s32 $0xFFFFFFFF  }
0xb7: {  	_ =	strace $0x90000048  }
0xb8: {  	_ =	sfence  }
0xb9: {  	s30 =	sld [smem:$0x0];
	_ =	sdelay $0x2  }
0xba: {  	s31 =	sshll.u32 s1, $0xD;
	s1 =	sshrl.u32 s1, $0x2  }
0xbb: {  	s3 =	sand.u32 $0x4000, s31;
	s1 =	sadd.s32 s1, s30  }
0xbc: {  	s0 =	sor.u32 s3, s0;
	s1 =	sshll.u32 s1, $0x11  }
0xbd: {  	s0 =	sor.u32 s1, s0  }
0xbe: {  	s0 =	sadd.s32 $0x8F2B, s0  }
0xbf: {  	[sflag:s0] =	ssyncadd.remote.s32 $0x1  }
0xc0: {  	_ =	sfence.sel $0xFFFF  }
0xc1: {  	[dreg:$0x0] =	wrdreg $0xFFFFFFFF;
	(pc) =	sbr.abs _section_cstart, $3  }
0xc2: {  	[dreg:$0x1] =	wrdreg $0xFFFFFFFF  }
0xc3: {  	_ =	task.clear_ibuf [dreg:s8], $0x2FFFF;
	_ =	strace $0x9FFFFFFF  }
0xc4: {  	(tm) =	ssettm $0x7FFFFFFF  }
0xc5: {  	_ =	shalt  }
tec
execute0_lowered:
.L_overlay_start_1:
0x0: {  	(tag) =	ssettag $0x1  }
0x1: {  	s0 =	srdreg.scid  }
0x2: {  	s1 =	rddreg [dreg:$0x0];
	s2 =	stileid.u32;
	s0 =	sand.u32 $0x1, s0  }
0x3: {  	s31 =	rddreg [dreg:$0x1];
	s2 =	sshll.u32 s2, $0x3;
	s3 =	sshll.u32 s0, $0x2  }
0x4: {  	s7 =	rddreg [dreg:$0x2];
	s8 =	sor.u32 s3, s2  }
0x5: {  	s4 =	sadd.s32 $0x400, s7;
	s15 =	sadd.s32 $0xC00, s7;
	s12 =	smul.u32 $0x3000, s8  }
0x6: {  	s11 =	sadd.s32 $0x1000, s1;
	s9 =	sadd.s32 $0x1800, s1;
	s2 =	simm.s32 $0x0  }
0x7: {  	[smem:$0x7FF] =	sst s2;
	s3 =	smul.u32 $0x1C000, s8;
	s5 =	sadd.s32 s1, s12  }
0x8: {  	_ =	strace $0x80000047;
	s22 =	sadd.s32 s12, s11;
	[dreg:$0x4] =	wrdreg s5  }
0x9: {  	s14 =	sshrl.u32 s3, $0x3;
	s6 =	sadd.s32 s12, s9;
	[dreg:$0x8] =	wrdreg s22  }
0xa: {  	s10 =	sadd.s32 $0x1000, s7;
	s3 =	sadd.s32 s14, s15;
	[dreg:$0x9] =	wrdreg s6  }
0xb: {  	s7 =	sadd.s32 $0x1800, s7;
	s24 =	sadd.s32 s14, s10;
	[dreg:$0x5] =	wrdreg s3  }
0xc: {  	s13 =	sor.u32 $0x1, s8;
	s25 =	sadd.s32 s14, s7;
	[dreg:$0xb] =	wrdreg s24  }
0xd: {  	s16 =	smul.u32 $0x1C000, s13;
	s17 =	sadd.s32 s4, s14;
	[dreg:$0xd] =	wrdreg s25  }
0xe: {  	s5 =	sadd.s32 $0x800, s1;
	s20 =	sadd.s32 $0x2C00, s17;
	[smem:$0x7D4] =	sst s17  }
0xf: {  	s21 =	sadd.s32 s12, s5;
	[dreg:$0x6] =	wrdreg s20  }
0x10: {  	s16 =	sshrl.u32 s16, $0x3;
	s18 =	sadd.s32 $0x1C00, s17;
	[dreg:$0x7] =	wrdreg s21  }
0x11: {  	s3 =	sadd.s32 $0x2000, s1;
	s16 =	sadd.s32 s4, s16;
	[dreg:$0x10] =	wrdreg s18  }
0x12: {  	s6 =	sadd.s32 $0x2800, s1;
	s23 =	sadd.s32 s12, s3;
	[smem:$0x7D6] =	sst s16  }
0x13: {  	s12 =	sadd.s32 s12, s6;
	[dreg:$0xa] =	wrdreg s23  }
0x14: {  	s30 =	sadd.s32 $0x800, s16;
	[dreg:$0xc] =	wrdreg s12  }
0x15: {  	s14 =	sadd.s32 $0x2C00, s16;
	[dreg:$0xe] =	wrdreg s30  }
0x16: {  	s21 =	sadd.s32 $0x2400, s17;
	[dreg:$0xf] =	wrdreg s14  }
0x17: {  	s18 =	sadd.s32 $0x1400, s16;
	[dreg:$0x12] =	wrdreg s21  }
0x18: {  	s26 =	smul.u32 $0x18000, s13;
	s23 =	sadd.s32 $0x3000, s17;
	[dreg:$0x19] =	wrdreg s18  }
0x19: {  	s30 =	sadd.s32 $0xC00, s16;
	[dreg:$0x14] =	wrdreg s23  }
0x1a: {  	s12 =	sshrl.u32 s26, $0x3;
	s21 =	sadd.s32 $0x1C00, s16;
	[dreg:$0x17] =	wrdreg s30  }
0x1b: {  	s19 =	sadd.s32 s12, s5;
	[dreg:$0x1c] =	wrdreg s21  }
0x1c: {  	s20 =	sadd.s32 s1, s12;
	[dreg:$0x11] =	wrdreg s19  }
0x1d: {  	s23 =	sadd.s32 $0x2400, s16;
	[smem:$0x7D5] =	sst s20  }
0x1e: {  	s12 =	simm.s32 $0x1800;
	[dreg:$0x1e] =	wrdreg s23  }
0x1f: {  	s22 =	sadd.s32 $0x1000, s20;
	[smem:$0x7F1] =	sst s12  }
0x20: {  	s26 =	sor.u32 $0x2, s8;
	s24 =	sadd.s32 $0x1800, s20;
	[dreg:$0x13] =	wrdreg s22  }
0x21: {  	s17 =	smul.u32 $0x1C000, s26;
	s25 =	sadd.s32 $0x2000, s20;
	[dreg:$0x15] =	wrdreg s24  }
0x22: {  	s13 =	smul.u32 $0x18000, s26;
	s14 =	sadd.s32 $0x2800, s20;
	[dreg:$0x16] =	wrdreg s25  }
0x23: {  	[dreg:$0x18] =	wrdreg s14;
	s19 =	sshrl.u32 s17, $0x3;
	s24 =	sadd.s32 $0x3000, s16  }
0x24: {  	s13 =	sshrl.u32 s13, $0x3;
	s14 =	sadd.s32 s19, s15;
	[smem:$0x7D7] =	sst s24  }
0x25: {  	s22 =	sadd.s32 s13, s5;
	[dreg:$0x1a] =	wrdreg s14  }
0x26: {  	s11 =	sadd.s32 s13, s11;
	[dreg:$0x1d] =	wrdreg s22  }
0x27: {  	s9 =	sadd.s32 s13, s9;
	[dreg:$0x1f] =	wrdreg s11  }
0x28: {  	s25 =	sadd.s32 s1, s13;
	s13 =	sadd.s32 s19, s10;
	[smem:$0x7D8] =	sst s9  }
0x29: {  	[smem:$0x7DA] =	sst s13  }
0x2a: {  	s15 =	sadd.s32 s4, s19;
	[smem:$0x7DB] =	sst s25  }
0x2b: {  	s10 =	simm.s32 $0x800;
	[smem:$0x7E4] =	sst s15  }
0x2c: {  	s20 =	sadd.s32 $0x2C00, s15;
	[smem:$0x7EF] =	sst s10  }
0x2d: {  	p0 =	por $0x0, $0x0;
	s26 =	sadd.s32 $0x2000, s25;
	[dreg:$0x1b] =	wrdreg s20  }
0x2e: {  	s29 =	sadd.s32 $0x200, s31;
	s14 =	sadd.s32 $0x2800, s25;
	[smem:$0x7D9] =	sst s26  }
0x2f: {  	s8 =	sor.u32 $0x3, s8;
	s17 =	sadd.s32 $0x1400, s15;
	[smem:$0x7DC] =	sst s14  }
0x30: {  	s30 =	smul.u32 $0x1C000, s8;
	s21 =	sadd.s32 $0x1C00, s15;
	[smem:$0x7DD] =	sst s17  }
0x31: {  	s18 =	smul.u32 $0x18000, s8;
	s23 =	sadd.s32 $0x2400, s15;
	[smem:$0x7E0] =	sst s21  }
0x32: {  	s16 =	sshrl.u32 s30, $0x3;
	s25 =	sadd.s32 $0x3000, s15;
	[smem:$0x7E2] =	sst s23  }
0x33: {  	s11 =	sadd.s32 s4, s16;
	s13 =	simm.s32 $0x400;
	[smem:$0x7E5] =	sst s25  }
0x34: {  	s4 =	sshrl.u32 s18, $0x3;
	s18 =	simm.s32 $0x2800;
	[smem:$0x7F2] =	sst s13  }
0x35: {  	s28 =	sadd.s32 $0x100, s31;
	s19 =	sadd.s32 $0x800, s11;
	[smem:$0x7F6] =	sst s18  }
0x36: {  	s0 =	ssub.s32 $0x2, s0;
	s20 =	sadd.s32 $0x2C00, s11;
	[smem:$0x7DE] =	sst s19  }
0x37: {  	s12 =	simm.s32 $0x9;
	s5 =	sadd.s32 s4, s5;
	[smem:$0x7DF] =	sst s20  }
0x38: {  	s15 =	sshrl.u32 s0, $0x1;
	s22 =	sadd.s32 s1, s4;
	[smem:$0x7E1] =	sst s5  }
0x39: {  	s10 =	simm.s32 $0xA;
	s30 =	sadd.s32 s4, s3;
	[smem:$0x7E6] =	sst s22  }
0x3a: {  	s3 =	sadd.s32 $0xC00, s11;
	s4 =	sadd.s32 s4, s6;
	[smem:$0x7E8] =	sst s30  }
0x3b: {  	s6 =	smov.u32 s11;
	s8 =	sadd.s32 $0x2400, s11;
	[smem:$0x7E9] =	sst s3  }
0x3c: {  	s9 =	sadd.s32 $0x3000, s11;
	s14 =	simm.s32 $0xC00;
	[smem:$0x7EA] =	sst s4  }
0x3d: {  	s17 =	simm.s32 $0x1C00;
	s21 =	simm.s32 $0x3000;
	[smem:$0x7ED] =	sst s8  }
0x3e: {  	s23 =	simm.s32 $0x2400;
	s25 =	simm.s32 $0x2C00;
	[smem:$0x7EE] =	sst s9  }
0x3f: {  	s13 =	simm.s32 $0x14000;
	s18 =	simm.s32 $0x6;
	[smem:$0x7F3] =	sst s14  }
0x40: {  	s24 =	sadd.s32 $0x1000, s22;
	s26 =	sadd.s32 $0x1800, s22;
	[smem:$0x7F5] =	sst s17  }
0x41: {  	s5 =	sadd.s32 s16, s7;
	s7 =	sadd.s32 $0x1C00, s11;
	[smem:$0x7F7] =	sst s21  }
0x42: {  	s11 =	simm.s32 $0x1000;
	s16 =	simm.s32 $0x1400;
	[smem:$0x7FA] =	sst s23  }
0x43: {  	s3 =	ssub.s32 s0, s15;
	s9 =	sadd.s32 $0x80, s31;
	[smem:$0x7FB] =	sst s25  }
0x44: {  	s22 =	simm.s32 $0x3800;
	s30 =	simm.s32 $0x3C00;
	[smem:$0x7E3] =	sst s24  }
0x45: {  	s20 =	simm.s32 $0x8000;
	s17 =	simm.s32 $0xC000;
	[smem:$0x7E7] =	sst s26  }
0x46: {  	s15 =	simm.s32 $0x10000;
	s23 =	simm.s32 $0x2;
	[smem:$0x7EB] =	sst s5  }
0x47: {  	s25 =	simm.s32 $0x18000;
	s4 =	simm.s32 $0xE;
	[smem:$0x7EC] =	sst s7  }
0x48: {  	s21 =	simm.s32 $0x4;
	s14 =	simm.s32 $0x8;
	[smem:$0x7F0] =	sst s11  }
0x49: {  	s8 =	simm.s32 $0xB;
	[smem:$0x7F4] =	sst s16;
	s19 =	smax.u32 s3, $0x1  }
0x4a: {  	[smem:$0x7F8] =	sst s22;
	s24 =	sadd.s32 $0x180, s31;
	p1 =	sne.s32 s19, $0x1  }
.Ltmp0:
0x4b: {  	s3 =	simm.s32 $0xF;
	s26 =	simm.s32 $0x3400;
	(pc) =	sbr.rel @!p1 .LBB2_5-.Ltmp0, $4  }
0x4c: {  	s16 =	simm.s32 $0x2000;
	[smem:$0x7FD] =	sst s30;
	s22 =	simm.s32 $0x3  }
0x4d: {  	s11 =	simm.s32 $0x7;
	s5 =	simm.s32 $0xD;
	[smem:$0x7F9] =	sst s24  }
0x4e: {  	s7 =	simm.s32 $0xC;
	[smem:$0x7FC] =	sst s26;
	s24 =	simm.s32 $0x4000  }
0x4f: {  	s26 =	simm.s32 $0x1;
	s0 =	sadd.s32 $0xFFFFFFFF, s19;
	s19 =	simm.s32 $0x5  }
0x50: {  	s1 =	smov.u32 s28;
	s28 =	sld [smem:$0x7EF]  }
0x51: {  	[tilespmem:s2], [sflag:$0xF] =	stream.linear.gather [hbm4b:s31+s2], $0x400, $0x38;
	[tilespmem:$0x1C000] =	vst v63  }
0x52: {  	s30 =	sld [smem:$0x7F0]  }
0x53: {  	[smem:$0x7D1] =	sst s0  }
0x54: {  	s0 =	sld [smem:$0x7F9]  }
0x55: {  	[tilespmem:s28], [sflag:$0xF] =	stream.linear.gather [hbm4b:s9+s2], $0x400, $0x38;
	[tilespmem:$0x1C000] =	vst v63  }
0x56: {  	s28 =	sld [smem:$0x7F1]  }
0x57: {  	[tilespmem:s30], [sflag:$0xF] =	stream.linear.gather [hbm4b:s1+s2], $0x400, $0x38;
	[tilespmem:$0x1C000] =	vst v63  }
0x58: {  	_ = 	snop  }
0x59: {  	[tilespmem:s28], [sflag:$0xF] =	stream.linear.gather [hbm4b:s0+s2], $0x400, $0x38;
	[tilespmem:$0x1C000] =	vst v63  }
0x5a: {  	_ =	swait.ge [sflag:s3], $0x1000  }
0x5b: {  	s28 =	sld [smem:$0x7F2]  }
0x5c: {  	[sflag:s3] =	ssyncset.done $0x0  }
0x5d: {  	s30 =	sld [smem:$0x7F3];
	[sflag:s3] =	ssyncadd.s32 $0xFFFFF000  }
0x5e: {  	[tilespmem:s28], [sflag:$0xF] =	stream.linear.gather [hbm4b:s31+s2], $0x400, $0x38;
	[tilespmem:$0x1C000] =	vst v63  }
0x5f: {  	s28 =	sld [smem:$0x7F4]  }
0x60: {  	[tilespmem:s30], [sflag:$0xF] =	stream.linear.gather [hbm4b:s9+s2], $0x400, $0x38;
	[tilespmem:$0x1C000] =	vst v63  }
0x61: {  	s31 =	sld [smem:$0x7F5]  }
0x62: {  	[tilespmem:s28], [sflag:$0xF] =	stream.linear.gather [hbm4b:s1+s2], $0x400, $0x38;
	[tilespmem:$0x1C000] =	vst v63  }
0x63: {  	[smem:$0x7CD] =	sst s1  }
0x64: {  	[tilespmem:s31], [sflag:$0xF] =	stream.linear.gather [hbm4b:s0+s2], $0x400, $0x38;
	[tilespmem:$0x1C000] =	vst v63  }
0x65: {  	_ =	swait.ge [sflag:s3], $0x1000  }
0x66: {  	[sflag:s3] =	ssyncset.done $0x0  }
0x67: {  	s1 =	sld [smem:$0x7F6];
	[sflag:s3] =	ssyncadd.s32 $0xFFFFF000  }
0x68: {  	[tilespmem:s16], [sflag:$0xF] =	stream.linear.gather [hbm4b:s29+s2], $0x400, $0x38;
	[tilespmem:$0x1C000] =	vst v63  }
0x69: {  	s0 =	sadd.s32 $0x80, s29;
	s31 =	sld [smem:$0x7F7]  }
0x6a: {  	[tilespmem:s1], [sflag:$0xF] =	stream.linear.gather [hbm4b:s0+s2], $0x400, $0x38;
	[tilespmem:$0x1C000] =	vst v63  }
0x6b: {  	s28 =	sadd.s32 $0x100, s29;
	s1 =	sld [smem:$0x7F8]  }
0x6c: {  	[tilespmem:s31], [sflag:$0xF] =	stream.linear.gather [hbm4b:s28+s2], $0x400, $0x38;
	[tilespmem:$0x1C000] =	vst v63  }
0x6d: {  	s30 =	sadd.s32 $0x180, s29  }
0x6e: {  	[tilespmem:s1], [sflag:$0xF] =	stream.linear.gather [hbm4b:s30+s2], $0x400, $0x38;
	[tilespmem:$0x1C000] =	vst v63  }
0x6f: {  	_ =	swait.ge [sflag:s3], $0x1000  }
0x70: {  	s31 =	sld [smem:$0x7FA]  }
0x71: {  	s1 =	sld [smem:$0x7FB]  }
0x72: {  	[sflag:s3] =	ssyncset.done $0x0;
	[smem:$0x7CE] =	sst s0  }
0x73: {  	[smem:$0x7CF] =	sst s28;
	[sflag:s3] =	ssyncadd.s32 $0xFFFFF000  }
0x74: {  	[tilespmem:s31], [sflag:$0xF] =	stream.linear.gather [hbm4b:s29+s2], $0x400, $0x38;
	[tilespmem:$0x1C000] =	vst v63  }
0x75: {  	s31 =	sld [smem:$0x7FC]  }
0x76: {  	[tilespmem:s1], [sflag:$0xF] =	stream.linear.gather [hbm4b:s0+s2], $0x400, $0x38;
	[tilespmem:$0x1C000] =	vst v63  }
0x77: {  	s0 =	sld [smem:$0x7FD]  }
0x78: {  	[tilespmem:s31], [sflag:$0xF] =	stream.linear.gather [hbm4b:s28+s2], $0x400, $0x38;
	[tilespmem:$0x1C000] =	vst v63  }
0x79: {  	[smem:$0x7D0] =	sst s30  }
0x7a: {  	[tilespmem:s0], [sflag:$0xF] =	stream.linear.gather [hbm4b:s30+s2], $0x400, $0x38;
	[tilespmem:$0x1C000] =	vst v63  }
0x7b: {  	_ =	swait.ge [sflag:s3], $0x1000  }
0x7c: {  	[sflag:s3] =	ssyncset.done $0x0  }
0x7d: {  	s30 =	rddreg [dreg:$0x4];
	[sflag:s3] =	ssyncadd.s32 $0xFFFFF000  }
0x7e: {  	[tilespmem:s24], [sflag:$0x1] =	stream.linear.gather [hbm4b:s30+s2], $0x4000, $0x38;
	[tilespmem:$0x1C000] =	vst v63  }
0x7f: {  	s31 =	rddreg [dreg:$0x5]  }
0x80: {  	[hbm4b:s31+s2] =	stream.linear.scatter [tilespmem:s2], [sflag:$0xD], $0x2000, $0x38;
	[tilespmem:$0x1C000] =	vst v63  }
0x81: {  	s30 =	rddreg [dreg:$0x6]  }
0x82: {  	[hbm4b:s30+s2] =	stream.linear.scatter [tilespmem:s16], [sflag:$0xE], $0x2000, $0x38;
	[tilespmem:$0x1C000] =	vst v63  }
0x83: {  	s31 =	rddreg [dreg:$0x7]  }
0x84: {  	[tilespmem:s20], [sflag:$0x2] =	stream.linear.gather [hbm4b:s31+s2], $0x4000, $0x38;
	[tilespmem:$0x1C000] =	vst v63  }
0x85: {  	s30 =	rddreg [dreg:$0x8]  }
0x86: {  	[tilespmem:s17], [sflag:$0x3] =	stream.linear.gather [hbm4b:s30+s2], $0x4000, $0x38;
	[tilespmem:$0x1C000] =	vst v63  }
0x87: {  	s31 =	rddreg [dreg:$0x9]  }
0x88: {  	[tilespmem:s15], [sflag:$0x4] =	stream.linear.gather [hbm4b:s31+s2], $0x4000, $0x38;
	[tilespmem:$0x1C000] =	vst v63  }
0x89: {  	_ =	swait.ge [sflag:s26], $0x4000  }
0x8a: {  	s31 =	sld [smem:$0x7D4]  }
0x8b: {  	[sflag:s26] =	ssyncset.done $0x0  }
0x8c: {  	[sflag:s26] =	ssyncadd.s32 $0xFFFFC000  }
0x8d: {  	[hbm4b:s31+s2] =	stream.linear.scatter [tilespmem:s24], [sflag:$0x7], $0x4000, $0x38;
	[tilespmem:$0x1C000] =	vst v63  }
0x8e: {  	s30 =	rddreg [dreg:$0xa]  }
0x8f: {  	[tilespmem:s13], [sflag:$0x5] =	stream.linear.gather [hbm4b:s30+s2], $0x4000, $0x38;
	[tilespmem:$0x1C000] =	vst v63  }
0x90: {  	_ =	swait.ge [sflag:s23], $0x4000  }
0x91: {  	[sflag:s23] =	ssyncset.done $0x0  }
0x92: {  	s30 =	rddreg [dreg:$0xb];
	[sflag:s23] =	ssyncadd.s32 $0xFFFFC000  }
0x93: {  	[hbm4b:s30+s2] =	stream.linear.scatter [tilespmem:s20], [sflag:$0x8], $0x4000, $0x38;
	[tilespmem:$0x1C000] =	vst v63  }
0x94: {  	s31 =	rddreg [dreg:$0xc]  }
0x95: {  	[tilespmem:s25], [sflag:$0x6] =	stream.linear.gather [hbm4b:s31+s2], $0x4000, $0x38;
	[tilespmem:$0x1C000] =	vst v63  }
0x96: {  	_ =	swait.ge [sflag:s22], $0x4000  }
0x97: {  	[sflag:s22] =	ssyncset.done $0x0  }
0x98: {  	s0 =	rddreg [dreg:$0xd];
	[sflag:s22] =	ssyncadd.s32 $0xFFFFC000  }
0x99: {  	[hbm4b:s0+s2] =	stream.linear.scatter [tilespmem:s17], [sflag:$0x9], $0x4000, $0x38;
	[tilespmem:$0x1C000] =	vst v63  }
0x9a: {  	_ =	swait.ge [sflag:s11], $0x4000  }
0x9b: {  	s1 =	sld [smem:$0x7D5]  }
0x9c: {  	[sflag:s11] =	ssyncset.done $0x0  }
0x9d: {  	[sflag:s11] =	ssyncadd.s32 $0xFFFFC000  }
0x9e: {  	[tilespmem:s24], [sflag:$0x1] =	stream.linear.gather [hbm4b:s1+s2], $0x4000, $0x38;
	[tilespmem:$0x1C000] =	vst v63  }
0x9f: {  	_ =	swait.ge [sflag:s5], $0x2000  }
0xa0: {  	[sflag:s5] =	ssyncset.done $0x0  }
0xa1: {  	[sflag:s5] =	ssyncadd.s32 $0xFFFFE000  }
0xa2: {  	_ =	swait.ge [sflag:s4], $0x2000  }
0xa3: {  	[sflag:s4] =	ssyncset.done $0x0  }
0xa4: {  	s30 =	rddreg [dreg:$0xe];
	[sflag:s4] =	ssyncadd.s32 $0xFFFFE000  }
0xa5: {  	[hbm4b:s30+s2] =	stream.linear.scatter [tilespmem:s2], [sflag:$0xD], $0x2000, $0x38;
	[tilespmem:$0x1C000] =	vst v63  }
0xa6: {  	s31 =	rddreg [dreg:$0xf]  }
0xa7: {  	[hbm4b:s31+s2] =	stream.linear.scatter [tilespmem:s16], [sflag:$0xE], $0x2000, $0x38;
	[tilespmem:$0x1C000] =	vst v63  }
0xa8: {  	_ =	swait.ge [sflag:s21], $0x4000  }
0xa9: {  	[sflag:s21] =	ssyncset.done $0x0  }
0xaa: {  	s30 =	rddreg [dreg:$0x10];
	[sflag:s21] =	ssyncadd.s32 $0xFFFFC000  }
0xab: {  	[hbm4b:s30+s2] =	stream.linear.scatter [tilespmem:s15], [sflag:$0xA], $0x4000, $0x38;
	[tilespmem:$0x1C000] =	vst v63  }
0xac: {  	_ =	swait.ge [sflag:s14], $0x4000  }
0xad: {  	[sflag:s14] =	ssyncset.done $0x0  }
0xae: {  	s31 =	rddreg [dreg:$0x11];
	[sflag:s14] =	ssyncadd.s32 $0xFFFFC000  }
0xaf: {  	[tilespmem:s20], [sflag:$0x2] =	stream.linear.gather [hbm4b:s31+s2], $0x4000, $0x38;
	[tilespmem:$0x1C000] =	vst v63  }
0xb0: {  	_ =	swait.ge [sflag:s19], $0x4000  }
0xb1: {  	[sflag:s19] =	ssyncset.done $0x0  }
0xb2: {  	s0 =	rddreg [dreg:$0x12];
	[sflag:s19] =	ssyncadd.s32 $0xFFFFC000  }
0xb3: {  	[hbm4b:s0+s2] =	stream.linear.scatter [tilespmem:s13], [sflag:$0xB], $0x4000, $0x38;
	[tilespmem:$0x1C000] =	vst v63  }
0xb4: {  	_ =	swait.ge [sflag:s12], $0x4000  }
0xb5: {  	[sflag:s12] =	ssyncset.done $0x0  }
0xb6: {  	s30 =	rddreg [dreg:$0x13];
	[sflag:s12] =	ssyncadd.s32 $0xFFFFC000  }
0xb7: {  	[tilespmem:s17], [sflag:$0x3] =	stream.linear.gather [hbm4b:s30+s2], $0x4000, $0x38;
	[tilespmem:$0x1C000] =	vst v63  }
0xb8: {  	_ =	swait.ge [sflag:s18], $0x4000  }
0xb9: {  	[sflag:s18] =	ssyncset.done $0x0  }
0xba: {  	s31 =	rddreg [dreg:$0x14];
	[sflag:s18] =	ssyncadd.s32 $0xFFFFC000  }
0xbb: {  	[hbm4b:s31+s2] =	stream.linear.scatter [tilespmem:s25], [sflag:$0xC], $0x4000, $0x38;
	[tilespmem:$0x1C000] =	vst v63  }
0xbc: {  	_ =	swait.ge [sflag:s10], $0x4000  }
0xbd: {  	[sflag:s10] =	ssyncset.done $0x0  }
0xbe: {  	s0 =	rddreg [dreg:$0x15];
	[sflag:s10] =	ssyncadd.s32 $0xFFFFC000  }
0xbf: {  	[tilespmem:s15], [sflag:$0x4] =	stream.linear.gather [hbm4b:s0+s2], $0x4000, $0x38;
	[tilespmem:$0x1C000] =	vst v63  }
0xc0: {  	_ =	swait.ge [sflag:s26], $0x4000  }
0xc1: {  	s1 =	sld [smem:$0x7D6]  }
0xc2: {  	[sflag:s26] =	ssyncset.done $0x0  }
0xc3: {  	[sflag:s26] =	ssyncadd.s32 $0xFFFFC000  }
0xc4: {  	[hbm4b:s1+s2] =	stream.linear.scatter [tilespmem:s24], [sflag:$0x7], $0x4000, $0x38;
	[tilespmem:$0x1C000] =	vst v63  }
0xc5: {  	_ =	swait.ge [sflag:s8], $0x4000  }
0xc6: {  	[sflag:s8] =	ssyncset.done $0x0  }
0xc7: {  	s30 =	rddreg [dreg:$0x16];
	[sflag:s8] =	ssyncadd.s32 $0xFFFFC000  }
0xc8: {  	[tilespmem:s13], [sflag:$0x5] =	stream.linear.gather [hbm4b:s30+s2], $0x4000, $0x38;
	[tilespmem:$0x1C000] =	vst v63  }
0xc9: {  	_ =	swait.ge [sflag:s23], $0x4000  }
0xca: {  	[sflag:s23] =	ssyncset.done $0x0  }
0xcb: {  	s31 =	rddreg [dreg:$0x17];
	[sflag:s23] =	ssyncadd.s32 $0xFFFFC000  }
0xcc: {  	[hbm4b:s31+s2] =	stream.linear.scatter [tilespmem:s20], [sflag:$0x8], $0x4000, $0x38;
	[tilespmem:$0x1C000] =	vst v63  }
0xcd: {  	_ =	swait.ge [sflag:s7], $0x4000  }
0xce: {  	[sflag:s7] =	ssyncset.done $0x0  }
0xcf: {  	s0 =	rddreg [dreg:$0x18];
	[sflag:s7] =	ssyncadd.s32 $0xFFFFC000  }
0xd0: {  	[tilespmem:s25], [sflag:$0x6] =	stream.linear.gather [hbm4b:s0+s2], $0x4000, $0x38;
	[tilespmem:$0x1C000] =	vst v63  }
0xd1: {  	_ =	swait.ge [sflag:s22], $0x4000  }
0xd2: {  	[sflag:s22] =	ssyncset.done $0x0  }
0xd3: {  	s30 =	rddreg [dreg:$0x19];
	[sflag:s22] =	ssyncadd.s32 $0xFFFFC000  }
0xd4: {  	[hbm4b:s30+s2] =	stream.linear.scatter [tilespmem:s17], [sflag:$0x9], $0x4000, $0x38;
	[tilespmem:$0x1C000] =	vst v63  }
0xd5: {  	_ =	swait.ge [sflag:s11], $0x4000  }
0xd6: {  	s31 =	sld [smem:$0x7DB]  }
0xd7: {  	[sflag:s11] =	ssyncset.done $0x0  }
0xd8: {  	[sflag:s11] =	ssyncadd.s32 $0xFFFFC000  }
0xd9: {  	[tilespmem:s24], [sflag:$0x1] =	stream.linear.gather [hbm4b:s31+s2], $0x4000, $0x38;
	[tilespmem:$0x1C000] =	vst v63  }
0xda: {  	_ =	swait.ge [sflag:s5], $0x2000  }
0xdb: {  	[sflag:s5] =	ssyncset.done $0x0  }
0xdc: {  	[sflag:s5] =	ssyncadd.s32 $0xFFFFE000  }
0xdd: {  	_ =	swait.ge [sflag:s4], $0x2000  }
0xde: {  	[sflag:s4] =	ssyncset.done $0x0  }
0xdf: {  	s1 =	rddreg [dreg:$0x1a];
	[sflag:s4] =	ssyncadd.s32 $0xFFFFE000  }
0xe0: {  	[hbm4b:s1+s2] =	stream.linear.scatter [tilespmem:s2], [sflag:$0xD], $0x2000, $0x38;
	[tilespmem:$0x1C000] =	vst v63  }
0xe1: {  	s30 =	rddreg [dreg:$0x1b]  }
0xe2: {  	[hbm4b:s30+s2] =	stream.linear.scatter [tilespmem:s16], [sflag:$0xE], $0x2000, $0x38;
	[tilespmem:$0x1C000] =	vst v63  }
0xe3: {  	_ =	swait.ge [sflag:s21], $0x4000  }
0xe4: {  	[sflag:s21] =	ssyncset.done $0x0  }
0xe5: {  	s31 =	rddreg [dreg:$0x1c];
	[sflag:s21] =	ssyncadd.s32 $0xFFFFC000  }
0xe6: {  	[hbm4b:s31+s2] =	stream.linear.scatter [tilespmem:s15], [sflag:$0xA], $0x4000, $0x38;
	[tilespmem:$0x1C000] =	vst v63  }
0xe7: {  	_ =	swait.ge [sflag:s14], $0x4000  }
0xe8: {  	[sflag:s14] =	ssyncset.done $0x0  }
0xe9: {  	s0 =	rddreg [dreg:$0x1d];
	[sflag:s14] =	ssyncadd.s32 $0xFFFFC000  }
0xea: {  	[tilespmem:s20], [sflag:$0x2] =	stream.linear.gather [hbm4b:s0+s2], $0x4000, $0x38;
	[tilespmem:$0x1C000] =	vst v63  }
0xeb: {  	_ =	swait.ge [sflag:s19], $0x4000  }
0xec: {  	[sflag:s19] =	ssyncset.done $0x0  }
0xed: {  	s30 =	rddreg [dreg:$0x1e];
	[sflag:s19] =	ssyncadd.s32 $0xFFFFC000  }
0xee: {  	[hbm4b:s30+s2] =	stream.linear.scatter [tilespmem:s13], [sflag:$0xB], $0x4000, $0x38;
	[tilespmem:$0x1C000] =	vst v63  }
0xef: {  	_ =	swait.ge [sflag:s12], $0x4000  }
0xf0: {  	[sflag:s12] =	ssyncset.done $0x0  }
0xf1: {  	s31 =	rddreg [dreg:$0x1f];
	[sflag:s12] =	ssyncadd.s32 $0xFFFFC000  }
0xf2: {  	[tilespmem:s17], [sflag:$0x3] =	stream.linear.gather [hbm4b:s31+s2], $0x4000, $0x38;
	[tilespmem:$0x1C000] =	vst v63  }
0xf3: {  	_ =	swait.ge [sflag:s18], $0x4000  }
0xf4: {  	s0 =	sld [smem:$0x7D7]  }
0xf5: {  	[sflag:s18] =	ssyncset.done $0x0  }
0xf6: {  	[sflag:s18] =	ssyncadd.s32 $0xFFFFC000  }
0xf7: {  	[hbm4b:s0+s2] =	stream.linear.scatter [tilespmem:s25], [sflag:$0xC], $0x4000, $0x38;
	[tilespmem:$0x1C000] =	vst v63  }
0xf8: {  	_ =	swait.ge [sflag:s10], $0x4000  }
0xf9: {  	s30 =	sld [smem:$0x7D8]  }
0xfa: {  	[sflag:s10] =	ssyncset.done $0x0  }
0xfb: {  	[sflag:s10] =	ssyncadd.s32 $0xFFFFC000  }
0xfc: {  	[tilespmem:s15], [sflag:$0x4] =	stream.linear.gather [hbm4b:s30+s2], $0x4000, $0x38;
	[tilespmem:$0x1C000] =	vst v63  }
0xfd: {  	_ =	swait.ge [sflag:s26], $0x4000  }
0xfe: {  	s31 =	sld [smem:$0x7E4]  }
0xff: {  	[sflag:s26] =	ssyncset.done $0x0  }
0x100: {  	[sflag:s26] =	ssyncadd.s32 $0xFFFFC000  }
0x101: {  	[hbm4b:s31+s2] =	stream.linear.scatter [tilespmem:s24], [sflag:$0x7], $0x4000, $0x38;
	[tilespmem:$0x1C000] =	vst v63  }
0x102: {  	_ =	swait.ge [sflag:s8], $0x4000  }
0x103: {  	s0 =	sld [smem:$0x7D9]  }
0x104: {  	[sflag:s8] =	ssyncset.done $0x0  }
0x105: {  	[sflag:s8] =	ssyncadd.s32 $0xFFFFC000  }
0x106: {  	[tilespmem:s13], [sflag:$0x5] =	stream.linear.gather [hbm4b:s0+s2], $0x4000, $0x38;
	[tilespmem:$0x1C000] =	vst v63  }
0x107: {  	_ =	swait.ge [sflag:s23], $0x4000  }
0x108: {  	s30 =	sld [smem:$0x7DA]  }
0x109: {  	[sflag:s23] =	ssyncset.done $0x0  }
0x10a: {  	[sflag:s23] =	ssyncadd.s32 $0xFFFFC000  }
0x10b: {  	[hbm4b:s30+s2] =	stream.linear.scatter [tilespmem:s20], [sflag:$0x8], $0x4000, $0x38;
	[tilespmem:$0x1C000] =	vst v63  }
0x10c: {  	_ =	swait.ge [sflag:s7], $0x4000  }
0x10d: {  	s31 =	sld [smem:$0x7DC]  }
0x10e: {  	[sflag:s7] =	ssyncset.done $0x0  }
0x10f: {  	[sflag:s7] =	ssyncadd.s32 $0xFFFFC000  }
0x110: {  	[tilespmem:s25], [sflag:$0x6] =	stream.linear.gather [hbm4b:s31+s2], $0x4000, $0x38;
	[tilespmem:$0x1C000] =	vst v63  }
0x111: {  	_ =	swait.ge [sflag:s22], $0x4000  }
0x112: {  	s0 =	sld [smem:$0x7DD]  }
0x113: {  	[sflag:s22] =	ssyncset.done $0x0  }
0x114: {  	[sflag:s22] =	ssyncadd.s32 $0xFFFFC000  }
0x115: {  	[hbm4b:s0+s2] =	stream.linear.scatter [tilespmem:s17], [sflag:$0x9], $0x4000, $0x38;
	[tilespmem:$0x1C000] =	vst v63  }
0x116: {  	_ =	swait.ge [sflag:s11], $0x4000  }
0x117: {  	s1 =	sld [smem:$0x7E6]  }
0x118: {  	[sflag:s11] =	ssyncset.done $0x0  }
0x119: {  	[sflag:s11] =	ssyncadd.s32 $0xFFFFC000  }
0x11a: {  	[tilespmem:s24], [sflag:$0x1] =	stream.linear.gather [hbm4b:s1+s2], $0x4000, $0x38;
	[tilespmem:$0x1C000] =	vst v63  }
0x11b: {  	_ =	swait.ge [sflag:s5], $0x2000  }
0x11c: {  	[sflag:s5] =	ssyncset.done $0x0  }
0x11d: {  	[sflag:s5] =	ssyncadd.s32 $0xFFFFE000  }
0x11e: {  	_ =	swait.ge [sflag:s4], $0x2000  }
0x11f: {  	s30 =	sld [smem:$0x7DE]  }
0x120: {  	[sflag:s4] =	ssyncset.done $0x0  }
0x121: {  	s31 =	sld [smem:$0x7DF];
	[sflag:s4] =	ssyncadd.s32 $0xFFFFE000  }
0x122: {  	[hbm4b:s30+s2] =	stream.linear.scatter [tilespmem:s2], [sflag:$0xD], $0x2000, $0x38;
	[tilespmem:$0x1C000] =	vst v63  }
0x123: {  	_ = 	snop  }
0x124: {  	[hbm4b:s31+s2] =	stream.linear.scatter [tilespmem:s16], [sflag:$0xE], $0x2000, $0x38;
	[tilespmem:$0x1C000] =	vst v63  }
0x125: {  	_ =	swait.ge [sflag:s21], $0x4000  }
0x126: {  	s30 =	sld [smem:$0x7E0]  }
0x127: {  	[sflag:s21] =	ssyncset.done $0x0  }
0x128: {  	[sflag:s21] =	ssyncadd.s32 $0xFFFFC000  }
0x129: {  	[hbm4b:s30+s2] =	stream.linear.scatter [tilespmem:s15], [sflag:$0xA], $0x4000, $0x38;
	[tilespmem:$0x1C000] =	vst v63  }
0x12a: {  	_ =	swait.ge [sflag:s14], $0x4000  }
0x12b: {  	s31 =	sld [smem:$0x7E1]  }
0x12c: {  	[sflag:s14] =	ssyncset.done $0x0  }
0x12d: {  	[sflag:s14] =	ssyncadd.s32 $0xFFFFC000  }
0x12e: {  	[tilespmem:s20], [sflag:$0x2] =	stream.linear.gather [hbm4b:s31+s2], $0x4000, $0x38;
	[tilespmem:$0x1C000] =	vst v63  }
0x12f: {  	_ =	swait.ge [sflag:s19], $0x4000  }
0x130: {  	s0 =	sld [smem:$0x7E2]  }
0x131: {  	[sflag:s19] =	ssyncset.done $0x0  }
0x132: {  	[sflag:s19] =	ssyncadd.s32 $0xFFFFC000  }
0x133: {  	[hbm4b:s0+s2] =	stream.linear.scatter [tilespmem:s13], [sflag:$0xB], $0x4000, $0x38;
	[tilespmem:$0x1C000] =	vst v63  }
0x134: {  	_ =	swait.ge [sflag:s12], $0x4000  }
0x135: {  	s16 =	sld [smem:$0x7E3]  }
0x136: {  	[sflag:s12] =	ssyncset.done $0x0  }
0x137: {  	[sflag:s12] =	ssyncadd.s32 $0xFFFFC000  }
0x138: {  	[tilespmem:s17], [sflag:$0x3] =	stream.linear.gather [hbm4b:s16+s2], $0x4000, $0x38;
	[tilespmem:$0x1C000] =	vst v63  }
0x139: {  	_ =	swait.ge [sflag:s18], $0x4000  }
0x13a: {  	s30 =	sld [smem:$0x7E5]  }
0x13b: {  	[sflag:s18] =	ssyncset.done $0x0  }
0x13c: {  	[sflag:s18] =	ssyncadd.s32 $0xFFFFC000  }
0x13d: {  	[hbm4b:s30+s2] =	stream.linear.scatter [tilespmem:s25], [sflag:$0xC], $0x4000, $0x38;
	[tilespmem:$0x1C000] =	vst v63  }
0x13e: {  	_ =	swait.ge [sflag:s10], $0x4000  }
0x13f: {  	s31 =	sld [smem:$0x7E7]  }
0x140: {  	[sflag:s10] =	ssyncset.done $0x0  }
0x141: {  	[sflag:s10] =	ssyncadd.s32 $0xFFFFC000  }
0x142: {  	[tilespmem:s15], [sflag:$0x4] =	stream.linear.gather [hbm4b:s31+s2], $0x4000, $0x38;
	[tilespmem:$0x1C000] =	vst v63  }
0x143: {  	_ =	swait.ge [sflag:s26], $0x4000  }
0x144: {  	[sflag:s26] =	ssyncset.done $0x0  }
0x145: {  	[sflag:s26] =	ssyncadd.s32 $0xFFFFC000  }
0x146: {  	[hbm4b:s6+s2] =	stream.linear.scatter [tilespmem:s24], [sflag:$0x7], $0x4000, $0x38;
	[tilespmem:$0x1C000] =	vst v63  }
0x147: {  	_ =	swait.ge [sflag:s8], $0x4000  }
0x148: {  	s0 =	sld [smem:$0x7E8]  }
0x149: {  	[sflag:s8] =	ssyncset.done $0x0  }
0x14a: {  	[sflag:s8] =	ssyncadd.s32 $0xFFFFC000  }
0x14b: {  	[tilespmem:s13], [sflag:$0x5] =	stream.linear.gather [hbm4b:s0+s2], $0x4000, $0x38;
	[tilespmem:$0x1C000] =	vst v63  }
0x14c: {  	_ =	swait.ge [sflag:s23], $0x4000  }
0x14d: {  	s16 =	sld [smem:$0x7E9]  }
0x14e: {  	[sflag:s23] =	ssyncset.done $0x0  }
0x14f: {  	[sflag:s23] =	ssyncadd.s32 $0xFFFFC000  }
0x150: {  	[hbm4b:s16+s2] =	stream.linear.scatter [tilespmem:s20], [sflag:$0x8], $0x4000, $0x38;
	[tilespmem:$0x1C000] =	vst v63  }
0x151: {  	_ =	swait.ge [sflag:s7], $0x4000  }
0x152: {  	s30 =	sld [smem:$0x7EA]  }
0x153: {  	[sflag:s7] =	ssyncset.done $0x0  }
0x154: {  	[sflag:s7] =	ssyncadd.s32 $0xFFFFC000  }
0x155: {  	[tilespmem:s25], [sflag:$0x6] =	stream.linear.gather [hbm4b:s30+s2], $0x4000, $0x38;
	[tilespmem:$0x1C000] =	vst v63  }
0x156: {  	_ =	swait.ge [sflag:s22], $0x4000  }
0x157: {  	s31 =	sld [smem:$0x7EB]  }
0x158: {  	[sflag:s22] =	ssyncset.done $0x0  }
0x159: {  	[sflag:s22] =	ssyncadd.s32 $0xFFFFC000  }
0x15a: {  	[hbm4b:s31+s2] =	stream.linear.scatter [tilespmem:s17], [sflag:$0x9], $0x4000, $0x38;
	[tilespmem:$0x1C000] =	vst v63  }
0x15b: {  	_ =	swait.ge [sflag:s21], $0x4000  }
0x15c: {  	s0 =	sld [smem:$0x7EC]  }
0x15d: {  	[sflag:s21] =	ssyncset.done $0x0  }
0x15e: {  	[sflag:s21] =	ssyncadd.s32 $0xFFFFC000  }
0x15f: {  	[hbm4b:s0+s2] =	stream.linear.scatter [tilespmem:s15], [sflag:$0xA], $0x4000, $0x38;
	[tilespmem:$0x1C000] =	vst v63  }
0x160: {  	_ =	swait.ge [sflag:s19], $0x4000  }
0x161: {  	s16 =	sld [smem:$0x7ED]  }
0x162: {  	[sflag:s19] =	ssyncset.done $0x0  }
0x163: {  	[sflag:s19] =	ssyncadd.s32 $0xFFFFC000  }
0x164: {  	[hbm4b:s16+s2] =	stream.linear.scatter [tilespmem:s13], [sflag:$0xB], $0x4000, $0x38;
	[tilespmem:$0x1C000] =	vst v63  }
0x165: {  	_ =	swait.ge [sflag:s18], $0x4000  }
0x166: {  	s30 =	sld [smem:$0x7EE]  }
0x167: {  	[sflag:s18] =	ssyncset.done $0x0  }
0x168: {  	[sflag:s18] =	ssyncadd.s32 $0xFFFFC000  }
0x169: {  	[hbm4b:s30+s2] =	stream.linear.scatter [tilespmem:s25], [sflag:$0xC], $0x4000, $0x38;
	[tilespmem:$0x1C000] =	vst v63  }
0x16a: {  	_ =	swait.ge [sflag:s11], $0x4000  }
0x16b: {  	[sflag:s11] =	ssyncset.done $0x0  }
0x16c: {  	[sflag:s11] =	ssyncadd.s32 $0xFFFFC000  }
0x16d: {  	_ =	swait.ge [sflag:s14], $0x4000  }
0x16e: {  	[sflag:s14] =	ssyncset.done $0x0  }
0x16f: {  	[sflag:s14] =	ssyncadd.s32 $0xFFFFC000  }
0x170: {  	_ =	swait.ge [sflag:s12], $0x4000  }
0x171: {  	[sflag:s12] =	ssyncset.done $0x0  }
0x172: {  	[sflag:s12] =	ssyncadd.s32 $0xFFFFC000  }
0x173: {  	_ =	swait.ge [sflag:s10], $0x4000  }
0x174: {  	[sflag:s10] =	ssyncset.done $0x0  }
0x175: {  	[sflag:s10] =	ssyncadd.s32 $0xFFFFC000  }
0x176: {  	_ =	swait.ge [sflag:s8], $0x4000  }
0x177: {  	[sflag:s8] =	ssyncset.done $0x0  }
0x178: {  	[sflag:s8] =	ssyncadd.s32 $0xFFFFC000  }
0x179: {  	_ =	swait.ge [sflag:s7], $0x4000  }
0x17a: {  	[sflag:s7] =	ssyncset.done $0x0  }
0x17b: {  	[sflag:s7] =	ssyncadd.s32 $0xFFFFC000  }
0x17c: {  	_ =	swait.ge [sflag:s5], $0x2000  }
0x17d: {  	s31 =	sld [smem:$0x7D1];
	_ =	sdelay $0x2  }
0x17e: {  	p1 =	sne.s32 s31, $0x1  }
.Ltmp1:
0x17f: {  	[sflag:s5] =	ssyncset.done $0x0;
	(pc) =	sbr.rel @!p1 .LBB2_2-.Ltmp1, $4  }
0x180: {  	[sflag:s5] =	ssyncadd.s32 $0xFFFFE000  }
0x181: {  	_ =	swait.ge [sflag:s4], $0x2000  }
0x182: {  	p0 =	por $0x1, $0x1;
	s28 =	simm.s32 $0x2000;
	[smem:$0x7D2] =	sst s29  }
0x183: {  	s1 =	sadd.s32 $0xFFFFFFFF, s31;
	[sflag:s4] =	ssyncset.done $0x0;
	[smem:$0x7D3] =	sst s9  }
.LBB2_3:
0x184: {  	s0 =	sld [smem:$0x7EF]  }
0x185: {  	s30 =	sld [smem:$0x7F0]  }
0x186: {  	[sflag:s4] =	ssyncadd.s32 $0xFFFFE000;
	s29 =	sld [smem:$0x7D3]  }
0x187: {  	s9 =	rddreg [dreg:$0x1]  }
0x188: {  	[tilespmem:s2], [sflag:$0xF] =	stream.linear.gather [hbm4b:s9+s2], $0x400, $0x38;
	[tilespmem:$0x1C000] =	vst v63  }
0x189: {  	s31 =	sld [smem:$0x7CD]  }
0x18a: {  	[tilespmem:s0], [sflag:$0xF] =	stream.linear.gather [hbm4b:s29+s2], $0x400, $0x38;
	[tilespmem:$0x1C000] =	vst v63  }
0x18b: {  	s0 =	sld [smem:$0x7F1]  }
0x18c: {  	[tilespmem:s30], [sflag:$0xF] =	stream.linear.gather [hbm4b:s31+s2], $0x400, $0x38;
	[tilespmem:$0x1C000] =	vst v63  }
0x18d: {  	s30 =	sld [smem:$0x7F9];
	_ =	sdelay $0x2  }
0x18e: {  	[tilespmem:s0], [sflag:$0xF] =	stream.linear.gather [hbm4b:s30+s2], $0x400, $0x38;
	[tilespmem:$0x1C000] =	vst v63  }
0x18f: {  	_ =	swait.ge [sflag:s3], $0x1000  }
0x190: {  	s0 =	sld [smem:$0x7F2]  }
0x191: {  	[sflag:s3] =	ssyncset.done $0x0  }
0x192: {  	s16 =	smov.u32 s6;
	s6 =	sld [smem:$0x7F3];
	[sflag:s3] =	ssyncadd.s32 $0xFFFFF000  }
0x193: {  	[tilespmem:s0], [sflag:$0xF] =	stream.linear.gather [hbm4b:s9+s2], $0x400, $0x38;
	[tilespmem:$0x1C000] =	vst v63  }
0x194: {  	s9 =	sld [smem:$0x7F4]  }
0x195: {  	[tilespmem:s6], [sflag:$0xF] =	stream.linear.gather [hbm4b:s29+s2], $0x400, $0x38;
	[tilespmem:$0x1C000] =	vst v63  }
0x196: {  	s29 =	sld [smem:$0x7F5]  }
0x197: {  	[tilespmem:s9], [sflag:$0xF] =	stream.linear.gather [hbm4b:s31+s2], $0x400, $0x38;
	[tilespmem:$0x1C000] =	vst v63  }
0x198: {  	_ = 	snop  }
0x199: {  	[tilespmem:s29], [sflag:$0xF] =	stream.linear.gather [hbm4b:s30+s2], $0x400, $0x38;
	[tilespmem:$0x1C000] =	vst v63  }
0x19a: {  	_ =	swait.ge [sflag:s3], $0x1000  }
0x19b: {  	s29 =	sld [smem:$0x7D2]  }
0x19c: {  	[sflag:s3] =	ssyncset.done $0x0;
	s30 =	sld [smem:$0x7F6]  }
0x19d: {  	s9 =	sld [smem:$0x7CE];
	[sflag:s3] =	ssyncadd.s32 $0xFFFFF000  }
0x19e: {  	[tilespmem:s28], [sflag:$0xF] =	stream.linear.gather [hbm4b:s29+s2], $0x400, $0x38;
	[tilespmem:$0x1C000] =	vst v63  }
0x19f: {  	s31 =	sld [smem:$0x7F7]  }
0x1a0: {  	[tilespmem:s30], [sflag:$0xF] =	stream.linear.gather [hbm4b:s9+s2], $0x400, $0x38;
	[tilespmem:$0x1C000] =	vst v63  }
0x1a1: {  	s30 =	sld [smem:$0x7CF];
	_ =	sdelay $0x1  }
0x1a2: {  	s0 =	sld [smem:$0x7F8]  }
0x1a3: {  	[tilespmem:s31], [sflag:$0xF] =	stream.linear.gather [hbm4b:s30+s2], $0x400, $0x38;
	[tilespmem:$0x1C000] =	vst v63  }
0x1a4: {  	s31 =	sld [smem:$0x7D0];
	_ =	sdelay $0x2  }
0x1a5: {  	[tilespmem:s0], [sflag:$0xF] =	stream.linear.gather [hbm4b:s31+s2], $0x400, $0x38;
	[tilespmem:$0x1C000] =	vst v63  }
0x1a6: {  	_ =	swait.ge [sflag:s3], $0x1000  }
0x1a7: {  	s0 =	sld [smem:$0x7FA]  }
0x1a8: {  	[sflag:s3] =	ssyncset.done $0x0  }
0x1a9: {  	s6 =	sld [smem:$0x7FB];
	[sflag:s3] =	ssyncadd.s32 $0xFFFFF000  }
0x1aa: {  	[tilespmem:s0], [sflag:$0xF] =	stream.linear.gather [hbm4b:s29+s2], $0x400, $0x38;
	[tilespmem:$0x1C000] =	vst v63  }
0x1ab: {  	s0 =	sld [smem:$0x7FC]  }
0x1ac: {  	[tilespmem:s6], [sflag:$0xF] =	stream.linear.gather [hbm4b:s9+s2], $0x400, $0x38;
	[tilespmem:$0x1C000] =	vst v63  }
0x1ad: {  	s29 =	sld [smem:$0x7FD]  }
0x1ae: {  	[tilespmem:s0], [sflag:$0xF] =	stream.linear.gather [hbm4b:s30+s2], $0x400, $0x38;
	[tilespmem:$0x1C000] =	vst v63  }
0x1af: {  	_ = 	snop  }
0x1b0: {  	[tilespmem:s29], [sflag:$0xF] =	stream.linear.gather [hbm4b:s31+s2], $0x400, $0x38;
	[tilespmem:$0x1C000] =	vst v63  }
0x1b1: {  	_ =	swait.ge [sflag:s3], $0x1000  }
0x1b2: {  	[sflag:s3] =	ssyncset.done $0x0  }
0x1b3: {  	s30 =	rddreg [dreg:$0x4];
	[sflag:s3] =	ssyncadd.s32 $0xFFFFF000  }
0x1b4: {  	[tilespmem:s24], [sflag:$0x1] =	stream.linear.gather [hbm4b:s30+s2], $0x4000, $0x38;
	[tilespmem:$0x1C000] =	vst v63  }
0x1b5: {  	s31 =	rddreg [dreg:$0x5]  }
0x1b6: {  	[hbm4b:s31+s2] =	stream.linear.scatter [tilespmem:s2], [sflag:$0xD], $0x2000, $0x38;
	[tilespmem:$0x1C000] =	vst v63  }
0x1b7: {  	s9 =	rddreg [dreg:$0x6]  }
0x1b8: {  	[hbm4b:s9+s2] =	stream.linear.scatter [tilespmem:s28], [sflag:$0xE], $0x2000, $0x38;
	[tilespmem:$0x1C000] =	vst v63  }
0x1b9: {  	s29 =	rddreg [dreg:$0x7]  }
0x1ba: {  	[tilespmem:s20], [sflag:$0x2] =	stream.linear.gather [hbm4b:s29+s2], $0x4000, $0x38;
	[tilespmem:$0x1C000] =	vst v63  }
0x1bb: {  	s30 =	rddreg [dreg:$0x8]  }
0x1bc: {  	[tilespmem:s17], [sflag:$0x3] =	stream.linear.gather [hbm4b:s30+s2], $0x4000, $0x38;
	[tilespmem:$0x1C000] =	vst v63  }
0x1bd: {  	s31 =	rddreg [dreg:$0x9]  }
0x1be: {  	[tilespmem:s15], [sflag:$0x4] =	stream.linear.gather [hbm4b:s31+s2], $0x4000, $0x38;
	[tilespmem:$0x1C000] =	vst v63  }
0x1bf: {  	_ =	swait.ge [sflag:s26], $0x4000  }
0x1c0: {  	s29 =	sld [smem:$0x7D4]  }
0x1c1: {  	[sflag:s26] =	ssyncset.done $0x0  }
0x1c2: {  	[sflag:s26] =	ssyncadd.s32 $0xFFFFC000  }
0x1c3: {  	[hbm4b:s29+s2] =	stream.linear.scatter [tilespmem:s24], [sflag:$0x7], $0x4000, $0x38;
	[tilespmem:$0x1C000] =	vst v63  }
0x1c4: {  	s9 =	rddreg [dreg:$0xa]  }
0x1c5: {  	[tilespmem:s13], [sflag:$0x5] =	stream.linear.gather [hbm4b:s9+s2], $0x4000, $0x38;
	[tilespmem:$0x1C000] =	vst v63  }
0x1c6: {  	_ =	swait.ge [sflag:s23], $0x4000  }
0x1c7: {  	[sflag:s23] =	ssyncset.done $0x0  }
0x1c8: {  	s30 =	rddreg [dreg:$0xb];
	[sflag:s23] =	ssyncadd.s32 $0xFFFFC000  }
0x1c9: {  	[hbm4b:s30+s2] =	stream.linear.scatter [tilespmem:s20], [sflag:$0x8], $0x4000, $0x38;
	[tilespmem:$0x1C000] =	vst v63  }
0x1ca: {  	s31 =	rddreg [dreg:$0xc]  }
0x1cb: {  	[tilespmem:s25], [sflag:$0x6] =	stream.linear.gather [hbm4b:s31+s2], $0x4000, $0x38;
	[tilespmem:$0x1C000] =	vst v63  }
0x1cc: {  	_ =	swait.ge [sflag:s22], $0x4000  }
0x1cd: {  	[sflag:s22] =	ssyncset.done $0x0  }
0x1ce: {  	s9 =	rddreg [dreg:$0xd];
	[sflag:s22] =	ssyncadd.s32 $0xFFFFC000  }
0x1cf: {  	[hbm4b:s9+s2] =	stream.linear.scatter [tilespmem:s17], [sflag:$0x9], $0x4000, $0x38;
	[tilespmem:$0x1C000] =	vst v63  }
0x1d0: {  	_ =	swait.ge [sflag:s11], $0x4000  }
0x1d1: {  	s29 =	sld [smem:$0x7D5]  }
0x1d2: {  	[sflag:s11] =	ssyncset.done $0x0  }
0x1d3: {  	[sflag:s11] =	ssyncadd.s32 $0xFFFFC000  }
0x1d4: {  	[tilespmem:s24], [sflag:$0x1] =	stream.linear.gather [hbm4b:s29+s2], $0x4000, $0x38;
	[tilespmem:$0x1C000] =	vst v63  }
0x1d5: {  	_ =	swait.ge [sflag:s5], $0x2000  }
0x1d6: {  	[sflag:s5] =	ssyncset.done $0x0  }
0x1d7: {  	[sflag:s5] =	ssyncadd.s32 $0xFFFFE000  }
0x1d8: {  	_ =	swait.ge [sflag:s4], $0x2000  }
0x1d9: {  	[sflag:s4] =	ssyncset.done $0x0  }
0x1da: {  	s30 =	rddreg [dreg:$0xe];
	[sflag:s4] =	ssyncadd.s32 $0xFFFFE000  }
0x1db: {  	[hbm4b:s30+s2] =	stream.linear.scatter [tilespmem:s2], [sflag:$0xD], $0x2000, $0x38;
	[tilespmem:$0x1C000] =	vst v63  }
0x1dc: {  	s31 =	rddreg [dreg:$0xf]  }
0x1dd: {  	[hbm4b:s31+s2] =	stream.linear.scatter [tilespmem:s28], [sflag:$0xE], $0x2000, $0x38;
	[tilespmem:$0x1C000] =	vst v63  }
0x1de: {  	_ =	swait.ge [sflag:s21], $0x4000  }
0x1df: {  	[sflag:s21] =	ssyncset.done $0x0  }
0x1e0: {  	s9 =	rddreg [dreg:$0x10];
	[sflag:s21] =	ssyncadd.s32 $0xFFFFC000  }
0x1e1: {  	[hbm4b:s9+s2] =	stream.linear.scatter [tilespmem:s15], [sflag:$0xA], $0x4000, $0x38;
	[tilespmem:$0x1C000] =	vst v63  }
0x1e2: {  	_ =	swait.ge [sflag:s14], $0x4000  }
0x1e3: {  	[sflag:s14] =	ssyncset.done $0x0  }
0x1e4: {  	s29 =	rddreg [dreg:$0x11];
	[sflag:s14] =	ssyncadd.s32 $0xFFFFC000  }
0x1e5: {  	[tilespmem:s20], [sflag:$0x2] =	stream.linear.gather [hbm4b:s29+s2], $0x4000, $0x38;
	[tilespmem:$0x1C000] =	vst v63  }
0x1e6: {  	_ =	swait.ge [sflag:s19], $0x4000  }
0x1e7: {  	[sflag:s19] =	ssyncset.done $0x0  }
0x1e8: {  	s30 =	rddreg [dreg:$0x12];
	[sflag:s19] =	ssyncadd.s32 $0xFFFFC000  }
0x1e9: {  	[hbm4b:s30+s2] =	stream.linear.scatter [tilespmem:s13], [sflag:$0xB], $0x4000, $0x38;
	[tilespmem:$0x1C000] =	vst v63  }
0x1ea: {  	_ =	swait.ge [sflag:s12], $0x4000  }
0x1eb: {  	[sflag:s12] =	ssyncset.done $0x0  }
0x1ec: {  	s31 =	rddreg [dreg:$0x13];
	[sflag:s12] =	ssyncadd.s32 $0xFFFFC000  }
0x1ed: {  	[tilespmem:s17], [sflag:$0x3] =	stream.linear.gather [hbm4b:s31+s2], $0x4000, $0x38;
	[tilespmem:$0x1C000] =	vst v63  }
0x1ee: {  	_ =	swait.ge [sflag:s18], $0x4000  }
0x1ef: {  	[sflag:s18] =	ssyncset.done $0x0  }
0x1f0: {  	s6 =	rddreg [dreg:$0x14];
	[sflag:s18] =	ssyncadd.s32 $0xFFFFC000  }
0x1f1: {  	[hbm4b:s6+s2] =	stream.linear.scatter [tilespmem:s25], [sflag:$0xC], $0x4000, $0x38;
	[tilespmem:$0x1C000] =	vst v63  }
0x1f2: {  	_ =	swait.ge [sflag:s10], $0x4000  }
0x1f3: {  	[sflag:s10] =	ssyncset.done $0x0  }
0x1f4: {  	s9 =	rddreg [dreg:$0x15];
	[sflag:s10] =	ssyncadd.s32 $0xFFFFC000  }
0x1f5: {  	[tilespmem:s15], [sflag:$0x4] =	stream.linear.gather [hbm4b:s9+s2], $0x4000, $0x38;
	[tilespmem:$0x1C000] =	vst v63  }
0x1f6: {  	_ =	swait.ge [sflag:s26], $0x4000  }
0x1f7: {  	s29 =	sld [smem:$0x7D6]  }
0x1f8: {  	[sflag:s26] =	ssyncset.done $0x0  }
0x1f9: {  	[sflag:s26] =	ssyncadd.s32 $0xFFFFC000  }
0x1fa: {  	[hbm4b:s29+s2] =	stream.linear.scatter [tilespmem:s24], [sflag:$0x7], $0x4000, $0x38;
	[tilespmem:$0x1C000] =	vst v63  }
0x1fb: {  	_ =	swait.ge [sflag:s8], $0x4000  }
0x1fc: {  	[sflag:s8] =	ssyncset.done $0x0  }
0x1fd: {  	s30 =	rddreg [dreg:$0x16];
	[sflag:s8] =	ssyncadd.s32 $0xFFFFC000  }
0x1fe: {  	[tilespmem:s13], [sflag:$0x5] =	stream.linear.gather [hbm4b:s30+s2], $0x4000, $0x38;
	[tilespmem:$0x1C000] =	vst v63  }
0x1ff: {  	_ =	swait.ge [sflag:s23], $0x4000  }
0x200: {  	[sflag:s23] =	ssyncset.done $0x0  }
0x201: {  	s31 =	rddreg [dreg:$0x17];
	[sflag:s23] =	ssyncadd.s32 $0xFFFFC000  }
0x202: {  	[hbm4b:s31+s2] =	stream.linear.scatter [tilespmem:s20], [sflag:$0x8], $0x4000, $0x38;
	[tilespmem:$0x1C000] =	vst v63  }
0x203: {  	_ =	swait.ge [sflag:s7], $0x4000  }
0x204: {  	[sflag:s7] =	ssyncset.done $0x0  }
0x205: {  	s6 =	rddreg [dreg:$0x18];
	[sflag:s7] =	ssyncadd.s32 $0xFFFFC000  }
0x206: {  	[tilespmem:s25], [sflag:$0x6] =	stream.linear.gather [hbm4b:s6+s2], $0x4000, $0x38;
	[tilespmem:$0x1C000] =	vst v63  }
0x207: {  	_ =	swait.ge [sflag:s22], $0x4000  }
0x208: {  	[sflag:s22] =	ssyncset.done $0x0  }
0x209: {  	s9 =	rddreg [dreg:$0x19];
	[sflag:s22] =	ssyncadd.s32 $0xFFFFC000  }
0x20a: {  	[hbm4b:s9+s2] =	stream.linear.scatter [tilespmem:s17], [sflag:$0x9], $0x4000, $0x38;
	[tilespmem:$0x1C000] =	vst v63  }
0x20b: {  	_ =	swait.ge [sflag:s11], $0x4000  }
0x20c: {  	s29 =	sld [smem:$0x7DB]  }
0x20d: {  	[sflag:s11] =	ssyncset.done $0x0  }
0x20e: {  	[sflag:s11] =	ssyncadd.s32 $0xFFFFC000  }
0x20f: {  	[tilespmem:s24], [sflag:$0x1] =	stream.linear.gather [hbm4b:s29+s2], $0x4000, $0x38;
	[tilespmem:$0x1C000] =	vst v63  }
0x210: {  	_ =	swait.ge [sflag:s5], $0x2000  }
0x211: {  	[sflag:s5] =	ssyncset.done $0x0  }
0x212: {  	[sflag:s5] =	ssyncadd.s32 $0xFFFFE000  }
0x213: {  	_ =	swait.ge [sflag:s4], $0x2000  }
0x214: {  	[sflag:s4] =	ssyncset.done $0x0  }
0x215: {  	s30 =	rddreg [dreg:$0x1a];
	[sflag:s4] =	ssyncadd.s32 $0xFFFFE000  }
0x216: {  	[hbm4b:s30+s2] =	stream.linear.scatter [tilespmem:s2], [sflag:$0xD], $0x2000, $0x38;
	[tilespmem:$0x1C000] =	vst v63  }
0x217: {  	s31 =	rddreg [dreg:$0x1b]  }
0x218: {  	[hbm4b:s31+s2] =	stream.linear.scatter [tilespmem:s28], [sflag:$0xE], $0x2000, $0x38;
	[tilespmem:$0x1C000] =	vst v63  }
0x219: {  	_ =	swait.ge [sflag:s21], $0x4000  }
0x21a: {  	[sflag:s21] =	ssyncset.done $0x0  }
0x21b: {  	s9 =	rddreg [dreg:$0x1c];
	[sflag:s21] =	ssyncadd.s32 $0xFFFFC000  }
0x21c: {  	[hbm4b:s9+s2] =	stream.linear.scatter [tilespmem:s15], [sflag:$0xA], $0x4000, $0x38;
	[tilespmem:$0x1C000] =	vst v63  }
0x21d: {  	_ =	swait.ge [sflag:s14], $0x4000  }
0x21e: {  	[sflag:s14] =	ssyncset.done $0x0  }
0x21f: {  	s29 =	rddreg [dreg:$0x1d];
	[sflag:s14] =	ssyncadd.s32 $0xFFFFC000  }
0x220: {  	[tilespmem:s20], [sflag:$0x2] =	stream.linear.gather [hbm4b:s29+s2], $0x4000, $0x38;
	[tilespmem:$0x1C000] =	vst v63  }
0x221: {  	_ =	swait.ge [sflag:s19], $0x4000  }
0x222: {  	[sflag:s19] =	ssyncset.done $0x0  }
0x223: {  	s30 =	rddreg [dreg:$0x1e];
	[sflag:s19] =	ssyncadd.s32 $0xFFFFC000  }
0x224: {  	[hbm4b:s30+s2] =	stream.linear.scatter [tilespmem:s13], [sflag:$0xB], $0x4000, $0x38;
	[tilespmem:$0x1C000] =	vst v63  }
0x225: {  	_ =	swait.ge [sflag:s12], $0x4000  }
0x226: {  	[sflag:s12] =	ssyncset.done $0x0  }
0x227: {  	s31 =	rddreg [dreg:$0x1f];
	[sflag:s12] =	ssyncadd.s32 $0xFFFFC000  }
0x228: {  	[tilespmem:s17], [sflag:$0x3] =	stream.linear.gather [hbm4b:s31+s2], $0x4000, $0x38;
	[tilespmem:$0x1C000] =	vst v63  }
0x229: {  	_ =	swait.ge [sflag:s18], $0x4000  }
0x22a: {  	s6 =	sld [smem:$0x7D7]  }
0x22b: {  	[sflag:s18] =	ssyncset.done $0x0  }
0x22c: {  	[sflag:s18] =	ssyncadd.s32 $0xFFFFC000  }
0x22d: {  	[hbm4b:s6+s2] =	stream.linear.scatter [tilespmem:s25], [sflag:$0xC], $0x4000, $0x38;
	[tilespmem:$0x1C000] =	vst v63  }
0x22e: {  	_ =	swait.ge [sflag:s10], $0x4000  }
0x22f: {  	s9 =	sld [smem:$0x7D8]  }
0x230: {  	[sflag:s10] =	ssyncset.done $0x0  }
0x231: {  	[sflag:s10] =	ssyncadd.s32 $0xFFFFC000  }
0x232: {  	[tilespmem:s15], [sflag:$0x4] =	stream.linear.gather [hbm4b:s9+s2], $0x4000, $0x38;
	[tilespmem:$0x1C000] =	vst v63  }
0x233: {  	_ =	swait.ge [sflag:s26], $0x4000  }
0x234: {  	s29 =	sld [smem:$0x7E4]  }
0x235: {  	[sflag:s26] =	ssyncset.done $0x0  }
0x236: {  	[sflag:s26] =	ssyncadd.s32 $0xFFFFC000  }
0x237: {  	[hbm4b:s29+s2] =	stream.linear.scatter [tilespmem:s24], [sflag:$0x7], $0x4000, $0x38;
	[tilespmem:$0x1C000] =	vst v63  }
0x238: {  	_ =	swait.ge [sflag:s8], $0x4000  }
0x239: {  	s30 =	sld [smem:$0x7D9]  }
0x23a: {  	[sflag:s8] =	ssyncset.done $0x0  }
0x23b: {  	[sflag:s8] =	ssyncadd.s32 $0xFFFFC000  }
0x23c: {  	[tilespmem:s13], [sflag:$0x5] =	stream.linear.gather [hbm4b:s30+s2], $0x4000, $0x38;
	[tilespmem:$0x1C000] =	vst v63  }
0x23d: {  	_ =	swait.ge [sflag:s23], $0x4000  }
0x23e: {  	s31 =	sld [smem:$0x7DA]  }
0x23f: {  	[sflag:s23] =	ssyncset.done $0x0  }
0x240: {  	[sflag:s23] =	ssyncadd.s32 $0xFFFFC000  }
0x241: {  	[hbm4b:s31+s2] =	stream.linear.scatter [tilespmem:s20], [sflag:$0x8], $0x4000, $0x38;
	[tilespmem:$0x1C000] =	vst v63  }
0x242: {  	_ =	swait.ge [sflag:s7], $0x4000  }
0x243: {  	s6 =	sld [smem:$0x7DC]  }
0x244: {  	[sflag:s7] =	ssyncset.done $0x0  }
0x245: {  	[sflag:s7] =	ssyncadd.s32 $0xFFFFC000  }
0x246: {  	[tilespmem:s25], [sflag:$0x6] =	stream.linear.gather [hbm4b:s6+s2], $0x4000, $0x38;
	[tilespmem:$0x1C000] =	vst v63  }
0x247: {  	_ =	swait.ge [sflag:s22], $0x4000  }
0x248: {  	s9 =	sld [smem:$0x7DD]  }
0x249: {  	[sflag:s22] =	ssyncset.done $0x0  }
0x24a: {  	[sflag:s22] =	ssyncadd.s32 $0xFFFFC000  }
0x24b: {  	[hbm4b:s9+s2] =	stream.linear.scatter [tilespmem:s17], [sflag:$0x9], $0x4000, $0x38;
	[tilespmem:$0x1C000] =	vst v63  }
0x24c: {  	_ =	swait.ge [sflag:s11], $0x4000  }
0x24d: {  	s29 =	sld [smem:$0x7E6]  }
0x24e: {  	[sflag:s11] =	ssyncset.done $0x0  }
0x24f: {  	[sflag:s11] =	ssyncadd.s32 $0xFFFFC000  }
0x250: {  	[tilespmem:s24], [sflag:$0x1] =	stream.linear.gather [hbm4b:s29+s2], $0x4000, $0x38;
	[tilespmem:$0x1C000] =	vst v63  }
0x251: {  	_ =	swait.ge [sflag:s5], $0x2000  }
0x252: {  	[sflag:s5] =	ssyncset.done $0x0  }
0x253: {  	[sflag:s5] =	ssyncadd.s32 $0xFFFFE000  }
0x254: {  	_ =	swait.ge [sflag:s4], $0x2000  }
0x255: {  	s30 =	sld [smem:$0x7DE]  }
0x256: {  	[sflag:s4] =	ssyncset.done $0x0  }
0x257: {  	s31 =	sld [smem:$0x7DF];
	[sflag:s4] =	ssyncadd.s32 $0xFFFFE000  }
0x258: {  	[hbm4b:s30+s2] =	stream.linear.scatter [tilespmem:s2], [sflag:$0xD], $0x2000, $0x38;
	[tilespmem:$0x1C000] =	vst v63  }
0x259: {  	_ = 	snop  }
0x25a: {  	[hbm4b:s31+s2] =	stream.linear.scatter [tilespmem:s28], [sflag:$0xE], $0x2000, $0x38;
	[tilespmem:$0x1C000] =	vst v63  }
0x25b: {  	_ =	swait.ge [sflag:s21], $0x4000  }
0x25c: {  	s9 =	sld [smem:$0x7E0]  }
0x25d: {  	[sflag:s21] =	ssyncset.done $0x0  }
0x25e: {  	[sflag:s21] =	ssyncadd.s32 $0xFFFFC000  }
0x25f: {  	[hbm4b:s9+s2] =	stream.linear.scatter [tilespmem:s15], [sflag:$0xA], $0x4000, $0x38;
	[tilespmem:$0x1C000] =	vst v63  }
0x260: {  	_ =	swait.ge [sflag:s14], $0x4000  }
0x261: {  	s29 =	sld [smem:$0x7E1]  }
0x262: {  	[sflag:s14] =	ssyncset.done $0x0  }
0x263: {  	[sflag:s14] =	ssyncadd.s32 $0xFFFFC000  }
0x264: {  	[tilespmem:s20], [sflag:$0x2] =	stream.linear.gather [hbm4b:s29+s2], $0x4000, $0x38;
	[tilespmem:$0x1C000] =	vst v63  }
0x265: {  	_ =	swait.ge [sflag:s19], $0x4000  }
0x266: {  	s30 =	sld [smem:$0x7E2]  }
0x267: {  	[sflag:s19] =	ssyncset.done $0x0  }
0x268: {  	[sflag:s19] =	ssyncadd.s32 $0xFFFFC000  }
0x269: {  	[hbm4b:s30+s2] =	stream.linear.scatter [tilespmem:s13], [sflag:$0xB], $0x4000, $0x38;
	[tilespmem:$0x1C000] =	vst v63  }
0x26a: {  	_ =	swait.ge [sflag:s12], $0x4000  }
0x26b: {  	s31 =	sld [smem:$0x7E3]  }
0x26c: {  	[sflag:s12] =	ssyncset.done $0x0  }
0x26d: {  	[sflag:s12] =	ssyncadd.s32 $0xFFFFC000  }
0x26e: {  	[tilespmem:s17], [sflag:$0x3] =	stream.linear.gather [hbm4b:s31+s2], $0x4000, $0x38;
	[tilespmem:$0x1C000] =	vst v63  }
0x26f: {  	_ =	swait.ge [sflag:s18], $0x4000  }
0x270: {  	s9 =	sld [smem:$0x7E5]  }
0x271: {  	[sflag:s18] =	ssyncset.done $0x0  }
0x272: {  	[sflag:s18] =	ssyncadd.s32 $0xFFFFC000  }
0x273: {  	[hbm4b:s9+s2] =	stream.linear.scatter [tilespmem:s25], [sflag:$0xC], $0x4000, $0x38;
	[tilespmem:$0x1C000] =	vst v63  }
0x274: {  	_ =	swait.ge [sflag:s10], $0x4000  }
0x275: {  	s29 =	sld [smem:$0x7E7]  }
0x276: {  	[sflag:s10] =	ssyncset.done $0x0  }
0x277: {  	[sflag:s10] =	ssyncadd.s32 $0xFFFFC000  }
0x278: {  	[tilespmem:s15], [sflag:$0x4] =	stream.linear.gather [hbm4b:s29+s2], $0x4000, $0x38;
	[tilespmem:$0x1C000] =	vst v63  }
0x279: {  	_ =	swait.ge [sflag:s26], $0x4000  }
0x27a: {  	[sflag:s26] =	ssyncset.done $0x0  }
0x27b: {  	[sflag:s26] =	ssyncadd.s32 $0xFFFFC000  }
0x27c: {  	[hbm4b:s16+s2] =	stream.linear.scatter [tilespmem:s24], [sflag:$0x7], $0x4000, $0x38;
	[tilespmem:$0x1C000] =	vst v63  }
0x27d: {  	_ =	swait.ge [sflag:s8], $0x4000  }
0x27e: {  	s30 =	sld [smem:$0x7E8]  }
0x27f: {  	[sflag:s8] =	ssyncset.done $0x0  }
0x280: {  	[sflag:s8] =	ssyncadd.s32 $0xFFFFC000  }
0x281: {  	[tilespmem:s13], [sflag:$0x5] =	stream.linear.gather [hbm4b:s30+s2], $0x4000, $0x38;
	[tilespmem:$0x1C000] =	vst v63  }
0x282: {  	_ =	swait.ge [sflag:s23], $0x4000  }
0x283: {  	s31 =	sld [smem:$0x7E9]  }
0x284: {  	[sflag:s23] =	ssyncset.done $0x0  }
0x285: {  	[sflag:s23] =	ssyncadd.s32 $0xFFFFC000  }
0x286: {  	[hbm4b:s31+s2] =	stream.linear.scatter [tilespmem:s20], [sflag:$0x8], $0x4000, $0x38;
	[tilespmem:$0x1C000] =	vst v63  }
0x287: {  	_ =	swait.ge [sflag:s7], $0x4000  }
0x288: {  	s9 =	sld [smem:$0x7EA]  }
0x289: {  	[sflag:s7] =	ssyncset.done $0x0  }
0x28a: {  	[sflag:s7] =	ssyncadd.s32 $0xFFFFC000  }
0x28b: {  	[tilespmem:s25], [sflag:$0x6] =	stream.linear.gather [hbm4b:s9+s2], $0x4000, $0x38;
	[tilespmem:$0x1C000] =	vst v63  }
0x28c: {  	_ =	swait.ge [sflag:s22], $0x4000  }
0x28d: {  	s6 =	smov.u32 s16;
	s16 =	sld [smem:$0x7EB]  }
0x28e: {  	[sflag:s22] =	ssyncset.done $0x0  }
0x28f: {  	[sflag:s22] =	ssyncadd.s32 $0xFFFFC000  }
0x290: {  	[hbm4b:s16+s2] =	stream.linear.scatter [tilespmem:s17], [sflag:$0x9], $0x4000, $0x38;
	[tilespmem:$0x1C000] =	vst v63  }
0x291: {  	_ =	swait.ge [sflag:s21], $0x4000  }
0x292: {  	s29 =	sld [smem:$0x7EC]  }
0x293: {  	[sflag:s21] =	ssyncset.done $0x0  }
0x294: {  	[sflag:s21] =	ssyncadd.s32 $0xFFFFC000  }
0x295: {  	[hbm4b:s29+s2] =	stream.linear.scatter [tilespmem:s15], [sflag:$0xA], $0x4000, $0x38;
	[tilespmem:$0x1C000] =	vst v63  }
0x296: {  	_ =	swait.ge [sflag:s19], $0x4000  }
0x297: {  	s30 =	sld [smem:$0x7ED]  }
0x298: {  	[sflag:s19] =	ssyncset.done $0x0  }
0x299: {  	[sflag:s19] =	ssyncadd.s32 $0xFFFFC000  }
0x29a: {  	[hbm4b:s30+s2] =	stream.linear.scatter [tilespmem:s13], [sflag:$0xB], $0x4000, $0x38;
	[tilespmem:$0x1C000] =	vst v63  }
0x29b: {  	_ =	swait.ge [sflag:s18], $0x4000  }
0x29c: {  	s31 =	sld [smem:$0x7EE]  }
0x29d: {  	[sflag:s18] =	ssyncset.done $0x0  }
0x29e: {  	[sflag:s18] =	ssyncadd.s32 $0xFFFFC000  }
0x29f: {  	[hbm4b:s31+s2] =	stream.linear.scatter [tilespmem:s25], [sflag:$0xC], $0x4000, $0x38;
	[tilespmem:$0x1C000] =	vst v63  }
0x2a0: {  	_ =	swait.ge [sflag:s11], $0x4000  }
0x2a1: {  	[sflag:s11] =	ssyncset.done $0x0  }
0x2a2: {  	[sflag:s11] =	ssyncadd.s32 $0xFFFFC000  }
0x2a3: {  	_ =	swait.ge [sflag:s14], $0x4000  }
0x2a4: {  	[sflag:s14] =	ssyncset.done $0x0  }
0x2a5: {  	[sflag:s14] =	ssyncadd.s32 $0xFFFFC000  }
0x2a6: {  	_ =	swait.ge [sflag:s12], $0x4000  }
0x2a7: {  	[sflag:s12] =	ssyncset.done $0x0  }
0x2a8: {  	[sflag:s12] =	ssyncadd.s32 $0xFFFFC000  }
0x2a9: {  	_ =	swait.ge [sflag:s10], $0x4000  }
0x2aa: {  	[sflag:s10] =	ssyncset.done $0x0  }
0x2ab: {  	[sflag:s10] =	ssyncadd.s32 $0xFFFFC000  }
0x2ac: {  	_ =	swait.ge [sflag:s8], $0x4000  }
0x2ad: {  	[sflag:s8] =	ssyncset.done $0x0  }
0x2ae: {  	[sflag:s8] =	ssyncadd.s32 $0xFFFFC000  }
0x2af: {  	_ =	swait.ge [sflag:s7], $0x4000  }
0x2b0: {  	[sflag:s7] =	ssyncset.done $0x0  }
0x2b1: {  	p1 =	sne.s32 s1, $0x1;
	[sflag:s7] =	ssyncadd.s32 $0xFFFFC000  }
.Ltmp2:
0x2b2: {  	_ =	swait.ge [sflag:s5], $0x2000;
	(pc) =	sbr.rel @p1 .LBB2_3-.Ltmp2, $4  }
0x2b3: {  	[sflag:s5] =	ssyncset.done $0x0  }
0x2b4: {  	[sflag:s5] =	ssyncadd.s32 $0xFFFFE000  }
0x2b5: {  	_ =	swait.ge [sflag:s4], $0x2000  }
0x2b6: {  	s1 =	sadd.s32 $0xFFFFFFFF, s1;
	[sflag:s4] =	ssyncset.done $0x0  }
0x2b7: {  	s31 =	rddreg [dreg:$0x1]  }
0x2b8: {  	s29 =	sld [smem:$0x7D2]  }
0x2b9: {  	s9 =	sld [smem:$0x7D3]  }
0x2ba: {  	s16 =	simm.s32 $0x2000;
	s28 =	sld [smem:$0x7CD]  }
.LBB2_5:
0x2bb: {  	s0 =	sld [smem:$0x7EF]  }
0x2bc: {  	[sflag:s4] =	ssyncadd.s32 @p0 $0xFFFFE000;
	s1 =	sld [smem:$0x7F0]  }
0x2bd: {  	[tilespmem:s2], [sflag:$0xF] =	stream.linear.gather [hbm4b:s31+s2], $0x400, $0x38;
	[tilespmem:$0x1C000] =	vst v63  }
0x2be: {  	s30 =	sld [smem:$0x7F9]  }
0x2bf: {  	[tilespmem:s0], [sflag:$0xF] =	stream.linear.gather [hbm4b:s9+s2], $0x400, $0x38;
	[tilespmem:$0x1C000] =	vst v63  }
0x2c0: {  	s0 =	sld [smem:$0x7F1]  }
0x2c1: {  	[tilespmem:s1], [sflag:$0xF] =	stream.linear.gather [hbm4b:s28+s2], $0x400, $0x38;
	[tilespmem:$0x1C000] =	vst v63  }
0x2c2: {  	_ = 	snop  }
0x2c3: {  	[tilespmem:s0], [sflag:$0xF] =	stream.linear.gather [hbm4b:s30+s2], $0x400, $0x38;
	[tilespmem:$0x1C000] =	vst v63  }
0x2c4: {  	_ =	swait.ge [sflag:s3], $0x1000  }
0x2c5: {  	s0 =	sld [smem:$0x7F2]  }
0x2c6: {  	[sflag:s3] =	ssyncset.done $0x0  }
0x2c7: {  	s1 =	sld [smem:$0x7F3];
	[sflag:s3] =	ssyncadd.s32 $0xFFFFF000  }
0x2c8: {  	[tilespmem:s0], [sflag:$0xF] =	stream.linear.gather [hbm4b:s31+s2], $0x400, $0x38;
	[tilespmem:$0x1C000] =	vst v63  }
0x2c9: {  	s0 =	sld [smem:$0x7F4]  }
0x2ca: {  	[tilespmem:s1], [sflag:$0xF] =	stream.linear.gather [hbm4b:s9+s2], $0x400, $0x38;
	[tilespmem:$0x1C000] =	vst v63  }
0x2cb: {  	s31 =	sld [smem:$0x7F5]  }
0x2cc: {  	[tilespmem:s0], [sflag:$0xF] =	stream.linear.gather [hbm4b:s28+s2], $0x400, $0x38;
	[tilespmem:$0x1C000] =	vst v63  }
0x2cd: {  	_ = 	snop  }
0x2ce: {  	[tilespmem:s31], [sflag:$0xF] =	stream.linear.gather [hbm4b:s30+s2], $0x400, $0x38;
	[tilespmem:$0x1C000] =	vst v63  }
0x2cf: {  	_ =	swait.ge [sflag:s3], $0x1000  }
0x2d0: {  	[sflag:s3] =	ssyncset.done $0x0  }
0x2d1: {  	s9 =	sld [smem:$0x7F6];
	[sflag:s3] =	ssyncadd.s32 $0xFFFFF000  }
0x2d2: {  	[tilespmem:s16], [sflag:$0xF] =	stream.linear.gather [hbm4b:s29+s2], $0x400, $0x38;
	[tilespmem:$0x1C000] =	vst v63  }
0x2d3: {  	s1 =	sadd.s32 $0x80, s29;
	s16 =	sld [smem:$0x7F7]  }
0x2d4: {  	[tilespmem:s9], [sflag:$0xF] =	stream.linear.gather [hbm4b:s1+s2], $0x400, $0x38;
	[tilespmem:$0x1C000] =	vst v63  }
0x2d5: {  	s0 =	sadd.s32 $0x100, s29;
	s28 =	sld [smem:$0x7F8]  }
0x2d6: {  	[tilespmem:s16], [sflag:$0xF] =	stream.linear.gather [hbm4b:s0+s2], $0x400, $0x38;
	[tilespmem:$0x1C000] =	vst v63  }
0x2d7: {  	s31 =	smov.u32 s6;
	s6 =	sadd.s32 $0x180, s29  }
0x2d8: {  	[tilespmem:s28], [sflag:$0xF] =	stream.linear.gather [hbm4b:s6+s2], $0x400, $0x38;
	[tilespmem:$0x1C000] =	vst v63  }
0x2d9: {  	_ =	swait.ge [sflag:s3], $0x1000  }
0x2da: {  	s16 =	sld [smem:$0x7FA]  }
0x2db: {  	[sflag:s3] =	ssyncset.done $0x0  }
0x2dc: {  	s30 =	sld [smem:$0x7FB];
	[sflag:s3] =	ssyncadd.s32 $0xFFFFF000  }
0x2dd: {  	[tilespmem:s16], [sflag:$0xF] =	stream.linear.gather [hbm4b:s29+s2], $0x400, $0x38;
	[tilespmem:$0x1C000] =	vst v63  }
0x2de: {  	s29 =	sld [smem:$0x7FC]  }
0x2df: {  	[tilespmem:s30], [sflag:$0xF] =	stream.linear.gather [hbm4b:s1+s2], $0x400, $0x38;
	[tilespmem:$0x1C000] =	vst v63  }
0x2e0: {  	s30 =	sld [smem:$0x7FD]  }
0x2e1: {  	[tilespmem:s29], [sflag:$0xF] =	stream.linear.gather [hbm4b:s0+s2], $0x400, $0x38;
	[tilespmem:$0x1C000] =	vst v63  }
0x2e2: {  	_ = 	snop  }
0x2e3: {  	[tilespmem:s30], [sflag:$0xF] =	stream.linear.gather [hbm4b:s6+s2], $0x400, $0x38;
	[tilespmem:$0x1C000] =	vst v63  }
0x2e4: {  	_ =	swait.ge [sflag:s3], $0x1000  }
0x2e5: {  	[sflag:s3] =	ssyncset.done $0x0  }
0x2e6: {  	s16 =	rddreg [dreg:$0x4];
	[sflag:s3] =	ssyncadd.s32 $0xFFFFF000  }
0x2e7: {  	[tilespmem:s24], [sflag:$0x1] =	stream.linear.gather [hbm4b:s16+s2], $0x4000, $0x38;
	[tilespmem:$0x1C000] =	vst v63  }
0x2e8: {  	s28 =	rddreg [dreg:$0x5]  }
0x2e9: {  	[hbm4b:s28+s2] =	stream.linear.scatter [tilespmem:s2], [sflag:$0xD], $0x2000, $0x38;
	[tilespmem:$0x1C000] =	vst v63  }
0x2ea: {  	s9 =	simm.s32 $0x2000;
	s29 =	rddreg [dreg:$0x6]  }
0x2eb: {  	[hbm4b:s29+s2] =	stream.linear.scatter [tilespmem:s9], [sflag:$0xE], $0x2000, $0x38;
	[tilespmem:$0x1C000] =	vst v63  }
0x2ec: {  	s30 =	rddreg [dreg:$0x7]  }
0x2ed: {  	[tilespmem:s20], [sflag:$0x2] =	stream.linear.gather [hbm4b:s30+s2], $0x4000, $0x38;
	[tilespmem:$0x1C000] =	vst v63  }
0x2ee: {  	s3 =	rddreg [dreg:$0x8]  }
0x2ef: {  	[tilespmem:s17], [sflag:$0x3] =	stream.linear.gather [hbm4b:s3+s2], $0x4000, $0x38;
	[tilespmem:$0x1C000] =	vst v63  }
0x2f0: {  	s6 =	rddreg [dreg:$0x9]  }
0x2f1: {  	[tilespmem:s15], [sflag:$0x4] =	stream.linear.gather [hbm4b:s6+s2], $0x4000, $0x38;
	[tilespmem:$0x1C000] =	vst v63  }
0x2f2: {  	_ =	swait.ge [sflag:s26], $0x4000  }
0x2f3: {  	s28 =	sld [smem:$0x7D4]  }
0x2f4: {  	[sflag:s26] =	ssyncset.done $0x0  }
0x2f5: {  	[sflag:s26] =	ssyncadd.s32 $0xFFFFC000  }
0x2f6: {  	[hbm4b:s28+s2] =	stream.linear.scatter [tilespmem:s24], [sflag:$0x7], $0x4000, $0x38;
	[tilespmem:$0x1C000] =	vst v63  }
0x2f7: {  	s16 =	rddreg [dreg:$0xa]  }
0x2f8: {  	[tilespmem:s13], [sflag:$0x5] =	stream.linear.gather [hbm4b:s16+s2], $0x4000, $0x38;
	[tilespmem:$0x1C000] =	vst v63  }
0x2f9: {  	_ =	swait.ge [sflag:s23], $0x4000  }
0x2fa: {  	[sflag:s23] =	ssyncset.done $0x0  }
0x2fb: {  	s29 =	rddreg [dreg:$0xb];
	[sflag:s23] =	ssyncadd.s32 $0xFFFFC000  }
0x2fc: {  	[hbm4b:s29+s2] =	stream.linear.scatter [tilespmem:s20], [sflag:$0x8], $0x4000, $0x38;
	[tilespmem:$0x1C000] =	vst v63  }
0x2fd: {  	s30 =	rddreg [dreg:$0xc]  }
0x2fe: {  	[tilespmem:s25], [sflag:$0x6] =	stream.linear.gather [hbm4b:s30+s2], $0x4000, $0x38;
	[tilespmem:$0x1C000] =	vst v63  }
0x2ff: {  	_ =	swait.ge [sflag:s22], $0x4000  }
0x300: {  	[sflag:s22] =	ssyncset.done $0x0  }
0x301: {  	s1 =	rddreg [dreg:$0xd];
	[sflag:s22] =	ssyncadd.s32 $0xFFFFC000  }
0x302: {  	[hbm4b:s1+s2] =	stream.linear.scatter [tilespmem:s17], [sflag:$0x9], $0x4000, $0x38;
	[tilespmem:$0x1C000] =	vst v63  }
0x303: {  	_ =	swait.ge [sflag:s11], $0x4000  }
0x304: {  	s3 =	sld [smem:$0x7D5]  }
0x305: {  	[sflag:s11] =	ssyncset.done $0x0  }
0x306: {  	[sflag:s11] =	ssyncadd.s32 $0xFFFFC000  }
0x307: {  	[tilespmem:s24], [sflag:$0x1] =	stream.linear.gather [hbm4b:s3+s2], $0x4000, $0x38;
	[tilespmem:$0x1C000] =	vst v63  }
0x308: {  	_ =	swait.ge [sflag:s5], $0x2000  }
0x309: {  	[sflag:s5] =	ssyncset.done $0x0  }
0x30a: {  	[sflag:s5] =	ssyncadd.s32 $0xFFFFE000  }
0x30b: {  	_ =	swait.ge [sflag:s4], $0x2000  }
0x30c: {  	[sflag:s4] =	ssyncset.done $0x0  }
0x30d: {  	s6 =	rddreg [dreg:$0xe];
	[sflag:s4] =	ssyncadd.s32 $0xFFFFE000  }
0x30e: {  	[hbm4b:s6+s2] =	stream.linear.scatter [tilespmem:s2], [sflag:$0xD], $0x2000, $0x38;
	[tilespmem:$0x1C000] =	vst v63  }
0x30f: {  	s16 =	rddreg [dreg:$0xf]  }
0x310: {  	[hbm4b:s16+s2] =	stream.linear.scatter [tilespmem:s9], [sflag:$0xE], $0x2000, $0x38;
	[tilespmem:$0x1C000] =	vst v63  }
0x311: {  	_ =	swait.ge [sflag:s21], $0x4000  }
0x312: {  	[sflag:s21] =	ssyncset.done $0x0  }
0x313: {  	s28 =	rddreg [dreg:$0x10];
	[sflag:s21] =	ssyncadd.s32 $0xFFFFC000  }
0x314: {  	[hbm4b:s28+s2] =	stream.linear.scatter [tilespmem:s15], [sflag:$0xA], $0x4000, $0x38;
	[tilespmem:$0x1C000] =	vst v63  }
0x315: {  	_ =	swait.ge [sflag:s14], $0x4000  }
0x316: {  	[sflag:s14] =	ssyncset.done $0x0  }
0x317: {  	s29 =	rddreg [dreg:$0x11];
	[sflag:s14] =	ssyncadd.s32 $0xFFFFC000  }
0x318: {  	[tilespmem:s20], [sflag:$0x2] =	stream.linear.gather [hbm4b:s29+s2], $0x4000, $0x38;
	[tilespmem:$0x1C000] =	vst v63  }
0x319: {  	_ =	swait.ge [sflag:s19], $0x4000  }
0x31a: {  	[sflag:s19] =	ssyncset.done $0x0  }
0x31b: {  	s30 =	rddreg [dreg:$0x12];
	[sflag:s19] =	ssyncadd.s32 $0xFFFFC000  }
0x31c: {  	[hbm4b:s30+s2] =	stream.linear.scatter [tilespmem:s13], [sflag:$0xB], $0x4000, $0x38;
	[tilespmem:$0x1C000] =	vst v63  }
0x31d: {  	_ =	swait.ge [sflag:s12], $0x4000  }
0x31e: {  	[sflag:s12] =	ssyncset.done $0x0  }
0x31f: {  	s1 =	rddreg [dreg:$0x13];
	[sflag:s12] =	ssyncadd.s32 $0xFFFFC000  }
0x320: {  	[tilespmem:s17], [sflag:$0x3] =	stream.linear.gather [hbm4b:s1+s2], $0x4000, $0x38;
	[tilespmem:$0x1C000] =	vst v63  }
0x321: {  	_ =	swait.ge [sflag:s18], $0x4000  }
0x322: {  	[sflag:s18] =	ssyncset.done $0x0  }
0x323: {  	s3 =	rddreg [dreg:$0x14];
	[sflag:s18] =	ssyncadd.s32 $0xFFFFC000  }
0x324: {  	[hbm4b:s3+s2] =	stream.linear.scatter [tilespmem:s25], [sflag:$0xC], $0x4000, $0x38;
	[tilespmem:$0x1C000] =	vst v63  }
0x325: {  	_ =	swait.ge [sflag:s10], $0x4000  }
0x326: {  	[sflag:s10] =	ssyncset.done $0x0  }
0x327: {  	s6 =	rddreg [dreg:$0x15];
	[sflag:s10] =	ssyncadd.s32 $0xFFFFC000  }
0x328: {  	[tilespmem:s15], [sflag:$0x4] =	stream.linear.gather [hbm4b:s6+s2], $0x4000, $0x38;
	[tilespmem:$0x1C000] =	vst v63  }
0x329: {  	_ =	swait.ge [sflag:s26], $0x4000  }
0x32a: {  	s16 =	sld [smem:$0x7D6]  }
0x32b: {  	[sflag:s26] =	ssyncset.done $0x0  }
0x32c: {  	[sflag:s26] =	ssyncadd.s32 $0xFFFFC000  }
0x32d: {  	[hbm4b:s16+s2] =	stream.linear.scatter [tilespmem:s24], [sflag:$0x7], $0x4000, $0x38;
	[tilespmem:$0x1C000] =	vst v63  }
0x32e: {  	_ =	swait.ge [sflag:s8], $0x4000  }
0x32f: {  	[sflag:s8] =	ssyncset.done $0x0  }
0x330: {  	s28 =	rddreg [dreg:$0x16];
	[sflag:s8] =	ssyncadd.s32 $0xFFFFC000  }
0x331: {  	[tilespmem:s13], [sflag:$0x5] =	stream.linear.gather [hbm4b:s28+s2], $0x4000, $0x38;
	[tilespmem:$0x1C000] =	vst v63  }
0x332: {  	_ =	swait.ge [sflag:s23], $0x4000  }
0x333: {  	[sflag:s23] =	ssyncset.done $0x0  }
0x334: {  	s29 =	rddreg [dreg:$0x17];
	[sflag:s23] =	ssyncadd.s32 $0xFFFFC000  }
0x335: {  	[hbm4b:s29+s2] =	stream.linear.scatter [tilespmem:s20], [sflag:$0x8], $0x4000, $0x38;
	[tilespmem:$0x1C000] =	vst v63  }
0x336: {  	_ =	swait.ge [sflag:s7], $0x4000  }
0x337: {  	[sflag:s7] =	ssyncset.done $0x0  }
0x338: {  	s30 =	rddreg [dreg:$0x18];
	[sflag:s7] =	ssyncadd.s32 $0xFFFFC000  }
0x339: {  	[tilespmem:s25], [sflag:$0x6] =	stream.linear.gather [hbm4b:s30+s2], $0x4000, $0x38;
	[tilespmem:$0x1C000] =	vst v63  }
0x33a: {  	_ =	swait.ge [sflag:s22], $0x4000  }
0x33b: {  	[sflag:s22] =	ssyncset.done $0x0  }
0x33c: {  	s1 =	rddreg [dreg:$0x19];
	[sflag:s22] =	ssyncadd.s32 $0xFFFFC000  }
0x33d: {  	[hbm4b:s1+s2] =	stream.linear.scatter [tilespmem:s17], [sflag:$0x9], $0x4000, $0x38;
	[tilespmem:$0x1C000] =	vst v63  }
0x33e: {  	_ =	swait.ge [sflag:s11], $0x4000  }
0x33f: {  	s3 =	sld [smem:$0x7DB]  }
0x340: {  	[sflag:s11] =	ssyncset.done $0x0  }
0x341: {  	[sflag:s11] =	ssyncadd.s32 $0xFFFFC000  }
0x342: {  	[tilespmem:s24], [sflag:$0x1] =	stream.linear.gather [hbm4b:s3+s2], $0x4000, $0x38;
	[tilespmem:$0x1C000] =	vst v63  }
0x343: {  	_ =	swait.ge [sflag:s5], $0x2000  }
0x344: {  	[sflag:s5] =	ssyncset.done $0x0  }
0x345: {  	[sflag:s5] =	ssyncadd.s32 $0xFFFFE000  }
0x346: {  	_ =	swait.ge [sflag:s4], $0x2000  }
0x347: {  	[sflag:s4] =	ssyncset.done $0x0  }
0x348: {  	s6 =	rddreg [dreg:$0x1a];
	[sflag:s4] =	ssyncadd.s32 $0xFFFFE000  }
0x349: {  	[hbm4b:s6+s2] =	stream.linear.scatter [tilespmem:s2], [sflag:$0xD], $0x2000, $0x38;
	[tilespmem:$0x1C000] =	vst v63  }
0x34a: {  	s16 =	rddreg [dreg:$0x1b]  }
0x34b: {  	[hbm4b:s16+s2] =	stream.linear.scatter [tilespmem:s9], [sflag:$0xE], $0x2000, $0x38;
	[tilespmem:$0x1C000] =	vst v63  }
0x34c: {  	_ =	swait.ge [sflag:s21], $0x4000  }
0x34d: {  	[sflag:s21] =	ssyncset.done $0x0  }
0x34e: {  	s28 =	rddreg [dreg:$0x1c];
	[sflag:s21] =	ssyncadd.s32 $0xFFFFC000  }
0x34f: {  	[hbm4b:s28+s2] =	stream.linear.scatter [tilespmem:s15], [sflag:$0xA], $0x4000, $0x38;
	[tilespmem:$0x1C000] =	vst v63  }
0x350: {  	_ =	swait.ge [sflag:s14], $0x4000  }
0x351: {  	[sflag:s14] =	ssyncset.done $0x0  }
0x352: {  	s29 =	rddreg [dreg:$0x1d];
	[sflag:s14] =	ssyncadd.s32 $0xFFFFC000  }
0x353: {  	[tilespmem:s20], [sflag:$0x2] =	stream.linear.gather [hbm4b:s29+s2], $0x4000, $0x38;
	[tilespmem:$0x1C000] =	vst v63  }
0x354: {  	_ =	swait.ge [sflag:s19], $0x4000  }
0x355: {  	[sflag:s19] =	ssyncset.done $0x0  }
0x356: {  	s30 =	rddreg [dreg:$0x1e];
	[sflag:s19] =	ssyncadd.s32 $0xFFFFC000  }
0x357: {  	[hbm4b:s30+s2] =	stream.linear.scatter [tilespmem:s13], [sflag:$0xB], $0x4000, $0x38;
	[tilespmem:$0x1C000] =	vst v63  }
0x358: {  	_ =	swait.ge [sflag:s12], $0x4000  }
0x359: {  	[sflag:s12] =	ssyncset.done $0x0  }
0x35a: {  	s1 =	rddreg [dreg:$0x1f];
	[sflag:s12] =	ssyncadd.s32 $0xFFFFC000  }
0x35b: {  	[tilespmem:s17], [sflag:$0x3] =	stream.linear.gather [hbm4b:s1+s2], $0x4000, $0x38;
	[tilespmem:$0x1C000] =	vst v63  }
0x35c: {  	_ =	swait.ge [sflag:s18], $0x4000  }
0x35d: {  	s3 =	sld [smem:$0x7D7]  }
0x35e: {  	[sflag:s18] =	ssyncset.done $0x0  }
0x35f: {  	[sflag:s18] =	ssyncadd.s32 $0xFFFFC000  }
0x360: {  	[hbm4b:s3+s2] =	stream.linear.scatter [tilespmem:s25], [sflag:$0xC], $0x4000, $0x38;
	[tilespmem:$0x1C000] =	vst v63  }
0x361: {  	_ =	swait.ge [sflag:s10], $0x4000  }
0x362: {  	s6 =	sld [smem:$0x7D8]  }
0x363: {  	[sflag:s10] =	ssyncset.done $0x0  }
0x364: {  	[sflag:s10] =	ssyncadd.s32 $0xFFFFC000  }
0x365: {  	[tilespmem:s15], [sflag:$0x4] =	stream.linear.gather [hbm4b:s6+s2], $0x4000, $0x38;
	[tilespmem:$0x1C000] =	vst v63  }
0x366: {  	_ =	swait.ge [sflag:s26], $0x4000  }
0x367: {  	s16 =	sld [smem:$0x7E4]  }
0x368: {  	[sflag:s26] =	ssyncset.done $0x0  }
0x369: {  	[sflag:s26] =	ssyncadd.s32 $0xFFFFC000  }
0x36a: {  	[hbm4b:s16+s2] =	stream.linear.scatter [tilespmem:s24], [sflag:$0x7], $0x4000, $0x38;
	[tilespmem:$0x1C000] =	vst v63  }
0x36b: {  	_ =	swait.ge [sflag:s8], $0x4000  }
0x36c: {  	s28 =	sld [smem:$0x7D9]  }
0x36d: {  	[sflag:s8] =	ssyncset.done $0x0  }
0x36e: {  	[sflag:s8] =	ssyncadd.s32 $0xFFFFC000  }
0x36f: {  	[tilespmem:s13], [sflag:$0x5] =	stream.linear.gather [hbm4b:s28+s2], $0x4000, $0x38;
	[tilespmem:$0x1C000] =	vst v63  }
0x370: {  	_ =	swait.ge [sflag:s23], $0x4000  }
0x371: {  	s29 =	sld [smem:$0x7DA]  }
0x372: {  	[sflag:s23] =	ssyncset.done $0x0  }
0x373: {  	[sflag:s23] =	ssyncadd.s32 $0xFFFFC000  }
0x374: {  	[hbm4b:s29+s2] =	stream.linear.scatter [tilespmem:s20], [sflag:$0x8], $0x4000, $0x38;
	[tilespmem:$0x1C000] =	vst v63  }
0x375: {  	_ =	swait.ge [sflag:s7], $0x4000  }
0x376: {  	s30 =	sld [smem:$0x7DC]  }
0x377: {  	[sflag:s7] =	ssyncset.done $0x0  }
0x378: {  	[sflag:s7] =	ssyncadd.s32 $0xFFFFC000  }
0x379: {  	[tilespmem:s25], [sflag:$0x6] =	stream.linear.gather [hbm4b:s30+s2], $0x4000, $0x38;
	[tilespmem:$0x1C000] =	vst v63  }
0x37a: {  	_ =	swait.ge [sflag:s22], $0x4000  }
0x37b: {  	s1 =	sld [smem:$0x7DD]  }
0x37c: {  	[sflag:s22] =	ssyncset.done $0x0  }
0x37d: {  	[sflag:s22] =	ssyncadd.s32 $0xFFFFC000  }
0x37e: {  	[hbm4b:s1+s2] =	stream.linear.scatter [tilespmem:s17], [sflag:$0x9], $0x4000, $0x38;
	[tilespmem:$0x1C000] =	vst v63  }
0x37f: {  	_ =	swait.ge [sflag:s11], $0x4000  }
0x380: {  	s3 =	sld [smem:$0x7E6]  }
0x381: {  	[sflag:s11] =	ssyncset.done $0x0  }
0x382: {  	[sflag:s11] =	ssyncadd.s32 $0xFFFFC000  }
0x383: {  	[tilespmem:s24], [sflag:$0x1] =	stream.linear.gather [hbm4b:s3+s2], $0x4000, $0x38;
	[tilespmem:$0x1C000] =	vst v63  }
0x384: {  	_ =	swait.ge [sflag:s5], $0x2000  }
0x385: {  	[sflag:s5] =	ssyncset.done $0x0  }
0x386: {  	[sflag:s5] =	ssyncadd.s32 $0xFFFFE000  }
0x387: {  	_ =	swait.ge [sflag:s4], $0x2000  }
0x388: {  	s6 =	sld [smem:$0x7DE]  }
0x389: {  	[sflag:s4] =	ssyncset.done $0x0  }
0x38a: {  	s16 =	sld [smem:$0x7DF];
	[sflag:s4] =	ssyncadd.s32 $0xFFFFE000  }
0x38b: {  	[hbm4b:s6+s2] =	stream.linear.scatter [tilespmem:s2], [sflag:$0xD], $0x2000, $0x38;
	[tilespmem:$0x1C000] =	vst v63  }
0x38c: {  	_ = 	snop  }
0x38d: {  	[hbm4b:s16+s2] =	stream.linear.scatter [tilespmem:s9], [sflag:$0xE], $0x2000, $0x38;
	[tilespmem:$0x1C000] =	vst v63  }
0x38e: {  	_ =	swait.ge [sflag:s21], $0x4000  }
0x38f: {  	s28 =	sld [smem:$0x7E0]  }
0x390: {  	[sflag:s21] =	ssyncset.done $0x0  }
0x391: {  	[sflag:s21] =	ssyncadd.s32 $0xFFFFC000  }
0x392: {  	[hbm4b:s28+s2] =	stream.linear.scatter [tilespmem:s15], [sflag:$0xA], $0x4000, $0x38;
	[tilespmem:$0x1C000] =	vst v63  }
0x393: {  	_ =	swait.ge [sflag:s14], $0x4000  }
0x394: {  	s29 =	sld [smem:$0x7E1]  }
0x395: {  	[sflag:s14] =	ssyncset.done $0x0  }
0x396: {  	[sflag:s14] =	ssyncadd.s32 $0xFFFFC000  }
0x397: {  	[tilespmem:s20], [sflag:$0x2] =	stream.linear.gather [hbm4b:s29+s2], $0x4000, $0x38;
	[tilespmem:$0x1C000] =	vst v63  }
0x398: {  	_ =	swait.ge [sflag:s19], $0x4000  }
0x399: {  	s30 =	sld [smem:$0x7E2]  }
0x39a: {  	[sflag:s19] =	ssyncset.done $0x0  }
0x39b: {  	[sflag:s19] =	ssyncadd.s32 $0xFFFFC000  }
0x39c: {  	[hbm4b:s30+s2] =	stream.linear.scatter [tilespmem:s13], [sflag:$0xB], $0x4000, $0x38;
	[tilespmem:$0x1C000] =	vst v63  }
0x39d: {  	_ =	swait.ge [sflag:s12], $0x4000  }
0x39e: {  	s1 =	sld [smem:$0x7E3]  }
0x39f: {  	[sflag:s12] =	ssyncset.done $0x0  }
0x3a0: {  	[sflag:s12] =	ssyncadd.s32 $0xFFFFC000  }
0x3a1: {  	[tilespmem:s17], [sflag:$0x3] =	stream.linear.gather [hbm4b:s1+s2], $0x4000, $0x38;
	[tilespmem:$0x1C000] =	vst v63  }
0x3a2: {  	_ =	swait.ge [sflag:s18], $0x4000  }
0x3a3: {  	s3 =	sld [smem:$0x7E5]  }
0x3a4: {  	[sflag:s18] =	ssyncset.done $0x0  }
0x3a5: {  	[sflag:s18] =	ssyncadd.s32 $0xFFFFC000  }
0x3a6: {  	[hbm4b:s3+s2] =	stream.linear.scatter [tilespmem:s25], [sflag:$0xC], $0x4000, $0x38;
	[tilespmem:$0x1C000] =	vst v63  }
0x3a7: {  	_ =	swait.ge [sflag:s10], $0x4000  }
0x3a8: {  	s6 =	sld [smem:$0x7E7]  }
0x3a9: {  	[sflag:s10] =	ssyncset.done $0x0  }
0x3aa: {  	[sflag:s10] =	ssyncadd.s32 $0xFFFFC000  }
0x3ab: {  	[tilespmem:s15], [sflag:$0x4] =	stream.linear.gather [hbm4b:s6+s2], $0x4000, $0x38;
	[tilespmem:$0x1C000] =	vst v63  }
0x3ac: {  	_ =	swait.ge [sflag:s26], $0x4000  }
0x3ad: {  	[sflag:s26] =	ssyncset.done $0x0  }
0x3ae: {  	[sflag:s26] =	ssyncadd.s32 $0xFFFFC000  }
0x3af: {  	[hbm4b:s31+s2] =	stream.linear.scatter [tilespmem:s24], [sflag:$0x7], $0x4000, $0x38;
	[tilespmem:$0x1C000] =	vst v63  }
0x3b0: {  	_ =	swait.ge [sflag:s8], $0x4000  }
0x3b1: {  	s9 =	sld [smem:$0x7E8]  }
0x3b2: {  	[sflag:s8] =	ssyncset.done $0x0  }
0x3b3: {  	[sflag:s8] =	ssyncadd.s32 $0xFFFFC000  }
0x3b4: {  	[tilespmem:s13], [sflag:$0x5] =	stream.linear.gather [hbm4b:s9+s2], $0x4000, $0x38;
	[tilespmem:$0x1C000] =	vst v63  }
0x3b5: {  	_ =	swait.ge [sflag:s23], $0x4000  }
0x3b6: {  	s16 =	sld [smem:$0x7E9]  }
0x3b7: {  	[sflag:s23] =	ssyncset.done $0x0  }
0x3b8: {  	[sflag:s23] =	ssyncadd.s32 $0xFFFFC000  }
0x3b9: {  	[hbm4b:s16+s2] =	stream.linear.scatter [tilespmem:s20], [sflag:$0x8], $0x4000, $0x38;
	[tilespmem:$0x1C000] =	vst v63  }
0x3ba: {  	_ =	swait.ge [sflag:s7], $0x4000  }
0x3bb: {  	s24 =	sld [smem:$0x7EA]  }
0x3bc: {  	[sflag:s7] =	ssyncset.done $0x0  }
0x3bd: {  	[sflag:s7] =	ssyncadd.s32 $0xFFFFC000  }
0x3be: {  	[tilespmem:s25], [sflag:$0x6] =	stream.linear.gather [hbm4b:s24+s2], $0x4000, $0x38;
	[tilespmem:$0x1C000] =	vst v63  }
0x3bf: {  	_ =	swait.ge [sflag:s22], $0x4000  }
0x3c0: {  	s26 =	sld [smem:$0x7EB]  }
0x3c1: {  	[sflag:s22] =	ssyncset.done $0x0  }
0x3c2: {  	[sflag:s22] =	ssyncadd.s32 $0xFFFFC000  }
0x3c3: {  	[hbm4b:s26+s2] =	stream.linear.scatter [tilespmem:s17], [sflag:$0x9], $0x4000, $0x38;
	[tilespmem:$0x1C000] =	vst v63  }
0x3c4: {  	_ =	swait.ge [sflag:s21], $0x4000  }
0x3c5: {  	s28 =	sld [smem:$0x7EC]  }
0x3c6: {  	[sflag:s21] =	ssyncset.done $0x0  }
0x3c7: {  	[sflag:s21] =	ssyncadd.s32 $0xFFFFC000  }
0x3c8: {  	[hbm4b:s28+s2] =	stream.linear.scatter [tilespmem:s15], [sflag:$0xA], $0x4000, $0x38;
	[tilespmem:$0x1C000] =	vst v63  }
0x3c9: {  	_ =	swait.ge [sflag:s19], $0x4000  }
0x3ca: {  	s29 =	sld [smem:$0x7ED]  }
0x3cb: {  	[sflag:s19] =	ssyncset.done $0x0  }
0x3cc: {  	[sflag:s19] =	ssyncadd.s32 $0xFFFFC000  }
0x3cd: {  	[hbm4b:s29+s2] =	stream.linear.scatter [tilespmem:s13], [sflag:$0xB], $0x4000, $0x38;
	[tilespmem:$0x1C000] =	vst v63  }
0x3ce: {  	_ =	swait.ge [sflag:s18], $0x4000  }
0x3cf: {  	s30 =	sld [smem:$0x7EE]  }
0x3d0: {  	[sflag:s18] =	ssyncset.done $0x0  }
0x3d1: {  	[sflag:s18] =	ssyncadd.s32 $0xFFFFC000  }
0x3d2: {  	[hbm4b:s30+s2] =	stream.linear.scatter [tilespmem:s25], [sflag:$0xC], $0x4000, $0x38;
	[tilespmem:$0x1C000] =	vst v63  }
0x3d3: {  	_ =	swait.ge [sflag:s11], $0x4000  }
0x3d4: {  	[sflag:s11] =	ssyncset.done $0x0  }
0x3d5: {  	[sflag:s11] =	ssyncadd.s32 $0xFFFFC000  }
0x3d6: {  	_ =	swait.ge [sflag:s14], $0x4000  }
0x3d7: {  	[sflag:s14] =	ssyncset.done $0x0  }
0x3d8: {  	[sflag:s14] =	ssyncadd.s32 $0xFFFFC000  }
0x3d9: {  	_ =	swait.ge [sflag:s12], $0x4000  }
0x3da: {  	[sflag:s12] =	ssyncset.done $0x0  }
0x3db: {  	[sflag:s12] =	ssyncadd.s32 $0xFFFFC000  }
0x3dc: {  	_ =	swait.ge [sflag:s10], $0x4000  }
0x3dd: {  	[sflag:s10] =	ssyncset.done $0x0  }
0x3de: {  	[sflag:s10] =	ssyncadd.s32 $0xFFFFC000  }
0x3df: {  	_ =	swait.ge [sflag:s8], $0x4000  }
0x3e0: {  	[sflag:s8] =	ssyncset.done $0x0  }
0x3e1: {  	[sflag:s8] =	ssyncadd.s32 $0xFFFFC000  }
0x3e2: {  	_ =	swait.ge [sflag:s7], $0x4000  }
0x3e3: {  	[sflag:s7] =	ssyncset.done $0x0  }
0x3e4: {  	[sflag:s7] =	ssyncadd.s32 $0xFFFFC000  }
0x3e5: {  	_ =	swait.ge [sflag:s5], $0x2000  }
0x3e6: {  	[sflag:s5] =	ssyncset.done $0x0  }
0x3e7: {  	[sflag:s5] =	ssyncadd.s32 $0xFFFFE000  }
0x3e8: {  	_ =	swait.ge [sflag:s4], $0x2000  }
0x3e9: {  	[sflag:s4] =	ssyncset.done $0x0  }
0x3ea: {  	[sflag:s4] =	ssyncadd.s32 $0xFFFFE000  }
0x3eb: {  	_ =	sfence.sel $0x180000  }
0x3ec: {  	[bflag:$0x0] =	sbarrier.arrive $0xFFFF  }
0x3ed: {  	_ =	strace $0x90000047  }
0x3ee: {  	s31 =	stileid.u32;
	[bflag:$0x2] =	sbarrier.arrive $0xFFFF  }
0x3ef: {  	p0 =	sne.s32 s31, $0x0;
	s0 =	rddreg [dreg:$0x3]  }
0x3f0: {  	s0 =	sadd.s32 @!p0 $0x100000, s0  }
0x3f1: {  	[sflag:s0] =	ssyncadd.tile.s32 @!p0 $0x1;
	_ =	shalt  }
.LBB2_2:
.Ltmp3:
0x3f2: {  	(pc) =	sbr.rel .LBB2_5-.Ltmp3, $4  }
0x3f3: {  	s31 =	rddreg [dreg:$0x1]  }
0x3f4: {  	s29 =	sld [smem:$0x7D2]  }
0x3f5: {  	s9 =	sld [smem:$0x7D3]  }
0x3f6: {  	s16 =	simm.s32 $0x2000;
	s28 =	sld [smem:$0x7CD]  }
.Lfunc_end2:
_tile_overlayer_lowered:
.L_overlay_start_2:
0x3f7: {  	(tag) =	ssettag $0x2  }
0x3f8: {  	s0 =	rddreg [dreg:$0x0];
	s2 =	stileid.u32  }
0x3f9: {  	s1 =	rddreg [dreg:$0x1];
	p0 =	sne.s32 s2, $0x0  }
0x3fa: {  	s3 =	rddreg [dreg:$0x2];
	[bflag:$0x3] =	sbarrier.arrive $0xFFFF;
	s2 =	simm.s32 @!p0 $0x1C0F  }
0x3fb: {  	[timem:s3], [sflag:s2] =	dma.local @!p0 [hbm:s0], s1  }
0x3fc: {  	s0 =	simm.s32 @!p0 $0xF  }
0x3fd: {  	_ =	swait.ge @!p0 [sflag:s0], s1  }
0x3fe: {  	s1 =	ssub.s32 @!p0 $0x0, s1;
	[sflag:s0] =	ssyncset.done @!p0 $0x0  }
0x3ff: {  	[sflag:s0] =	ssyncadd.s32 @!p0 s1  }
0x400: {  	[bflag:$0x3] =	sbarrier.arrive $0xFFFF  }
0x401: {  	_ =	shalt  }

</sc_bundles>
